<compile_context>
chip_gen: v7x
topology: tpu7x:2x2x1
jax: 0.10.2.dev20260603
libtpu: 0.0.44.dev20260713+nightly
codegen_flags: <defaults>
</compile_context>

<pallas_src>
import functools

import jax
import jax.numpy as jnp
from jax import lax
from jax.experimental import pallas as pl
from jax.experimental.pallas import tpu as pltpu
from jax.experimental.pallas import tpu_sc as plsc

N_PIX = 16 * 512 * 512
R2D, C2D = 8192, 512
BR = 1024
NB = R2D // BR
K_COUNT = int(N_PIX * 10 / 100)
EPSILON = 3.1

NW = 32
CHR = 32
CH = CHR * C2D
H1 = 65536
H2 = 32768

_sc_mesh = plsc.VectorSubcoreMesh(core_axis_name="c", subcore_axis_name="s")
_sc_params = pltpu.CompilerParams(needs_layout_passes=False,
                                  use_tc_tiling_on_sc=True)


def _k1_body(p_ref, g_ref, sums_ref, acc_ref):
    b = pl.program_id(0)

    @pl.when(b == 0)
    def _():
        acc_ref[0] = 0.0
        acc_ref[1] = 0.0
        acc_ref[2] = 0.0

    p = p_ref[...]
    g = g_ref[...]
    acc_ref[0] += jnp.sum(p * g)
    acc_ref[1] += jnp.sum(p)
    acc_ref[2] += jnp.sum(g)

    @pl.when(b == NB - 1)
    def _():
        row = lax.broadcasted_iota(jnp.int32, (8, 128), 0)
        lane = lax.broadcasted_iota(jnp.int32, (8, 128), 1)
        v = jnp.where((row == 0) & (lane == 0), acc_ref[0], 0.0)
        v = jnp.where((row == 0) & (lane == 1), acc_ref[1], v)
        v = jnp.where((row == 0) & (lane == 2), acc_ref[2], v)
        sums_ref[...] = v


def _sc_hist1(p_hbm, g_hbm, hist_hbm, h_v):
    cid = lax.axis_index("c")
    sid = lax.axis_index("s")
    wid = sid * 2 + cid

    zeros = jnp.zeros((16,), jnp.int32)

    @plsc.parallel_loop(0, H1 // 128, unroll=4)
    def _(i):
        for j in range(8):
            h_v[i, pl.ds(j * 16, 16)] = zeros

    one_f = jnp.full((16,), 1.0, jnp.float32)
    ones = jnp.full((16,), 1, jnp.int32)
    lmask = jnp.full((16,), 127, jnp.int32)

    def body(p_v, g_v):
        @plsc.parallel_loop(0, CH, step=16, unroll=8)
        def _(i):
            r = i >> 9
            c = i & (C2D - 1)
            p = p_v[r, pl.ds(c, 16)]
            g = g_v[r, pl.ds(c, 16)]
            q = jnp.where(g == one_f, p, one_f - p)
            bits = plsc.bitcast(q, jnp.int32)
            idx = lax.shift_right_logical(bits, 15)
            plsc.addupdate_scatter(
                h_v, [lax.shift_right_logical(idx, 7), idx & lmask], ones)

    pltpu.emit_pipeline(
        body,
        grid=(R2D // CHR,),
        in_specs=[pl.BlockSpec((CHR, C2D), lambda i: (i, 0)),
                  pl.BlockSpec((CHR, C2D), lambda i: (i, 0))],
        core_axis_name=("c", "s"),
        dimension_semantics=(pltpu.PARALLEL,),
    )(p_hbm, g_hbm)
    pltpu.sync_copy(h_v, hist_hbm.at[wid])


def _sc_hist2(p_hbm, g_hbm, b1_hbm, hist_hbm, h_v, b_v):
    cid = lax.axis_index("c")
    sid = lax.axis_index("s")
    wid = sid * 2 + cid

    zeros = jnp.zeros((16,), jnp.int32)

    @plsc.parallel_loop(0, H2 // 128, unroll=4)
    def _(i):
        for j in range(8):
            h_v[i, pl.ds(j * 16, 16)] = zeros

    pltpu.sync_copy(b1_hbm.at[0, pl.ds(0, 16)], b_v)
    hb = b_v[...]
    one_f = jnp.full((16,), 1.0, jnp.float32)
    ones = jnp.full((16,), 1, jnp.int32)
    lmask = jnp.full((16,), 127, jnp.int32)
    mmask = jnp.full((16,), 255, jnp.int32)

    def body(p_v, g_v):
        @plsc.parallel_loop(0, CH, step=16, unroll=8)
        def _(i):
            r = i >> 9
            c = i & (C2D - 1)
            p = p_v[r, pl.ds(c, 16)]
            g = g_v[r, pl.ds(c, 16)]
            q = jnp.where(g == one_f, p, one_f - p)
            bits = plsc.bitcast(q, jnp.int32)
            hi = lax.shift_right_logical(bits, 15)
            low = lax.shift_right_logical(bits, 7) & mmask
            plsc.addupdate_scatter(
                h_v, [low, bits & lmask], ones, mask=hi == hb)

    pltpu.emit_pipeline(
        body,
        grid=(R2D // CHR,),
        in_specs=[pl.BlockSpec((CHR, C2D), lambda i: (i, 0)),
                  pl.BlockSpec((CHR, C2D), lambda i: (i, 0))],
        core_axis_name=("c", "s"),
        dimension_semantics=(pltpu.PARALLEL,),
    )(p_hbm, g_hbm)
    pltpu.sync_copy(h_v, hist_hbm.at[wid])


def _search(h_ref, nbuckets, target):
    rows = nbuckets // 128
    h = h_ref[0]
    for i in range(1, NW):
        h = h + h_ref[i]
    flat = (lax.broadcasted_iota(jnp.int32, (rows, 128), 0) * 128
            + lax.broadcasted_iota(jnp.int32, (rows, 128), 1))

    def step(_, lohi):
        lo, hi = lohi
        mid = (lo + hi) // 2
        s = jnp.sum(jnp.where(flat <= mid, h, 0))
        return (jnp.where(s >= target, lo, mid + 1),
                jnp.where(s >= target, mid, hi))

    nbits = nbuckets.bit_length() - 1
    lo, _ = lax.fori_loop(0, nbits, step,
                          (jnp.int32(0), jnp.int32(nbuckets - 1)))
    below = jnp.sum(jnp.where(flat < lo, h, 0))
    return lo, below


def _scan1_body(h_ref, out_ref):
    bkt, below = _search(h_ref, H1, jnp.int32(K_COUNT))
    row = lax.broadcasted_iota(jnp.int32, (8, 128), 0)
    out = jnp.where(row == 0, bkt, 0)
    out = jnp.where(row == 1, below, out)
    out_ref[...] = out


def _k5_body(sums_ref, b1n_ref, h2_ref, p_ref, g_ref, out_ref, st_ref,
             fa_ref):
    b = pl.program_id(0)
    row = lax.broadcasted_iota(jnp.int32, (8, 128), 0)

    @pl.when(b == 0)
    def _():
        pv = b1n_ref[...]
        prev_b = jnp.sum(jnp.where(row == 0, pv, 0)) // 128
        prev_below = jnp.sum(jnp.where(row == 1, pv, 0)) // 128
        bkt, below = _search(h2_ref, H2, K_COUNT - prev_below)
        st_ref[0] = prev_b * H2 + bkt
        st_ref[1] = prev_below + below
        fa_ref[0] = 0.0

    tbits = st_ref[0]
    n_less = st_ref[1]

    p = p_ref[...]
    g = g_ref[...]
    q = jnp.where(g == 1.0, p, 1.0 - p)
    bits = lax.bitcast_convert_type(q, jnp.int32)
    bce = -jnp.maximum(jnp.log(q), -100.0)
    poly = bce + (1.0 - q) * EPSILON
    fa_ref[0] += jnp.sum(jnp.where(bits < tbits, poly, 0.0))

    @pl.when(b == NB - 1)
    def _():
        lane = lax.broadcasted_iota(jnp.int32, (8, 128), 1)
        s = sums_ref[...]
        inter = jnp.sum(jnp.where((row == 0) & (lane == 0), s, 0.0))
        sum_p = jnp.sum(jnp.where((row == 0) & (lane == 1), s, 0.0))
        sum_g = jnp.sum(jnp.where((row == 0) & (lane == 2), s, 0.0))
        dice = 1.0 - (2.0 * inter + 1.0) / (sum_p + sum_g + 1.0)

        tq = lax.bitcast_convert_type(
            jnp.full((8, 128), tbits, jnp.int32), jnp.float32)
        bce_t = -jnp.maximum(jnp.log(tq), -100.0)
        poly_t = bce_t + (1.0 - jnp.exp(-bce_t)) * EPSILON
        total = fa_ref[0] + (K_COUNT - n_less).astype(jnp.float32) * poly_t
        out_ref[...] = dice + total / jnp.float32(K_COUNT)


def kernel(preds, gt_masks):
    pf = preds.reshape(R2D, C2D)
    gf = gt_masks.reshape(R2D, C2D)

    sums = pl.pallas_call(
        _k1_body,
        grid=(NB,),
        in_specs=[
            pl.BlockSpec((BR, C2D), lambda b: (b, 0)),
            pl.BlockSpec((BR, C2D), lambda b: (b, 0)),
        ],
        out_specs=pl.BlockSpec((8, 128), lambda b: (0, 0)),
        out_shape=jax.ShapeDtypeStruct((8, 128), jnp.float32),
        scratch_shapes=[pltpu.SMEM((4,), jnp.float32)],
        compiler_params=pltpu.CompilerParams(
            dimension_semantics=("arbitrary",)),
    )(pf, gf)

    hist1 = functools.partial(
        pl.kernel,
        out_type=jax.ShapeDtypeStruct((NW, H1 // 128, 128), jnp.int32),
        mesh=_sc_mesh,
        scratch_types=[pltpu.VMEM((H1 // 128, 128), jnp.int32)],
        compiler_params=_sc_params,
    )(_sc_hist1)(pf, gf)

    b1n = pl.pallas_call(
        _scan1_body,
        grid=(1,),
        in_specs=[pl.BlockSpec((NW, H1 // 128, 128), lambda b: (0, 0, 0))],
        out_specs=pl.BlockSpec((8, 128), lambda b: (0, 0)),
        out_shape=jax.ShapeDtypeStruct((8, 128), jnp.int32),
        compiler_params=pltpu.CompilerParams(
            dimension_semantics=("arbitrary",)),
    )(hist1)

    hist2 = functools.partial(
        pl.kernel,
        out_type=jax.ShapeDtypeStruct((NW, H2 // 128, 128), jnp.int32),
        mesh=_sc_mesh,
        scratch_types=[
            pltpu.VMEM((H2 // 128, 128), jnp.int32),
            pltpu.VMEM((16,), jnp.int32),
        ],
        compiler_params=_sc_params,
    )(_sc_hist2)(pf, gf, b1n)

    out = pl.pallas_call(
        _k5_body,
        grid=(NB,),
        in_specs=[
            pl.BlockSpec((8, 128), lambda b: (0, 0)),
            pl.BlockSpec((8, 128), lambda b: (0, 0)),
            pl.BlockSpec((NW, H2 // 128, 128), lambda b: (0, 0, 0)),
            pl.BlockSpec((BR, C2D), lambda b: (b, 0)),
            pl.BlockSpec((BR, C2D), lambda b: (b, 0)),
        ],
        out_specs=pl.BlockSpec((8, 128), lambda b: (0, 0)),
        out_shape=jax.ShapeDtypeStruct((8, 128), jnp.float32),
        scratch_shapes=[
            pltpu.SMEM((2,), jnp.int32),
            pltpu.SMEM((2,), jnp.float32),
        ],
        compiler_params=pltpu.CompilerParams(
            dimension_semantics=("arbitrary",)),
    )(sums, b1n, hist2, pf, gf)

    return out[0, 0]

# --- scband reference (transcript-rebuilt; emitter-appended) ---
"""Pipeline reference for scband-dicepoly-topk-48034914238680 (READ-ONLY COPY).

The authoritative reference and input builder live on the scoring server;
editing this copy changes nothing except your own understanding.
"""

import jax, jax.numpy as jnp
import numpy as np


def setup_inputs(seed: int = 0) -> dict:
    key = jax.random.key(seed)
    k1, k2 = jax.random.split(key)
    # preds are probabilities in (0, 1); keep strictly inside to avoid log(0)
    preds = jax.random.uniform(k1, (16, 1, 512, 512), dtype=jnp.float32,
                               minval=1e-6, maxval=1.0 - 1e-6)
    # ground-truth binary masks (0/1 floats)
    gt_masks = jnp.round(jax.random.uniform(k2, (16, 1, 512, 512), dtype=jnp.float32))
    return {"preds": preds, "gt_masks": gt_masks}


def _soft_dice_loss(preds, gt_masks):
    smooth = 1.0
    i_flat = preds.reshape(-1)
    t_flat = gt_masks.reshape(-1)
    intersection = jnp.sum(i_flat * t_flat)
    return 1.0 - (2.0 * intersection + smooth) / (jnp.sum(i_flat) + jnp.sum(t_flat) + smooth)


def _poly_topk_loss(preds, gt_masks):
    k = 10
    epsilon = 3.1
    # BCELoss(reduction='none'); torch clamps log terms at -100
    log_p = jnp.clip(jnp.log(preds), -100.0, None)
    log_1mp = jnp.clip(jnp.log(1.0 - preds), -100.0, None)
    bce = -(gt_masks * log_p + (1.0 - gt_masks) * log_1mp)
    pt = jnp.exp(-bce)
    poly1 = bce + (1.0 - pt) * epsilon
    num_pixels = int(np.prod(poly1.shape))
    k_count = int(num_pixels * k / 100)
    vals, _ = jax.lax.top_k(poly1.reshape(-1), k_count)
    return jnp.mean(vals)


def reference(preds, gt_masks):
    dice_loss = _soft_dice_loss(preds, gt_masks)
    polytopk = _poly_topk_loss(preds, gt_masks)
    return dice_loss + polytopk

if __name__ == "__main__":
    import jax
    _d = setup_inputs()
    print(jax.jit(kernel)(*tuple(_d.values())))

</pallas_src>

<mosaic_0001>
#map = affine_map<(d0, d1) -> (0, 0)>
#map1 = affine_map<(d0, d1) -> (0, 0, 0)>
module attributes {stable_mosaic.version = 14 : i64} {
  func.func @_sc_hist2(%arg0: i32, %arg1: i32, %arg2: memref<8192x512xf32, #tpu.memory_space<hbm>>, %arg3: memref<8192x512xf32, #tpu.memory_space<hbm>>, %arg4: memref<8x128xi32, #tpu.memory_space<hbm>>, %arg5: memref<32x256x128xi32, #tpu.memory_space<hbm>>, %arg6: memref<256x128xi32, #tpu.memory_space<vmem>>, %arg7: memref<16xi32, #tpu.memory_space<vmem>>) attributes {dimension_semantics = [#tpu.dimension_semantics<core_parallel>, #tpu.dimension_semantics<subcore_parallel>], iteration_bounds = array<i64: 2, 16>, scalar_prefetch = 0 : i64, scratch_operands = 2 : i64, tpu.core_type = #tpu.core_type<sc_vector_subcore>, window_params = [{transform_indices = #map}, {transform_indices = #map}, {transform_indices = #map}, {transform_indices = #map1}]} {
    %mul3A = arith.constant 2 : i32
    %mul3A_0 = arith.muli %arg1, %mul3A : i32
    %add3A = arith.addi %mul3A_0, %arg0 : i32
    %broadcast_in_dim3A = arith.constant 0 : i32
    %broadcast_in_dim3A_1 = vector.broadcast %broadcast_in_dim3A : i32 to vector<16xi32>
    %parallel_loop3A = arith.constant 0 : i32
    %parallel_loop3A_2 = arith.constant 256 : i32
    %parallel_loop3A_3 = arith.constant 1 : i32
    scf.for %parallel_loop3A_22 = %parallel_loop3A to %parallel_loop3A_2 step %parallel_loop3A_3  : i32 {
      %parallel_loop3A_23 = arith.index_cast %parallel_loop3A_22 : i32 to index
      %parallel_loop3A_24 = arith.constant 0 : index
      %parallel_loop3A_25 = tpu.vector_load %arg6[%parallel_loop3A_23, %parallel_loop3A_24] {strides = array<i32>} : memref<256x128xi32, #tpu.memory_space<vmem>>, vector<16xi32>,
      tpu.vector_store %arg6[%parallel_loop3A_23, %parallel_loop3A_24], %broadcast_in_dim3A_1 {strides = array<i32>} : memref<256x128xi32, #tpu.memory_space<vmem>>, vector<16xi32>,
      %parallel_loop3A_26 = arith.index_cast %parallel_loop3A_22 : i32 to index
      %parallel_loop3A_27 = arith.constant 16 : index
      %parallel_loop3A_28 = tpu.vector_load %arg6[%parallel_loop3A_26, %parallel_loop3A_27] {strides = array<i32>} : memref<256x128xi32, #tpu.memory_space<vmem>>, vector<16xi32>,
      tpu.vector_store %arg6[%parallel_loop3A_26, %parallel_loop3A_27], %broadcast_in_dim3A_1 {strides = array<i32>} : memref<256x128xi32, #tpu.memory_space<vmem>>, vector<16xi32>,
      %parallel_loop3A_29 = arith.index_cast %parallel_loop3A_22 : i32 to index
      %parallel_loop3A_30 = arith.constant 32 : index
      %parallel_loop3A_31 = tpu.vector_load %arg6[%parallel_loop3A_29, %parallel_loop3A_30] {strides = array<i32>} : memref<256x128xi32, #tpu.memory_space<vmem>>, vector<16xi32>,
      tpu.vector_store %arg6[%parallel_loop3A_29, %parallel_loop3A_30], %broadcast_in_dim3A_1 {strides = array<i32>} : memref<256x128xi32, #tpu.memory_space<vmem>>, vector<16xi32>,
      %parallel_loop3A_32 = arith.index_cast %parallel_loop3A_22 : i32 to index
      %parallel_loop3A_33 = arith.constant 48 : index
      %parallel_loop3A_34 = tpu.vector_load %arg6[%parallel_loop3A_32, %parallel_loop3A_33] {strides = array<i32>} : memref<256x128xi32, #tpu.memory_space<vmem>>, vector<16xi32>,
      tpu.vector_store %arg6[%parallel_loop3A_32, %parallel_loop3A_33], %broadcast_in_dim3A_1 {strides = array<i32>} : memref<256x128xi32, #tpu.memory_space<vmem>>, vector<16xi32>,
      %parallel_loop3A_35 = arith.index_cast %parallel_loop3A_22 : i32 to index
      %parallel_loop3A_36 = arith.constant 64 : index
      %parallel_loop3A_37 = tpu.vector_load %arg6[%parallel_loop3A_35, %parallel_loop3A_36] {strides = array<i32>} : memref<256x128xi32, #tpu.memory_space<vmem>>, vector<16xi32>,
      tpu.vector_store %arg6[%parallel_loop3A_35, %parallel_loop3A_36], %broadcast_in_dim3A_1 {strides = array<i32>} : memref<256x128xi32, #tpu.memory_space<vmem>>, vector<16xi32>,
      %parallel_loop3A_38 = arith.index_cast %parallel_loop3A_22 : i32 to index
      %parallel_loop3A_39 = arith.constant 80 : index
      %parallel_loop3A_40 = tpu.vector_load %arg6[%parallel_loop3A_38, %parallel_loop3A_39] {strides = array<i32>} : memref<256x128xi32, #tpu.memory_space<vmem>>, vector<16xi32>,
      tpu.vector_store %arg6[%parallel_loop3A_38, %parallel_loop3A_39], %broadcast_in_dim3A_1 {strides = array<i32>} : memref<256x128xi32, #tpu.memory_space<vmem>>, vector<16xi32>,
      %parallel_loop3A_41 = arith.index_cast %parallel_loop3A_22 : i32 to index
      %parallel_loop3A_42 = arith.constant 96 : index
      %parallel_loop3A_43 = tpu.vector_load %arg6[%parallel_loop3A_41, %parallel_loop3A_42] {strides = array<i32>} : memref<256x128xi32, #tpu.memory_space<vmem>>, vector<16xi32>,
      tpu.vector_store %arg6[%parallel_loop3A_41, %parallel_loop3A_42], %broadcast_in_dim3A_1 {strides = array<i32>} : memref<256x128xi32, #tpu.memory_space<vmem>>, vector<16xi32>,
      %parallel_loop3A_44 = arith.index_cast %parallel_loop3A_22 : i32 to index
      %parallel_loop3A_45 = arith.constant 112 : index
      %parallel_loop3A_46 = tpu.vector_load %arg6[%parallel_loop3A_44, %parallel_loop3A_45] {strides = array<i32>} : memref<256x128xi32, #tpu.memory_space<vmem>>, vector<16xi32>,
      tpu.vector_store %arg6[%parallel_loop3A_44, %parallel_loop3A_45], %broadcast_in_dim3A_1 {strides = array<i32>} : memref<256x128xi32, #tpu.memory_space<vmem>>, vector<16xi32>,
    } {sc.loop_unroll_factor = 4 : i64, sc.parallel_access}
    %run_scoped3A = arith.constant 0 : i32
    "tpu.region"() ({
      %run_scoped3A_22 = tpu.sem_alloc : memref<!tpu.dma_semaphore, #tpu.memory_space<semaphore_mem>>
      %dma_start3A = arith.constant 0 : i32
      %dma_start3A_23 = tpu.memref_slice %arg4[%run_scoped3A, %dma_start3A] : memref<8x128xi32, #tpu.memory_space<hbm>> -> memref<1x16xi32, #tpu.memory_space<hbm>>
      %dma_start3A_24 = tpu.memref_squeeze %dma_start3A_23 : memref<1x16xi32, #tpu.memory_space<hbm>> -> memref<16xi32, #tpu.memory_space<hbm>>
      %dma_start3A_25 = arith.constant 0 : i32
      %dma_start3A_26 = tpu.memref_slice %arg4[%run_scoped3A, %dma_start3A_25] : memref<8x128xi32, #tpu.memory_space<hbm>> -> memref<1x16xi32, #tpu.memory_space<hbm>>
      %dma_start3A_27 = tpu.memref_squeeze %dma_start3A_26 : memref<1x16xi32, #tpu.memory_space<hbm>> -> memref<16xi32, #tpu.memory_space<hbm>>
      tpu.enqueue_dma source(%dma_start3A_27 : memref<16xi32, #tpu.memory_space<hbm>>) target(%arg7 : memref<16xi32, #tpu.memory_space<vmem>>) target_semaphore(%run_scoped3A_22 : memref<!tpu.dma_semaphore, #tpu.memory_space<semaphore_mem>>)
      %dma_wait3A = arith.constant 0 : i32
      %dma_wait3A_28 = tpu.memref_slice %arg4[%run_scoped3A, %dma_wait3A] : memref<8x128xi32, #tpu.memory_space<hbm>> -> memref<1x16xi32, #tpu.memory_space<hbm>>
      %dma_wait3A_29 = tpu.memref_squeeze %dma_wait3A_28 : memref<1x16xi32, #tpu.memory_space<hbm>> -> memref<16xi32, #tpu.memory_space<hbm>>
      %dma_wait3A_30 = arith.constant 0 : i32
      %dma_wait3A_31 = tpu.memref_slice %arg4[%run_scoped3A, %dma_wait3A_30] : memref<8x128xi32, #tpu.memory_space<hbm>> -> memref<1x16xi32, #tpu.memory_space<hbm>>
      %dma_wait3A_32 = tpu.memref_squeeze %dma_wait3A_31 : memref<1x16xi32, #tpu.memory_space<hbm>> -> memref<16xi32, #tpu.memory_space<hbm>>
      tpu.wait_dma2 semaphore(%run_scoped3A_22 : memref<!tpu.dma_semaphore, #tpu.memory_space<semaphore_mem>>) src(%dma_wait3A_32 : memref<16xi32, #tpu.memory_space<hbm>>) dst(%arg7 : memref<16xi32, #tpu.memory_space<vmem>>)
      tpu.yield
    }) : () -> ()
    %get3A = arith.constant 0 : index
    %get3A_4 = tpu.vector_load %arg7[%get3A] {strides = array<i32>} : memref<16xi32, #tpu.memory_space<vmem>>, vector<16xi32>,
    %broadcast_in_dim3A_5 = arith.constant 1.000000e+00 : f32
    %broadcast_in_dim3A_6 = vector.broadcast %broadcast_in_dim3A_5 : f32 to vector<16xf32>
    %broadcast_in_dim3A_7 = arith.constant 1 : i32
    %broadcast_in_dim3A_8 = vector.broadcast %broadcast_in_dim3A_7 : i32 to vector<16xi32>
    %broadcast_in_dim3A_9 = arith.constant 127 : i32
    %broadcast_in_dim3A_10 = vector.broadcast %broadcast_in_dim3A_9 : i32 to vector<16xi32>
    %broadcast_in_dim3A_11 = arith.constant 255 : i32
    %broadcast_in_dim3A_12 = vector.broadcast %broadcast_in_dim3A_11 : i32 to vector<16xi32>
    %mul3A_13 = arith.constant 1 : i32
    %mul3A_14 = arith.muli %arg1, %mul3A_13 : i32
    %add3A_15 = arith.constant 0 : i32
    %add3A_16 = arith.addi %add3A_15, %mul3A_14 : i32
    %mul3A_17 = arith.constant 16 : i32
    %mul3A_18 = arith.muli %arg0, %mul3A_17 : i32
    %add3A_19 = arith.addi %add3A_16, %mul3A_18 : i32
    %mul3A_20 = arith.constant 8 : i32
    %mul3A_21 = arith.muli %add3A_19, %mul3A_20 : i32
    "tpu.region"() ({
      %run_scoped3A_22 = memref.alloca() : memref<2x32x512xf32, #tpu.memory_space<vmem>>
      %run_scoped3A_23 = tpu.sem_alloc : memref<2x!tpu.dma_semaphore, #tpu.memory_space<semaphore_mem>>
      %run_scoped3A_24 = memref.alloca() : memref<2x32x512xf32, #tpu.memory_space<vmem>>
      %run_scoped3A_25 = tpu.sem_alloc : memref<2x!tpu.dma_semaphore, #tpu.memory_space<semaphore_mem>>
      %add3A_26 = arith.constant 0 : i32
      %add3A_27 = arith.addi %add3A_26, %mul3A_21 : i32
      %select_n3A = arith.constant true
      %select_n3A_28 = arith.constant 0 : i32
      %select_n3A_29 = arith.constant -1 : i32
      %select_n3A_30 = arith.select %select_n3A, %select_n3A_29, %select_n3A_28 : i32
      %eq3A = arith.constant -1 : i32
      %eq3A_31 = arith.cmpi eq, %select_n3A_30, %eq3A : i32
      %select_n3A_32 = arith.constant 7 : i32
      %select_n3A_33 = arith.select %eq3A_31, %select_n3A_32, %select_n3A_30 : i32
      %add3A_34 = arith.addi %select_n3A_33, %mul3A_21 : i32
      %select_n3A_35 = arith.constant true
      %select_n3A_36 = arith.constant 0 : i32
      %select_n3A_37 = arith.constant 1 : i32
      %select_n3A_38 = arith.select %select_n3A_35, %select_n3A_37, %select_n3A_36 : i32
      %eq3A_39 = arith.constant 8 : i32
      %eq3A_40 = arith.cmpi eq, %select_n3A_38, %eq3A_39 : i32
      %select_n3A_41 = arith.constant 0 : i32
      %select_n3A_42 = arith.select %eq3A_40, %select_n3A_41, %select_n3A_38 : i32
      %add3A_43 = arith.addi %select_n3A_42, %mul3A_21 : i32
      %add3A_44 = arith.constant 1 : i32
      %add3A_45 = arith.addi %select_n3A_42, %add3A_44 : i32
      %select_n3A_46 = arith.constant true
      %select_n3A_47 = arith.select %select_n3A_46, %add3A_45, %select_n3A_42 : i32
      %eq3A_48 = arith.constant 8 : i32
      %eq3A_49 = arith.cmpi eq, %select_n3A_47, %eq3A_48 : i32
      %select_n3A_50 = arith.constant 0 : i32
      %select_n3A_51 = arith.select %eq3A_49, %select_n3A_50, %select_n3A_47 : i32
      %add3A_52 = arith.addi %select_n3A_51, %mul3A_21 : i32
      "tpu.trace_start"() <{level = 10 : i32, message = "ep_initialize_0"}> : () -> ()
      %rem3A = arith.constant 0 : i32
      %rem3A_53 = arith.constant 2 : i32
      %rem3A_54 = arith.remui %rem3A, %rem3A_53 : i32
      %mul3A_55 = arith.constant 32 : i32
      %mul3A_56 = arith.muli %mul3A_55, %add3A_27 : i32
      %dma_start3A = arith.constant 0 : i32
      %dma_start3A_57 = arith.constant 0 : i32
      %dma_start3A_58 = tpu.memref_slice %run_scoped3A_22[%rem3A_54, %dma_start3A, %dma_start3A_57] : memref<2x32x512xf32, #tpu.memory_space<vmem>> -> memref<1x32x512xf32, #tpu.memory_space<vmem>>
      %dma_start3A_59 = tpu.memref_squeeze %dma_start3A_58 : memref<1x32x512xf32, #tpu.memory_space<vmem>> -> memref<32x512xf32, #tpu.memory_space<vmem>>
      %dma_start3A_60 = arith.constant 0 : i32
      %dma_start3A_61 = tpu.memref_slice %arg2[%mul3A_56, %dma_start3A_60] : memref<8192x512xf32, #tpu.memory_space<hbm>> -> memref<32x512xf32, #tpu.memory_space<hbm>>
      %dma_start3A_62 = tpu.memref_slice %run_scoped3A_23[%rem3A_54] : memref<2x!tpu.dma_semaphore, #tpu.memory_space<semaphore_mem>> -> memref<1x!tpu.dma_semaphore, #tpu.memory_space<semaphore_mem>>
      %dma_start3A_63 = tpu.memref_squeeze %dma_start3A_62 : memref<1x!tpu.dma_semaphore, #tpu.memory_space<semaphore_mem>> -> memref<!tpu.dma_semaphore, #tpu.memory_space<semaphore_mem>>
      %dma_start3A_64 = arith.constant 0 : i32
      %dma_start3A_65 = arith.constant 0 : i32
      %dma_start3A_66 = tpu.memref_slice %run_scoped3A_22[%rem3A_54, %dma_start3A_64, %dma_start3A_65] : memref<2x32x512xf32, #tpu.memory_space<vmem>> -> memref<1x32x512xf32, #tpu.memory_space<vmem>>
      %dma_start3A_67 = tpu.memref_squeeze %dma_start3A_66 : memref<1x32x512xf32, #tpu.memory_space<vmem>> -> memref<32x512xf32, #tpu.memory_space<vmem>>
      %dma_start3A_68 = arith.constant 0 : i32
      %dma_start3A_69 = tpu.memref_slice %arg2[%mul3A_56, %dma_start3A_68] : memref<8192x512xf32, #tpu.memory_space<hbm>> -> memref<32x512xf32, #tpu.memory_space<hbm>>
      tpu.enqueue_dma source(%dma_start3A_69 : memref<32x512xf32, #tpu.memory_space<hbm>>) target(%dma_start3A_67 : memref<32x512xf32, #tpu.memory_space<vmem>>) target_semaphore(%dma_start3A_63 : memref<!tpu.dma_semaphore, #tpu.memory_space<semaphore_mem>>)
      %add3A_70 = arith.constant 0 : i32
      %add3A_71 = arith.constant 1 : i32
      %add3A_72 = arith.addi %add3A_70, %add3A_71 : i32
      %select_n3A_73 = arith.constant true
      %select_n3A_74 = arith.constant 0 : i32
      %select_n3A_75 = arith.select %select_n3A_73, %add3A_72, %select_n3A_74 : i32
      %rem3A_76 = arith.constant 0 : i32
      %rem3A_77 = arith.constant 2 : i32
      %rem3A_78 = arith.remui %rem3A_76, %rem3A_77 : i32
      %mul3A_79 = arith.constant 32 : i32
      %mul3A_80 = arith.muli %mul3A_79, %add3A_27 : i32
      %dma_start3A_81 = arith.constant 0 : i32
      %dma_start3A_82 = arith.constant 0 : i32
      %dma_start3A_83 = tpu.memref_slice %run_scoped3A_24[%rem3A_78, %dma_start3A_81, %dma_start3A_82] : memref<2x32x512xf32, #tpu.memory_space<vmem>> -> memref<1x32x512xf32, #tpu.memory_space<vmem>>
      %dma_start3A_84 = tpu.memref_squeeze %dma_start3A_83 : memref<1x32x512xf32, #tpu.memory_space<vmem>> -> memref<32x512xf32, #tpu.memory_space<vmem>>
      %dma_start3A_85 = arith.constant 0 : i32
      %dma_start3A_86 = tpu.memref_slice %arg3[%mul3A_80, %dma_start3A_85] : memref<8192x512xf32, #tpu.memory_space<hbm>> -> memref<32x512xf32, #tpu.memory_space<hbm>>
      %dma_start3A_87 = tpu.memref_slice %run_scoped3A_25[%rem3A_78] : memref<2x!tpu.dma_semaphore, #tpu.memory_space<semaphore_mem>> -> memref<1x!tpu.dma_semaphore, #tpu.memory_space<semaphore_mem>>
      %dma_start3A_88 = tpu.memref_squeeze %dma_start3A_87 : memref<1x!tpu.dma_semaphore, #tpu.memory_space<semaphore_mem>> -> memref<!tpu.dma_semaphore, #tpu.memory_space<semaphore_mem>>
      %dma_start3A_89 = arith.constant 0 : i32
      %dma_start3A_90 = arith.constant 0 : i32
      %dma_start3A_91 = tpu.memref_slice %run_scoped3A_24[%rem3A_78, %dma_start3A_89, %dma_start3A_90] : memref<2x32x512xf32, #tpu.memory_space<vmem>> -> memref<1x32x512xf32, #tpu.memory_space<vmem>>
      %dma_start3A_92 = tpu.memref_squeeze %dma_start3A_91 : memref<1x32x512xf32, #tpu.memory_space<vmem>> -> memref<32x512xf32, #tpu.memory_space<vmem>>
      %dma_start3A_93 = arith.constant 0 : i32
      %dma_start3A_94 = tpu.memref_slice %arg3[%mul3A_80, %dma_start3A_93] : memref<8192x512xf32, #tpu.memory_space<hbm>> -> memref<32x512xf32, #tpu.memory_space<hbm>>
      tpu.enqueue_dma source(%dma_start3A_94 : memref<32x512xf32, #tpu.memory_space<hbm>>) target(%dma_start3A_92 : memref<32x512xf32, #tpu.memory_space<vmem>>) target_semaphore(%dma_start3A_88 : memref<!tpu.dma_semaphore, #tpu.memory_space<semaphore_mem>>)
      %add3A_95 = arith.constant 0 : i32
      %add3A_96 = arith.constant 1 : i32
      %add3A_97 = arith.addi %add3A_95, %add3A_96 : i32
      %select_n3A_98 = arith.constant true
      %select_n3A_99 = arith.constant 0 : i32
      %select_n3A_100 = arith.select %select_n3A_98, %add3A_97, %select_n3A_99 : i32
      "tpu.trace_stop"() : () -> ()
      %scan3A = arith.constant 0 : i32
      %scan3A_101 = arith.constant 0 : i32
      %scan3A_102 = arith.constant 0 : i32
      %scan3A_103 = arith.constant 0 : i32
      %scan3A_104 = arith.constant 8 : i32
      %scan3A_105 = arith.addi %scan3A_103, %scan3A_104 : i32
      %scan3A_106 = arith.constant 1 : i32
      %scan3A_107:5 = scf.for %scan3A_144 = %scan3A_103 to %scan3A_105 step %scan3A_106 iter_args(%scan3A_145 = %select_n3A_75, %scan3A_146 = %scan3A, %scan3A_147 = %select_n3A_100, %scan3A_148 = %scan3A_101, %scan3A_149 = %scan3A_102) -> (i32, i32, i32, i32, i32)  : i32 {
        %eq3A_150 = arith.constant 0 : i32
        %eq3A_151 = arith.cmpi eq, %scan3A_144, %eq3A_150 : i32
        %eq3A_152 = arith.constant 7 : i32
        %eq3A_153 = arith.cmpi eq, %scan3A_144, %eq3A_152 : i32
        %add3A_154 = arith.addi %scan3A_149, %mul3A_21 : i32
        %sub3A_155 = arith.constant 1 : i32
        %sub3A_156 = arith.subi %scan3A_149, %sub3A_155 : i32
        %select_n3A_157 = arith.constant true
        %select_n3A_158 = arith.select %select_n3A_157, %sub3A_156, %scan3A_149 : i32
        %eq3A_159 = arith.constant -1 : i32
        %eq3A_160 = arith.cmpi eq, %select_n3A_158, %eq3A_159 : i32
        %select_n3A_161 = arith.constant 7 : i32
        %select_n3A_162 = arith.select %eq3A_160, %select_n3A_161, %select_n3A_158 : i32
        %add3A_163 = arith.addi %select_n3A_162, %mul3A_21 : i32
        %add3A_164 = arith.constant 1 : i32
        %add3A_165 = arith.addi %scan3A_149, %add3A_164 : i32
        %select_n3A_166 = arith.constant true
        %select_n3A_167 = arith.select %select_n3A_166, %add3A_165, %scan3A_149 : i32
        %eq3A_168 = arith.constant 8 : i32
        %eq3A_169 = arith.cmpi eq, %select_n3A_167, %eq3A_168 : i32
        %select_n3A_170 = arith.constant 0 : i32
        %select_n3A_171 = arith.select %eq3A_169, %select_n3A_170, %select_n3A_167 : i32
        %add3A_172 = arith.addi %select_n3A_171, %mul3A_21 : i32
        %add3A_173 = arith.constant 1 : i32
        %add3A_174 = arith.addi %select_n3A_171, %add3A_173 : i32
        %select_n3A_175 = arith.constant true
        %select_n3A_176 = arith.select %select_n3A_175, %add3A_174, %select_n3A_171 : i32
        %eq3A_177 = arith.constant 8 : i32
        %eq3A_178 = arith.cmpi eq, %select_n3A_176, %eq3A_177 : i32
        %select_n3A_179 = arith.constant 0 : i32
        %select_n3A_180 = arith.select %eq3A_178, %select_n3A_179, %select_n3A_176 : i32
        %add3A_181 = arith.addi %select_n3A_180, %mul3A_21 : i32
        %ne3A = arith.cmpi ne, %add3A_154, %add3A_172 : i32
        %or3A = arith.constant false
        %or3A_182 = arith.ori %or3A, %ne3A : i1
        %or3A_183 = arith.constant false
        %or3A_184 = arith.ori %or3A_182, %or3A_183 : i1
        %ge3A = arith.constant 7 : i32
        %ge3A_185 = arith.cmpi sge, %scan3A_144, %ge3A : i32
        %not3A = arith.constant true
        %not3A_186 = arith.xori %ge3A_185, %not3A : i1
        %and3A = arith.andi %or3A_184, %not3A_186 : i1
        %convert_element_type3A = arith.extui %and3A : i1 to i32
        %cond3A = arith.constant 0 : i32
        %cond3A_187 = arith.cmpi ne, %convert_element_type3A, %cond3A : i32
        scf.if %cond3A_187 {
          "tpu.trace_start"() <{level = 10 : i32, message = "ep_copy_in"}> : () -> ()
          %rem3A_310 = arith.constant 2 : i32
          %rem3A_311 = arith.remui %scan3A_145, %rem3A_310 : i32
          %mul3A_312 = arith.constant 32 : i32
          %mul3A_313 = arith.muli %mul3A_312, %add3A_172 : i32
          %dma_start3A_314 = arith.constant 0 : i32
          %dma_start3A_315 = arith.constant 0 : i32
          %dma_start3A_316 = tpu.memref_slice %run_scoped3A_22[%rem3A_311, %dma_start3A_314, %dma_start3A_315] : memref<2x32x512xf32, #tpu.memory_space<vmem>> -> memref<1x32x512xf32, #tpu.memory_space<vmem>>
          %dma_start3A_317 = tpu.memref_squeeze %dma_start3A_316 : memref<1x32x512xf32, #tpu.memory_space<vmem>> -> memref<32x512xf32, #tpu.memory_space<vmem>>
          %dma_start3A_318 = arith.constant 0 : i32
          %dma_start3A_319 = tpu.memref_slice %arg2[%mul3A_313, %dma_start3A_318] : memref<8192x512xf32, #tpu.memory_space<hbm>> -> memref<32x512xf32, #tpu.memory_space<hbm>>
          %dma_start3A_320 = tpu.memref_slice %run_scoped3A_23[%rem3A_311] : memref<2x!tpu.dma_semaphore, #tpu.memory_space<semaphore_mem>> -> memref<1x!tpu.dma_semaphore, #tpu.memory_space<semaphore_mem>>
          %dma_start3A_321 = tpu.memref_squeeze %dma_start3A_320 : memref<1x!tpu.dma_semaphore, #tpu.memory_space<semaphore_mem>> -> memref<!tpu.dma_semaphore, #tpu.memory_space<semaphore_mem>>
          %dma_start3A_322 = arith.constant 0 : i32
          %dma_start3A_323 = arith.constant 0 : i32
          %dma_start3A_324 = tpu.memref_slice %run_scoped3A_22[%rem3A_311, %dma_start3A_322, %dma_start3A_323] : memref<2x32x512xf32, #tpu.memory_space<vmem>> -> memref<1x32x512xf32, #tpu.memory_space<vmem>>
          %dma_start3A_325 = tpu.memref_squeeze %dma_start3A_324 : memref<1x32x512xf32, #tpu.memory_space<vmem>> -> memref<32x512xf32, #tpu.memory_space<vmem>>
          %dma_start3A_326 = arith.constant 0 : i32
          %dma_start3A_327 = tpu.memref_slice %arg2[%mul3A_313, %dma_start3A_326] : memref<8192x512xf32, #tpu.memory_space<hbm>> -> memref<32x512xf32, #tpu.memory_space<hbm>>
          tpu.enqueue_dma source(%dma_start3A_327 : memref<32x512xf32, #tpu.memory_space<hbm>>) target(%dma_start3A_325 : memref<32x512xf32, #tpu.memory_space<vmem>>) target_semaphore(%dma_start3A_321 : memref<!tpu.dma_semaphore, #tpu.memory_space<semaphore_mem>>)
          "tpu.trace_stop"() : () -> ()
        } else {
        }
        %and3A_188 = arith.constant true
        %and3A_189 = arith.andi %and3A, %and3A_188 : i1
        %add3A_190 = arith.constant 1 : i32
        %add3A_191 = arith.addi %scan3A_145, %add3A_190 : i32
        %select_n3A_192 = arith.select %and3A_189, %add3A_191, %scan3A_145 : i32
        %ne3A_193 = arith.cmpi ne, %add3A_154, %add3A_172 : i32
        %or3A_194 = arith.constant false
        %or3A_195 = arith.ori %or3A_194, %ne3A_193 : i1
        %or3A_196 = arith.constant false
        %or3A_197 = arith.ori %or3A_195, %or3A_196 : i1
        %ge3A_198 = arith.constant 7 : i32
        %ge3A_199 = arith.cmpi sge, %scan3A_144, %ge3A_198 : i32
        %not3A_200 = arith.constant true
        %not3A_201 = arith.xori %ge3A_199, %not3A_200 : i1
        %and3A_202 = arith.andi %or3A_197, %not3A_201 : i1
        %convert_element_type3A_203 = arith.extui %and3A_202 : i1 to i32
        %cond3A_204 = arith.constant 0 : i32
        %cond3A_205 = arith.cmpi ne, %convert_element_type3A_203, %cond3A_204 : i32
        scf.if %cond3A_205 {
          "tpu.trace_start"() <{level = 10 : i32, message = "ep_copy_in"}> : () -> ()
          %rem3A_310 = arith.constant 2 : i32
          %rem3A_311 = arith.remui %scan3A_147, %rem3A_310 : i32
          %mul3A_312 = arith.constant 32 : i32
          %mul3A_313 = arith.muli %mul3A_312, %add3A_172 : i32
          %dma_start3A_314 = arith.constant 0 : i32
          %dma_start3A_315 = arith.constant 0 : i32
          %dma_start3A_316 = tpu.memref_slice %run_scoped3A_24[%rem3A_311, %dma_start3A_314, %dma_start3A_315] : memref<2x32x512xf32, #tpu.memory_space<vmem>> -> memref<1x32x512xf32, #tpu.memory_space<vmem>>
          %dma_start3A_317 = tpu.memref_squeeze %dma_start3A_316 : memref<1x32x512xf32, #tpu.memory_space<vmem>> -> memref<32x512xf32, #tpu.memory_space<vmem>>
          %dma_start3A_318 = arith.constant 0 : i32
          %dma_start3A_319 = tpu.memref_slice %arg3[%mul3A_313, %dma_start3A_318] : memref<8192x512xf32, #tpu.memory_space<hbm>> -> memref<32x512xf32, #tpu.memory_space<hbm>>
          %dma_start3A_320 = tpu.memref_slice %run_scoped3A_25[%rem3A_311] : memref<2x!tpu.dma_semaphore, #tpu.memory_space<semaphore_mem>> -> memref<1x!tpu.dma_semaphore, #tpu.memory_space<semaphore_mem>>
          %dma_start3A_321 = tpu.memref_squeeze %dma_start3A_320 : memref<1x!tpu.dma_semaphore, #tpu.memory_space<semaphore_mem>> -> memref<!tpu.dma_semaphore, #tpu.memory_space<semaphore_mem>>
          %dma_start3A_322 = arith.constant 0 : i32
          %dma_start3A_323 = arith.constant 0 : i32
          %dma_start3A_324 = tpu.memref_slice %run_scoped3A_24[%rem3A_311, %dma_start3A_322, %dma_start3A_323] : memref<2x32x512xf32, #tpu.memory_space<vmem>> -> memref<1x32x512xf32, #tpu.memory_space<vmem>>
          %dma_start3A_325 = tpu.memref_squeeze %dma_start3A_324 : memref<1x32x512xf32, #tpu.memory_space<vmem>> -> memref<32x512xf32, #tpu.memory_space<vmem>>
          %dma_start3A_326 = arith.constant 0 : i32
          %dma_start3A_327 = tpu.memref_slice %arg3[%mul3A_313, %dma_start3A_326] : memref<8192x512xf32, #tpu.memory_space<hbm>> -> memref<32x512xf32, #tpu.memory_space<hbm>>
          tpu.enqueue_dma source(%dma_start3A_327 : memref<32x512xf32, #tpu.memory_space<hbm>>) target(%dma_start3A_325 : memref<32x512xf32, #tpu.memory_space<vmem>>) target_semaphore(%dma_start3A_321 : memref<!tpu.dma_semaphore, #tpu.memory_space<semaphore_mem>>)
          "tpu.trace_stop"() : () -> ()
        } else {
        }
        %and3A_206 = arith.constant true
        %and3A_207 = arith.andi %and3A_202, %and3A_206 : i1
        %add3A_208 = arith.constant 1 : i32
        %add3A_209 = arith.addi %scan3A_147, %add3A_208 : i32
        %select_n3A_210 = arith.select %and3A_207, %add3A_209, %scan3A_147 : i32
        %ne3A_211 = arith.cmpi ne, %add3A_154, %add3A_163 : i32
        %or3A_212 = arith.constant false
        %or3A_213 = arith.ori %or3A_212, %ne3A_211 : i1
        %or3A_214 = arith.constant false
        %or3A_215 = arith.ori %or3A_213, %or3A_214 : i1
        %or3A_216 = arith.ori %or3A_215, %eq3A_151 : i1
        %convert_element_type3A_217 = arith.extui %or3A_216 : i1 to i32
        %cond3A_218 = arith.constant 0 : i32
        %cond3A_219 = arith.cmpi ne, %convert_element_type3A_217, %cond3A_218 : i32
        scf.if %cond3A_219 {
          "tpu.trace_start"() <{level = 10 : i32, message = "ep_wait_in"}> : () -> ()
          %mul3A_310 = arith.constant 32 : i32
          %mul3A_311 = arith.muli %mul3A_310, %add3A_154 : i32
          %rem3A_312 = arith.constant 2 : i32
          %rem3A_313 = arith.remui %scan3A_146, %rem3A_312 : i32
          %dma_wait3A = arith.constant 0 : i32
          %dma_wait3A_314 = arith.constant 0 : i32
          %dma_wait3A_315 = tpu.memref_slice %run_scoped3A_22[%rem3A_313, %dma_wait3A, %dma_wait3A_314] : memref<2x32x512xf32, #tpu.memory_space<vmem>> -> memref<1x32x512xf32, #tpu.memory_space<vmem>>
          %dma_wait3A_316 = tpu.memref_squeeze %dma_wait3A_315 : memref<1x32x512xf32, #tpu.memory_space<vmem>> -> memref<32x512xf32, #tpu.memory_space<vmem>>
          %dma_wait3A_317 = arith.constant 0 : i32
          %dma_wait3A_318 = tpu.memref_slice %arg2[%mul3A_311, %dma_wait3A_317] : memref<8192x512xf32, #tpu.memory_space<hbm>> -> memref<32x512xf32, #tpu.memory_space<hbm>>
          %dma_wait3A_319 = tpu.memref_slice %run_scoped3A_23[%rem3A_313] : memref<2x!tpu.dma_semaphore, #tpu.memory_space<semaphore_mem>> -> memref<1x!tpu.dma_semaphore, #tpu.memory_space<semaphore_mem>>
          %dma_wait3A_320 = tpu.memref_squeeze %dma_wait3A_319 : memref<1x!tpu.dma_semaphore, #tpu.memory_space<semaphore_mem>> -> memref<!tpu.dma_semaphore, #tpu.memory_space<semaphore_mem>>
          %dma_wait3A_321 = arith.constant 0 : i32
          %dma_wait3A_322 = arith.constant 0 : i32
          %dma_wait3A_323 = tpu.memref_slice %run_scoped3A_22[%rem3A_313, %dma_wait3A_321, %dma_wait3A_322] : memref<2x32x512xf32, #tpu.memory_space<vmem>> -> memref<1x32x512xf32, #tpu.memory_space<vmem>>
          %dma_wait3A_324 = tpu.memref_squeeze %dma_wait3A_323 : memref<1x32x512xf32, #tpu.memory_space<vmem>> -> memref<32x512xf32, #tpu.memory_space<vmem>>
          %dma_wait3A_325 = arith.constant 0 : i32
          %dma_wait3A_326 = tpu.memref_slice %arg2[%mul3A_311, %dma_wait3A_325] : memref<8192x512xf32, #tpu.memory_space<hbm>> -> memref<32x512xf32, #tpu.memory_space<hbm>>
          tpu.wait_dma2 semaphore(%dma_wait3A_320 : memref<!tpu.dma_semaphore, #tpu.memory_space<semaphore_mem>>) src(%dma_wait3A_326 : memref<32x512xf32, #tpu.memory_space<hbm>>) dst(%dma_wait3A_324 : memref<32x512xf32, #tpu.memory_space<vmem>>)
          "tpu.trace_stop"() : () -> ()
        } else {
        }
        %ne3A_220 = arith.cmpi ne, %add3A_154, %add3A_163 : i32
        %or3A_221 = arith.constant false
        %or3A_222 = arith.ori %or3A_221, %ne3A_220 : i1
        %or3A_223 = arith.constant false
        %or3A_224 = arith.ori %or3A_222, %or3A_223 : i1
        %or3A_225 = arith.ori %or3A_224, %eq3A_151 : i1
        %convert_element_type3A_226 = arith.extui %or3A_225 : i1 to i32
        %cond3A_227 = arith.constant 0 : i32
        %cond3A_228 = arith.cmpi ne, %convert_element_type3A_226, %cond3A_227 : i32
        scf.if %cond3A_228 {
          "tpu.trace_start"() <{level = 10 : i32, message = "ep_wait_in"}> : () -> ()
          %mul3A_310 = arith.constant 32 : i32
          %mul3A_311 = arith.muli %mul3A_310, %add3A_154 : i32
          %rem3A_312 = arith.constant 2 : i32
          %rem3A_313 = arith.remui %scan3A_148, %rem3A_312 : i32
          %dma_wait3A = arith.constant 0 : i32
          %dma_wait3A_314 = arith.constant 0 : i32
          %dma_wait3A_315 = tpu.memref_slice %run_scoped3A_24[%rem3A_313, %dma_wait3A, %dma_wait3A_314] : memref<2x32x512xf32, #tpu.memory_space<vmem>> -> memref<1x32x512xf32, #tpu.memory_space<vmem>>
          %dma_wait3A_316 = tpu.memref_squeeze %dma_wait3A_315 : memref<1x32x512xf32, #tpu.memory_space<vmem>> -> memref<32x512xf32, #tpu.memory_space<vmem>>
          %dma_wait3A_317 = arith.constant 0 : i32
          %dma_wait3A_318 = tpu.memref_slice %arg3[%mul3A_311, %dma_wait3A_317] : memref<8192x512xf32, #tpu.memory_space<hbm>> -> memref<32x512xf32, #tpu.memory_space<hbm>>
          %dma_wait3A_319 = tpu.memref_slice %run_scoped3A_25[%rem3A_313] : memref<2x!tpu.dma_semaphore, #tpu.memory_space<semaphore_mem>> -> memref<1x!tpu.dma_semaphore, #tpu.memory_space<semaphore_mem>>
          %dma_wait3A_320 = tpu.memref_squeeze %dma_wait3A_319 : memref<1x!tpu.dma_semaphore, #tpu.memory_space<semaphore_mem>> -> memref<!tpu.dma_semaphore, #tpu.memory_space<semaphore_mem>>
          %dma_wait3A_321 = arith.constant 0 : i32
          %dma_wait3A_322 = arith.constant 0 : i32
          %dma_wait3A_323 = tpu.memref_slice %run_scoped3A_24[%rem3A_313, %dma_wait3A_321, %dma_wait3A_322] : memref<2x32x512xf32, #tpu.memory_space<vmem>> -> memref<1x32x512xf32, #tpu.memory_space<vmem>>
          %dma_wait3A_324 = tpu.memref_squeeze %dma_wait3A_323 : memref<1x32x512xf32, #tpu.memory_space<vmem>> -> memref<32x512xf32, #tpu.memory_space<vmem>>
          %dma_wait3A_325 = arith.constant 0 : i32
          %dma_wait3A_326 = tpu.memref_slice %arg3[%mul3A_311, %dma_wait3A_325] : memref<8192x512xf32, #tpu.memory_space<hbm>> -> memref<32x512xf32, #tpu.memory_space<hbm>>
          tpu.wait_dma2 semaphore(%dma_wait3A_320 : memref<!tpu.dma_semaphore, #tpu.memory_space<semaphore_mem>>) src(%dma_wait3A_326 : memref<32x512xf32, #tpu.memory_space<hbm>>) dst(%dma_wait3A_324 : memref<32x512xf32, #tpu.memory_space<vmem>>)
          "tpu.trace_stop"() : () -> ()
        } else {
        }
        %rem3A_229 = arith.constant 2 : i32
        %rem3A_230 = arith.remui %scan3A_146, %rem3A_229 : i32
        %rem3A_231 = arith.constant 2 : i32
        %rem3A_232 = arith.remui %scan3A_148, %rem3A_231 : i32
        %parallel_loop3A_233 = arith.constant 0 : i32
        %parallel_loop3A_234 = arith.constant 16384 : i32
        %parallel_loop3A_235 = arith.constant 16 : i32
        "tpu.trace_start"() <{level = 10 : i32, message = "ep_run_kernel"}> : () -> ()
        scf.for %parallel_loop3A_310 = %parallel_loop3A_233 to %parallel_loop3A_234 step %parallel_loop3A_235  : i32 {
          %parallel_loop3A_311 = arith.constant 9 : i32
          %parallel_loop3A_312 = arith.shrsi %parallel_loop3A_310, %parallel_loop3A_311 : i32
          %parallel_loop3A_313 = arith.constant 511 : i32
          %parallel_loop3A_314 = arith.andi %parallel_loop3A_310, %parallel_loop3A_313 : i32
          %parallel_loop3A_315 = arith.constant 0 : i32
          %parallel_loop3A_316 = arith.constant 0 : i32
          %parallel_loop3A_317 = tpu.memref_slice %run_scoped3A_22[%rem3A_230, %parallel_loop3A_315, %parallel_loop3A_316] : memref<2x32x512xf32, #tpu.memory_space<vmem>> -> memref<1x32x512xf32, #tpu.memory_space<vmem>>
          %parallel_loop3A_318 = tpu.memref_squeeze %parallel_loop3A_317 : memref<1x32x512xf32, #tpu.memory_space<vmem>> -> memref<32x512xf32, #tpu.memory_space<vmem>>
          %parallel_loop3A_319 = arith.index_cast %parallel_loop3A_312 : i32 to index
          %parallel_loop3A_320 = arith.index_cast %parallel_loop3A_314 : i32 to index
          %parallel_loop3A_321 = tpu.vector_load %parallel_loop3A_318[%parallel_loop3A_319, %parallel_loop3A_320] {strides = array<i32>} : memref<32x512xf32, #tpu.memory_space<vmem>>, vector<16xf32>,
          %parallel_loop3A_322 = arith.constant 0 : i32
          %parallel_loop3A_323 = arith.constant 0 : i32
          %parallel_loop3A_324 = tpu.memref_slice %run_scoped3A_24[%rem3A_232, %parallel_loop3A_322, %parallel_loop3A_323] : memref<2x32x512xf32, #tpu.memory_space<vmem>> -> memref<1x32x512xf32, #tpu.memory_space<vmem>>
          %parallel_loop3A_325 = tpu.memref_squeeze %parallel_loop3A_324 : memref<1x32x512xf32, #tpu.memory_space<vmem>> -> memref<32x512xf32, #tpu.memory_space<vmem>>
          %parallel_loop3A_326 = arith.index_cast %parallel_loop3A_312 : i32 to index
          %parallel_loop3A_327 = arith.index_cast %parallel_loop3A_314 : i32 to index
          %parallel_loop3A_328 = tpu.vector_load %parallel_loop3A_325[%parallel_loop3A_326, %parallel_loop3A_327] {strides = array<i32>} : memref<32x512xf32, #tpu.memory_space<vmem>>, vector<16xf32>,
          %parallel_loop3A_329 = arith.cmpf oeq, %parallel_loop3A_328, %broadcast_in_dim3A_6 : vector<16xf32>
          %parallel_loop3A_330 = arith.subf %broadcast_in_dim3A_6, %parallel_loop3A_321 : vector<16xf32>
          %parallel_loop3A_331 = arith.select %parallel_loop3A_329, %parallel_loop3A_321, %parallel_loop3A_330 : vector<16xi1>, vector<16xf32>
          %parallel_loop3A_332 = vector.bitcast %parallel_loop3A_331 : vector<16xf32> to vector<16xi32>
          %parallel_loop3A_333 = arith.constant 15 : i32
          %parallel_loop3A_334 = vector.broadcast %parallel_loop3A_333 : i32 to vector<16xi32>
          %parallel_loop3A_335 = arith.shrui %parallel_loop3A_332, %parallel_loop3A_334 : vector<16xi32>
          %parallel_loop3A_336 = arith.constant 7 : i32
          %parallel_loop3A_337 = vector.broadcast %parallel_loop3A_336 : i32 to vector<16xi32>
          %parallel_loop3A_338 = arith.shrui %parallel_loop3A_332, %parallel_loop3A_337 : vector<16xi32>
          %parallel_loop3A_339 = arith.andi %parallel_loop3A_338, %broadcast_in_dim3A_12 : vector<16xi32>
          %parallel_loop3A_340 = arith.andi %parallel_loop3A_332, %broadcast_in_dim3A_10 : vector<16xi32>
          %parallel_loop3A_341 = arith.cmpi eq, %parallel_loop3A_335, %get3A_4 : vector<16xi32>
          tpu.vector_store_idx %arg6[%parallel_loop3A_339, %parallel_loop3A_340], %broadcast_in_dim3A_8 masked %parallel_loop3A_341 {add = true} : memref<256x128xi32, #tpu.memory_space<vmem>>[vector<16xi32>, vector<16xi32>], vector<16xi32>, vector<16xi1>
        } {sc.loop_unroll_factor = 8 : i64, sc.parallel_access}
        "tpu.trace_stop"() : () -> ()
        %ne3A_236 = arith.cmpi ne, %add3A_154, %add3A_172 : i32
        %or3A_237 = arith.constant false
        %or3A_238 = arith.ori %or3A_237, %ne3A_236 : i1
        %or3A_239 = arith.constant false
        %or3A_240 = arith.ori %or3A_238, %or3A_239 : i1
        %or3A_241 = arith.ori %or3A_240, %eq3A_153 : i1
        %convert_element_type3A_242 = arith.extui %or3A_241 : i1 to i32
        %cond3A_243 = arith.constant 0 : i32
        %cond3A_244 = arith.cmpi ne, %convert_element_type3A_242, %cond3A_243 : i32
        scf.if %cond3A_244 {
        } else {
        }
        %and3A_245 = arith.constant false
        %and3A_246 = arith.andi %or3A_241, %and3A_245 : i1
        %ne3A_247 = arith.cmpi ne, %add3A_154, %add3A_172 : i32
        %or3A_248 = arith.constant false
        %or3A_249 = arith.ori %or3A_248, %ne3A_247 : i1
        %or3A_250 = arith.constant false
        %or3A_251 = arith.ori %or3A_249, %or3A_250 : i1
        %or3A_252 = arith.ori %or3A_251, %eq3A_153 : i1
        %convert_element_type3A_253 = arith.extui %or3A_252 : i1 to i32
        %cond3A_254 = arith.constant 0 : i32
        %cond3A_255 = arith.cmpi ne, %convert_element_type3A_253, %cond3A_254 : i32
        scf.if %cond3A_255 {
        } else {
        }
        %and3A_256 = arith.constant false
        %and3A_257 = arith.andi %or3A_252, %and3A_256 : i1
        %ne3A_258 = arith.cmpi ne, %add3A_154, %add3A_163 : i32
        %or3A_259 = arith.constant false
        %or3A_260 = arith.ori %or3A_259, %ne3A_258 : i1
        %or3A_261 = arith.constant false
        %or3A_262 = arith.ori %or3A_260, %or3A_261 : i1
        %not3A_263 = arith.constant true
        %not3A_264 = arith.xori %eq3A_151, %not3A_263 : i1
        %and3A_265 = arith.andi %or3A_262, %not3A_264 : i1
        %convert_element_type3A_266 = arith.extui %and3A_265 : i1 to i32
        %cond3A_267 = arith.constant 0 : i32
        %cond3A_268 = arith.cmpi ne, %convert_element_type3A_266, %cond3A_267 : i32
        scf.if %cond3A_268 {
        } else {
        }
        %and3A_269 = arith.constant false
        %and3A_270 = arith.andi %and3A_265, %and3A_269 : i1
        %ne3A_271 = arith.cmpi ne, %add3A_154, %add3A_163 : i32
        %or3A_272 = arith.constant false
        %or3A_273 = arith.ori %or3A_272, %ne3A_271 : i1
        %or3A_274 = arith.constant false
        %or3A_275 = arith.ori %or3A_273, %or3A_274 : i1
        %not3A_276 = arith.constant true
        %not3A_277 = arith.xori %eq3A_151, %not3A_276 : i1
        %and3A_278 = arith.andi %or3A_275, %not3A_277 : i1
        %convert_element_type3A_279 = arith.extui %and3A_278 : i1 to i32
        %cond3A_280 = arith.constant 0 : i32
        %cond3A_281 = arith.cmpi ne, %convert_element_type3A_279, %cond3A_280 : i32
        scf.if %cond3A_281 {
        } else {
        }
        %and3A_282 = arith.constant false
        %and3A_283 = arith.andi %and3A_278, %and3A_282 : i1
        %ne3A_284 = arith.cmpi ne, %add3A_154, %add3A_172 : i32
        %or3A_285 = arith.constant false
        %or3A_286 = arith.ori %or3A_285, %ne3A_284 : i1
        %or3A_287 = arith.constant false
        %or3A_288 = arith.ori %or3A_286, %or3A_287 : i1
        %or3A_289 = arith.ori %or3A_288, %eq3A_153 : i1
        %add3A_290 = arith.constant 1 : i32
        %add3A_291 = arith.addi %scan3A_146, %add3A_290 : i32
        %select_n3A_292 = arith.select %or3A_289, %add3A_291, %scan3A_146 : i32
        %ne3A_293 = arith.cmpi ne, %add3A_154, %add3A_172 : i32
        %or3A_294 = arith.constant false
        %or3A_295 = arith.ori %or3A_294, %ne3A_293 : i1
        %or3A_296 = arith.constant false
        %or3A_297 = arith.ori %or3A_295, %or3A_296 : i1
        %or3A_298 = arith.ori %or3A_297, %eq3A_153 : i1
        %add3A_299 = arith.constant 1 : i32
        %add3A_300 = arith.addi %scan3A_148, %add3A_299 : i32
        %select_n3A_301 = arith.select %or3A_298, %add3A_300, %scan3A_148 : i32
        %add3A_302 = arith.constant 1 : i32
        %add3A_303 = arith.addi %scan3A_149, %add3A_302 : i32
        %select_n3A_304 = arith.constant true
        %select_n3A_305 = arith.select %select_n3A_304, %add3A_303, %scan3A_149 : i32
        %eq3A_306 = arith.constant 8 : i32
        %eq3A_307 = arith.cmpi eq, %select_n3A_305, %eq3A_306 : i32
        %select_n3A_308 = arith.constant 0 : i32
        %select_n3A_309 = arith.select %eq3A_307, %select_n3A_308, %select_n3A_305 : i32
        scf.yield %select_n3A_192, %select_n3A_292, %select_n3A_210, %select_n3A_301, %select_n3A_309 : i32, i32, i32, i32, i32
      }
      %scan3A_108 = arith.constant 8 : i32
      %sub3A = arith.constant 1 : i32
      %sub3A_109 = arith.subi %scan3A_107#4, %sub3A : i32
      %select_n3A_110 = arith.constant true
      %select_n3A_111 = arith.select %select_n3A_110, %sub3A_109, %scan3A_107#4 : i32
      %eq3A_112 = arith.constant -1 : i32
      %eq3A_113 = arith.cmpi eq, %select_n3A_111, %eq3A_112 : i32
      %select_n3A_114 = arith.constant 7 : i32
      %select_n3A_115 = arith.select %eq3A_113, %select_n3A_114, %select_n3A_111 : i32
      %add3A_116 = arith.addi %select_n3A_115, %mul3A_21 : i32
      %sub3A_117 = arith.constant 1 : i32
      %sub3A_118 = arith.subi %select_n3A_115, %sub3A_117 : i32
      %select_n3A_119 = arith.constant true
      %select_n3A_120 = arith.select %select_n3A_119, %sub3A_118, %select_n3A_115 : i32
      %eq3A_121 = arith.constant -1 : i32
      %eq3A_122 = arith.cmpi eq, %select_n3A_120, %eq3A_121 : i32
      %select_n3A_123 = arith.constant 7 : i32
      %select_n3A_124 = arith.select %eq3A_122, %select_n3A_123, %select_n3A_120 : i32
      %add3A_125 = arith.addi %select_n3A_124, %mul3A_21 : i32
      %add3A_126 = arith.constant 1 : i32
      %add3A_127 = arith.addi %select_n3A_115, %add3A_126 : i32
      %select_n3A_128 = arith.constant true
      %select_n3A_129 = arith.select %select_n3A_128, %add3A_127, %select_n3A_115 : i32
      %eq3A_130 = arith.constant 8 : i32
      %eq3A_131 = arith.cmpi eq, %select_n3A_129, %eq3A_130 : i32
      %select_n3A_132 = arith.constant 0 : i32
      %select_n3A_133 = arith.select %eq3A_131, %select_n3A_132, %select_n3A_129 : i32
      %add3A_134 = arith.addi %select_n3A_133, %mul3A_21 : i32
      %add3A_135 = arith.constant 1 : i32
      %add3A_136 = arith.addi %select_n3A_133, %add3A_135 : i32
      %select_n3A_137 = arith.constant true
      %select_n3A_138 = arith.select %select_n3A_137, %add3A_136, %select_n3A_133 : i32
      %eq3A_139 = arith.constant 8 : i32
      %eq3A_140 = arith.cmpi eq, %select_n3A_138, %eq3A_139 : i32
      %select_n3A_141 = arith.constant 0 : i32
      %select_n3A_142 = arith.select %eq3A_140, %select_n3A_141, %select_n3A_138 : i32
      %add3A_143 = arith.addi %select_n3A_142, %mul3A_21 : i32
      tpu.yield
    }) : () -> ()
    "tpu.region"() ({
      %run_scoped3A_22 = tpu.sem_alloc : memref<!tpu.dma_semaphore, #tpu.memory_space<semaphore_mem>>
      %dma_start3A = arith.constant 0 : i32
      %dma_start3A_23 = arith.constant 0 : i32
      %dma_start3A_24 = tpu.memref_slice %arg5[%add3A, %dma_start3A, %dma_start3A_23] : memref<32x256x128xi32, #tpu.memory_space<hbm>> -> memref<1x256x128xi32, #tpu.memory_space<hbm>>
      %dma_start3A_25 = tpu.memref_squeeze %dma_start3A_24 : memref<1x256x128xi32, #tpu.memory_space<hbm>> -> memref<256x128xi32, #tpu.memory_space<hbm>>
      %dma_start3A_26 = arith.constant 0 : i32
      %dma_start3A_27 = arith.constant 0 : i32
      %dma_start3A_28 = tpu.memref_slice %arg5[%add3A, %dma_start3A_26, %dma_start3A_27] : memref<32x256x128xi32, #tpu.memory_space<hbm>> -> memref<1x256x128xi32, #tpu.memory_space<hbm>>
      %dma_start3A_29 = tpu.memref_squeeze %dma_start3A_28 : memref<1x256x128xi32, #tpu.memory_space<hbm>> -> memref<256x128xi32, #tpu.memory_space<hbm>>
      tpu.enqueue_dma source(%arg6 : memref<256x128xi32, #tpu.memory_space<vmem>>) target(%dma_start3A_29 : memref<256x128xi32, #tpu.memory_space<hbm>>) target_semaphore(%run_scoped3A_22 : memref<!tpu.dma_semaphore, #tpu.memory_space<semaphore_mem>>)
      %dma_wait3A = arith.constant 0 : i32
      %dma_wait3A_30 = arith.constant 0 : i32
      %dma_wait3A_31 = tpu.memref_slice %arg5[%add3A, %dma_wait3A, %dma_wait3A_30] : memref<32x256x128xi32, #tpu.memory_space<hbm>> -> memref<1x256x128xi32, #tpu.memory_space<hbm>>
      %dma_wait3A_32 = tpu.memref_squeeze %dma_wait3A_31 : memref<1x256x128xi32, #tpu.memory_space<hbm>> -> memref<256x128xi32, #tpu.memory_space<hbm>>
      %dma_wait3A_33 = arith.constant 0 : i32
      %dma_wait3A_34 = arith.constant 0 : i32
      %dma_wait3A_35 = tpu.memref_slice %arg5[%add3A, %dma_wait3A_33, %dma_wait3A_34] : memref<32x256x128xi32, #tpu.memory_space<hbm>> -> memref<1x256x128xi32, #tpu.memory_space<hbm>>
      %dma_wait3A_36 = tpu.memref_squeeze %dma_wait3A_35 : memref<1x256x128xi32, #tpu.memory_space<hbm>> -> memref<256x128xi32, #tpu.memory_space<hbm>>
      tpu.wait_dma2 semaphore(%run_scoped3A_22 : memref<!tpu.dma_semaphore, #tpu.memory_space<semaphore_mem>>) src(%arg6 : memref<256x128xi32, #tpu.memory_space<vmem>>) dst(%dma_wait3A_36 : memref<256x128xi32, #tpu.memory_space<hbm>>)
      tpu.yield
    }) : () -> ()
    return
  }
}

#map = affine_map<(d0, d1) -> (0, 0)>
#map1 = affine_map<(d0, d1) -> (0, 0, 0)>
module attributes {stable_mosaic.version = 14 : i64} {
  func.func @_sc_hist1(%arg0: i32, %arg1: i32, %arg2: memref<8192x512xf32, #tpu.memory_space<hbm>>, %arg3: memref<8192x512xf32, #tpu.memory_space<hbm>>, %arg4: memref<32x512x128xi32, #tpu.memory_space<hbm>>, %arg5: memref<512x128xi32, #tpu.memory_space<vmem>>) attributes {dimension_semantics = [#tpu.dimension_semantics<core_parallel>, #tpu.dimension_semantics<subcore_parallel>], iteration_bounds = array<i64: 2, 16>, scalar_prefetch = 0 : i64, scratch_operands = 1 : i64, tpu.core_type = #tpu.core_type<sc_vector_subcore>, window_params = [{transform_indices = #map}, {transform_indices = #map}, {transform_indices = #map1}]} {
    %mul3A = arith.constant 2 : i32
    %mul3A_0 = arith.muli %arg1, %mul3A : i32
    %add3A = arith.addi %mul3A_0, %arg0 : i32
    %broadcast_in_dim3A = arith.constant 0 : i32
    %broadcast_in_dim3A_1 = vector.broadcast %broadcast_in_dim3A : i32 to vector<16xi32>
    %parallel_loop3A = arith.constant 0 : i32
    %parallel_loop3A_2 = arith.constant 512 : i32
    %parallel_loop3A_3 = arith.constant 1 : i32
    scf.for %parallel_loop3A_19 = %parallel_loop3A to %parallel_loop3A_2 step %parallel_loop3A_3  : i32 {
      %parallel_loop3A_20 = arith.index_cast %parallel_loop3A_19 : i32 to index
      %parallel_loop3A_21 = arith.constant 0 : index
      %parallel_loop3A_22 = tpu.vector_load %arg5[%parallel_loop3A_20, %parallel_loop3A_21] {strides = array<i32>} : memref<512x128xi32, #tpu.memory_space<vmem>>, vector<16xi32>,
      tpu.vector_store %arg5[%parallel_loop3A_20, %parallel_loop3A_21], %broadcast_in_dim3A_1 {strides = array<i32>} : memref<512x128xi32, #tpu.memory_space<vmem>>, vector<16xi32>,
      %parallel_loop3A_23 = arith.index_cast %parallel_loop3A_19 : i32 to index
      %parallel_loop3A_24 = arith.constant 16 : index
      %parallel_loop3A_25 = tpu.vector_load %arg5[%parallel_loop3A_23, %parallel_loop3A_24] {strides = array<i32>} : memref<512x128xi32, #tpu.memory_space<vmem>>, vector<16xi32>,
      tpu.vector_store %arg5[%parallel_loop3A_23, %parallel_loop3A_24], %broadcast_in_dim3A_1 {strides = array<i32>} : memref<512x128xi32, #tpu.memory_space<vmem>>, vector<16xi32>,
      %parallel_loop3A_26 = arith.index_cast %parallel_loop3A_19 : i32 to index
      %parallel_loop3A_27 = arith.constant 32 : index
      %parallel_loop3A_28 = tpu.vector_load %arg5[%parallel_loop3A_26, %parallel_loop3A_27] {strides = array<i32>} : memref<512x128xi32, #tpu.memory_space<vmem>>, vector<16xi32>,
      tpu.vector_store %arg5[%parallel_loop3A_26, %parallel_loop3A_27], %broadcast_in_dim3A_1 {strides = array<i32>} : memref<512x128xi32, #tpu.memory_space<vmem>>, vector<16xi32>,
      %parallel_loop3A_29 = arith.index_cast %parallel_loop3A_19 : i32 to index
      %parallel_loop3A_30 = arith.constant 48 : index
      %parallel_loop3A_31 = tpu.vector_load %arg5[%parallel_loop3A_29, %parallel_loop3A_30] {strides = array<i32>} : memref<512x128xi32, #tpu.memory_space<vmem>>, vector<16xi32>,
      tpu.vector_store %arg5[%parallel_loop3A_29, %parallel_loop3A_30], %broadcast_in_dim3A_1 {strides = array<i32>} : memref<512x128xi32, #tpu.memory_space<vmem>>, vector<16xi32>,
      %parallel_loop3A_32 = arith.index_cast %parallel_loop3A_19 : i32 to index
      %parallel_loop3A_33 = arith.constant 64 : index
      %parallel_loop3A_34 = tpu.vector_load %arg5[%parallel_loop3A_32, %parallel_loop3A_33] {strides = array<i32>} : memref<512x128xi32, #tpu.memory_space<vmem>>, vector<16xi32>,
      tpu.vector_store %arg5[%parallel_loop3A_32, %parallel_loop3A_33], %broadcast_in_dim3A_1 {strides = array<i32>} : memref<512x128xi32, #tpu.memory_space<vmem>>, vector<16xi32>,
      %parallel_loop3A_35 = arith.index_cast %parallel_loop3A_19 : i32 to index
      %parallel_loop3A_36 = arith.constant 80 : index
      %parallel_loop3A_37 = tpu.vector_load %arg5[%parallel_loop3A_35, %parallel_loop3A_36] {strides = array<i32>} : memref<512x128xi32, #tpu.memory_space<vmem>>, vector<16xi32>,
      tpu.vector_store %arg5[%parallel_loop3A_35, %parallel_loop3A_36], %broadcast_in_dim3A_1 {strides = array<i32>} : memref<512x128xi32, #tpu.memory_space<vmem>>, vector<16xi32>,
      %parallel_loop3A_38 = arith.index_cast %parallel_loop3A_19 : i32 to index
      %parallel_loop3A_39 = arith.constant 96 : index
      %parallel_loop3A_40 = tpu.vector_load %arg5[%parallel_loop3A_38, %parallel_loop3A_39] {strides = array<i32>} : memref<512x128xi32, #tpu.memory_space<vmem>>, vector<16xi32>,
      tpu.vector_store %arg5[%parallel_loop3A_38, %parallel_loop3A_39], %broadcast_in_dim3A_1 {strides = array<i32>} : memref<512x128xi32, #tpu.memory_space<vmem>>, vector<16xi32>,
      %parallel_loop3A_41 = arith.index_cast %parallel_loop3A_19 : i32 to index
      %parallel_loop3A_42 = arith.constant 112 : index
      %parallel_loop3A_43 = tpu.vector_load %arg5[%parallel_loop3A_41, %parallel_loop3A_42] {strides = array<i32>} : memref<512x128xi32, #tpu.memory_space<vmem>>, vector<16xi32>,
      tpu.vector_store %arg5[%parallel_loop3A_41, %parallel_loop3A_42], %broadcast_in_dim3A_1 {strides = array<i32>} : memref<512x128xi32, #tpu.memory_space<vmem>>, vector<16xi32>,
    } {sc.loop_unroll_factor = 4 : i64, sc.parallel_access}
    %broadcast_in_dim3A_4 = arith.constant 1.000000e+00 : f32
    %broadcast_in_dim3A_5 = vector.broadcast %broadcast_in_dim3A_4 : f32 to vector<16xf32>
    %broadcast_in_dim3A_6 = arith.constant 1 : i32
    %broadcast_in_dim3A_7 = vector.broadcast %broadcast_in_dim3A_6 : i32 to vector<16xi32>
    %broadcast_in_dim3A_8 = arith.constant 127 : i32
    %broadcast_in_dim3A_9 = vector.broadcast %broadcast_in_dim3A_8 : i32 to vector<16xi32>
    %mul3A_10 = arith.constant 1 : i32
    %mul3A_11 = arith.muli %arg1, %mul3A_10 : i32
    %add3A_12 = arith.constant 0 : i32
    %add3A_13 = arith.addi %add3A_12, %mul3A_11 : i32
    %mul3A_14 = arith.constant 16 : i32
    %mul3A_15 = arith.muli %arg0, %mul3A_14 : i32
    %add3A_16 = arith.addi %add3A_13, %mul3A_15 : i32
    %mul3A_17 = arith.constant 8 : i32
    %mul3A_18 = arith.muli %add3A_16, %mul3A_17 : i32
    "tpu.region"() ({
      %run_scoped3A = memref.alloca() : memref<2x32x512xf32, #tpu.memory_space<vmem>>
      %run_scoped3A_19 = tpu.sem_alloc : memref<2x!tpu.dma_semaphore, #tpu.memory_space<semaphore_mem>>
      %run_scoped3A_20 = memref.alloca() : memref<2x32x512xf32, #tpu.memory_space<vmem>>
      %run_scoped3A_21 = tpu.sem_alloc : memref<2x!tpu.dma_semaphore, #tpu.memory_space<semaphore_mem>>
      %add3A_22 = arith.constant 0 : i32
      %add3A_23 = arith.addi %add3A_22, %mul3A_18 : i32
      %select_n3A = arith.constant true
      %select_n3A_24 = arith.constant 0 : i32
      %select_n3A_25 = arith.constant -1 : i32
      %select_n3A_26 = arith.select %select_n3A, %select_n3A_25, %select_n3A_24 : i32
      %eq3A = arith.constant -1 : i32
      %eq3A_27 = arith.cmpi eq, %select_n3A_26, %eq3A : i32
      %select_n3A_28 = arith.constant 7 : i32
      %select_n3A_29 = arith.select %eq3A_27, %select_n3A_28, %select_n3A_26 : i32
      %add3A_30 = arith.addi %select_n3A_29, %mul3A_18 : i32
      %select_n3A_31 = arith.constant true
      %select_n3A_32 = arith.constant 0 : i32
      %select_n3A_33 = arith.constant 1 : i32
      %select_n3A_34 = arith.select %select_n3A_31, %select_n3A_33, %select_n3A_32 : i32
      %eq3A_35 = arith.constant 8 : i32
      %eq3A_36 = arith.cmpi eq, %select_n3A_34, %eq3A_35 : i32
      %select_n3A_37 = arith.constant 0 : i32
      %select_n3A_38 = arith.select %eq3A_36, %select_n3A_37, %select_n3A_34 : i32
      %add3A_39 = arith.addi %select_n3A_38, %mul3A_18 : i32
      %add3A_40 = arith.constant 1 : i32
      %add3A_41 = arith.addi %select_n3A_38, %add3A_40 : i32
      %select_n3A_42 = arith.constant true
      %select_n3A_43 = arith.select %select_n3A_42, %add3A_41, %select_n3A_38 : i32
      %eq3A_44 = arith.constant 8 : i32
      %eq3A_45 = arith.cmpi eq, %select_n3A_43, %eq3A_44 : i32
      %select_n3A_46 = arith.constant 0 : i32
      %select_n3A_47 = arith.select %eq3A_45, %select_n3A_46, %select_n3A_43 : i32
      %add3A_48 = arith.addi %select_n3A_47, %mul3A_18 : i32
      "tpu.trace_start"() <{level = 10 : i32, message = "ep_initialize_0"}> : () -> ()
      %rem3A = arith.constant 0 : i32
      %rem3A_49 = arith.constant 2 : i32
      %rem3A_50 = arith.remui %rem3A, %rem3A_49 : i32
      %mul3A_51 = arith.constant 32 : i32
      %mul3A_52 = arith.muli %mul3A_51, %add3A_23 : i32
      %dma_start3A = arith.constant 0 : i32
      %dma_start3A_53 = arith.constant 0 : i32
      %dma_start3A_54 = tpu.memref_slice %run_scoped3A[%rem3A_50, %dma_start3A, %dma_start3A_53] : memref<2x32x512xf32, #tpu.memory_space<vmem>> -> memref<1x32x512xf32, #tpu.memory_space<vmem>>
      %dma_start3A_55 = tpu.memref_squeeze %dma_start3A_54 : memref<1x32x512xf32, #tpu.memory_space<vmem>> -> memref<32x512xf32, #tpu.memory_space<vmem>>
      %dma_start3A_56 = arith.constant 0 : i32
      %dma_start3A_57 = tpu.memref_slice %arg2[%mul3A_52, %dma_start3A_56] : memref<8192x512xf32, #tpu.memory_space<hbm>> -> memref<32x512xf32, #tpu.memory_space<hbm>>
      %dma_start3A_58 = tpu.memref_slice %run_scoped3A_19[%rem3A_50] : memref<2x!tpu.dma_semaphore, #tpu.memory_space<semaphore_mem>> -> memref<1x!tpu.dma_semaphore, #tpu.memory_space<semaphore_mem>>
      %dma_start3A_59 = tpu.memref_squeeze %dma_start3A_58 : memref<1x!tpu.dma_semaphore, #tpu.memory_space<semaphore_mem>> -> memref<!tpu.dma_semaphore, #tpu.memory_space<semaphore_mem>>
      %dma_start3A_60 = arith.constant 0 : i32
      %dma_start3A_61 = arith.constant 0 : i32
      %dma_start3A_62 = tpu.memref_slice %run_scoped3A[%rem3A_50, %dma_start3A_60, %dma_start3A_61] : memref<2x32x512xf32, #tpu.memory_space<vmem>> -> memref<1x32x512xf32, #tpu.memory_space<vmem>>
      %dma_start3A_63 = tpu.memref_squeeze %dma_start3A_62 : memref<1x32x512xf32, #tpu.memory_space<vmem>> -> memref<32x512xf32, #tpu.memory_space<vmem>>
      %dma_start3A_64 = arith.constant 0 : i32
      %dma_start3A_65 = tpu.memref_slice %arg2[%mul3A_52, %dma_start3A_64] : memref<8192x512xf32, #tpu.memory_space<hbm>> -> memref<32x512xf32, #tpu.memory_space<hbm>>
      tpu.enqueue_dma source(%dma_start3A_65 : memref<32x512xf32, #tpu.memory_space<hbm>>) target(%dma_start3A_63 : memref<32x512xf32, #tpu.memory_space<vmem>>) target_semaphore(%dma_start3A_59 : memref<!tpu.dma_semaphore, #tpu.memory_space<semaphore_mem>>)
      %add3A_66 = arith.constant 0 : i32
      %add3A_67 = arith.constant 1 : i32
      %add3A_68 = arith.addi %add3A_66, %add3A_67 : i32
      %select_n3A_69 = arith.constant true
      %select_n3A_70 = arith.constant 0 : i32
      %select_n3A_71 = arith.select %select_n3A_69, %add3A_68, %select_n3A_70 : i32
      %rem3A_72 = arith.constant 0 : i32
      %rem3A_73 = arith.constant 2 : i32
      %rem3A_74 = arith.remui %rem3A_72, %rem3A_73 : i32
      %mul3A_75 = arith.constant 32 : i32
      %mul3A_76 = arith.muli %mul3A_75, %add3A_23 : i32
      %dma_start3A_77 = arith.constant 0 : i32
      %dma_start3A_78 = arith.constant 0 : i32
      %dma_start3A_79 = tpu.memref_slice %run_scoped3A_20[%rem3A_74, %dma_start3A_77, %dma_start3A_78] : memref<2x32x512xf32, #tpu.memory_space<vmem>> -> memref<1x32x512xf32, #tpu.memory_space<vmem>>
      %dma_start3A_80 = tpu.memref_squeeze %dma_start3A_79 : memref<1x32x512xf32, #tpu.memory_space<vmem>> -> memref<32x512xf32, #tpu.memory_space<vmem>>
      %dma_start3A_81 = arith.constant 0 : i32
      %dma_start3A_82 = tpu.memref_slice %arg3[%mul3A_76, %dma_start3A_81] : memref<8192x512xf32, #tpu.memory_space<hbm>> -> memref<32x512xf32, #tpu.memory_space<hbm>>
      %dma_start3A_83 = tpu.memref_slice %run_scoped3A_21[%rem3A_74] : memref<2x!tpu.dma_semaphore, #tpu.memory_space<semaphore_mem>> -> memref<1x!tpu.dma_semaphore, #tpu.memory_space<semaphore_mem>>
      %dma_start3A_84 = tpu.memref_squeeze %dma_start3A_83 : memref<1x!tpu.dma_semaphore, #tpu.memory_space<semaphore_mem>> -> memref<!tpu.dma_semaphore, #tpu.memory_space<semaphore_mem>>
      %dma_start3A_85 = arith.constant 0 : i32
      %dma_start3A_86 = arith.constant 0 : i32
      %dma_start3A_87 = tpu.memref_slice %run_scoped3A_20[%rem3A_74, %dma_start3A_85, %dma_start3A_86] : memref<2x32x512xf32, #tpu.memory_space<vmem>> -> memref<1x32x512xf32, #tpu.memory_space<vmem>>
      %dma_start3A_88 = tpu.memref_squeeze %dma_start3A_87 : memref<1x32x512xf32, #tpu.memory_space<vmem>> -> memref<32x512xf32, #tpu.memory_space<vmem>>
      %dma_start3A_89 = arith.constant 0 : i32
      %dma_start3A_90 = tpu.memref_slice %arg3[%mul3A_76, %dma_start3A_89] : memref<8192x512xf32, #tpu.memory_space<hbm>> -> memref<32x512xf32, #tpu.memory_space<hbm>>
      tpu.enqueue_dma source(%dma_start3A_90 : memref<32x512xf32, #tpu.memory_space<hbm>>) target(%dma_start3A_88 : memref<32x512xf32, #tpu.memory_space<vmem>>) target_semaphore(%dma_start3A_84 : memref<!tpu.dma_semaphore, #tpu.memory_space<semaphore_mem>>)
      %add3A_91 = arith.constant 0 : i32
      %add3A_92 = arith.constant 1 : i32
      %add3A_93 = arith.addi %add3A_91, %add3A_92 : i32
      %select_n3A_94 = arith.constant true
      %select_n3A_95 = arith.constant 0 : i32
      %select_n3A_96 = arith.select %select_n3A_94, %add3A_93, %select_n3A_95 : i32
      "tpu.trace_stop"() : () -> ()
      %scan3A = arith.constant 0 : i32
      %scan3A_97 = arith.constant 0 : i32
      %scan3A_98 = arith.constant 0 : i32
      %scan3A_99 = arith.constant 0 : i32
      %scan3A_100 = arith.constant 8 : i32
      %scan3A_101 = arith.addi %scan3A_99, %scan3A_100 : i32
      %scan3A_102 = arith.constant 1 : i32
      %scan3A_103:5 = scf.for %scan3A_140 = %scan3A_99 to %scan3A_101 step %scan3A_102 iter_args(%scan3A_141 = %select_n3A_71, %scan3A_142 = %scan3A, %scan3A_143 = %select_n3A_96, %scan3A_144 = %scan3A_97, %scan3A_145 = %scan3A_98) -> (i32, i32, i32, i32, i32)  : i32 {
        %eq3A_146 = arith.constant 0 : i32
        %eq3A_147 = arith.cmpi eq, %scan3A_140, %eq3A_146 : i32
        %eq3A_148 = arith.constant 7 : i32
        %eq3A_149 = arith.cmpi eq, %scan3A_140, %eq3A_148 : i32
        %add3A_150 = arith.addi %scan3A_145, %mul3A_18 : i32
        %sub3A_151 = arith.constant 1 : i32
        %sub3A_152 = arith.subi %scan3A_145, %sub3A_151 : i32
        %select_n3A_153 = arith.constant true
        %select_n3A_154 = arith.select %select_n3A_153, %sub3A_152, %scan3A_145 : i32
        %eq3A_155 = arith.constant -1 : i32
        %eq3A_156 = arith.cmpi eq, %select_n3A_154, %eq3A_155 : i32
        %select_n3A_157 = arith.constant 7 : i32
        %select_n3A_158 = arith.select %eq3A_156, %select_n3A_157, %select_n3A_154 : i32
        %add3A_159 = arith.addi %select_n3A_158, %mul3A_18 : i32
        %add3A_160 = arith.constant 1 : i32
        %add3A_161 = arith.addi %scan3A_145, %add3A_160 : i32
        %select_n3A_162 = arith.constant true
        %select_n3A_163 = arith.select %select_n3A_162, %add3A_161, %scan3A_145 : i32
        %eq3A_164 = arith.constant 8 : i32
        %eq3A_165 = arith.cmpi eq, %select_n3A_163, %eq3A_164 : i32
        %select_n3A_166 = arith.constant 0 : i32
        %select_n3A_167 = arith.select %eq3A_165, %select_n3A_166, %select_n3A_163 : i32
        %add3A_168 = arith.addi %select_n3A_167, %mul3A_18 : i32
        %add3A_169 = arith.constant 1 : i32
        %add3A_170 = arith.addi %select_n3A_167, %add3A_169 : i32
        %select_n3A_171 = arith.constant true
        %select_n3A_172 = arith.select %select_n3A_171, %add3A_170, %select_n3A_167 : i32
        %eq3A_173 = arith.constant 8 : i32
        %eq3A_174 = arith.cmpi eq, %select_n3A_172, %eq3A_173 : i32
        %select_n3A_175 = arith.constant 0 : i32
        %select_n3A_176 = arith.select %eq3A_174, %select_n3A_175, %select_n3A_172 : i32
        %add3A_177 = arith.addi %select_n3A_176, %mul3A_18 : i32
        %ne3A = arith.cmpi ne, %add3A_150, %add3A_168 : i32
        %or3A = arith.constant false
        %or3A_178 = arith.ori %or3A, %ne3A : i1
        %or3A_179 = arith.constant false
        %or3A_180 = arith.ori %or3A_178, %or3A_179 : i1
        %ge3A = arith.constant 7 : i32
        %ge3A_181 = arith.cmpi sge, %scan3A_140, %ge3A : i32
        %not3A = arith.constant true
        %not3A_182 = arith.xori %ge3A_181, %not3A : i1
        %and3A = arith.andi %or3A_180, %not3A_182 : i1
        %convert_element_type3A = arith.extui %and3A : i1 to i32
        %cond3A = arith.constant 0 : i32
        %cond3A_183 = arith.cmpi ne, %convert_element_type3A, %cond3A : i32
        scf.if %cond3A_183 {
          "tpu.trace_start"() <{level = 10 : i32, message = "ep_copy_in"}> : () -> ()
          %rem3A_306 = arith.constant 2 : i32
          %rem3A_307 = arith.remui %scan3A_141, %rem3A_306 : i32
          %mul3A_308 = arith.constant 32 : i32
          %mul3A_309 = arith.muli %mul3A_308, %add3A_168 : i32
          %dma_start3A_310 = arith.constant 0 : i32
          %dma_start3A_311 = arith.constant 0 : i32
          %dma_start3A_312 = tpu.memref_slice %run_scoped3A[%rem3A_307, %dma_start3A_310, %dma_start3A_311] : memref<2x32x512xf32, #tpu.memory_space<vmem>> -> memref<1x32x512xf32, #tpu.memory_space<vmem>>
          %dma_start3A_313 = tpu.memref_squeeze %dma_start3A_312 : memref<1x32x512xf32, #tpu.memory_space<vmem>> -> memref<32x512xf32, #tpu.memory_space<vmem>>
          %dma_start3A_314 = arith.constant 0 : i32
          %dma_start3A_315 = tpu.memref_slice %arg2[%mul3A_309, %dma_start3A_314] : memref<8192x512xf32, #tpu.memory_space<hbm>> -> memref<32x512xf32, #tpu.memory_space<hbm>>
          %dma_start3A_316 = tpu.memref_slice %run_scoped3A_19[%rem3A_307] : memref<2x!tpu.dma_semaphore, #tpu.memory_space<semaphore_mem>> -> memref<1x!tpu.dma_semaphore, #tpu.memory_space<semaphore_mem>>
          %dma_start3A_317 = tpu.memref_squeeze %dma_start3A_316 : memref<1x!tpu.dma_semaphore, #tpu.memory_space<semaphore_mem>> -> memref<!tpu.dma_semaphore, #tpu.memory_space<semaphore_mem>>
          %dma_start3A_318 = arith.constant 0 : i32
          %dma_start3A_319 = arith.constant 0 : i32
          %dma_start3A_320 = tpu.memref_slice %run_scoped3A[%rem3A_307, %dma_start3A_318, %dma_start3A_319] : memref<2x32x512xf32, #tpu.memory_space<vmem>> -> memref<1x32x512xf32, #tpu.memory_space<vmem>>
          %dma_start3A_321 = tpu.memref_squeeze %dma_start3A_320 : memref<1x32x512xf32, #tpu.memory_space<vmem>> -> memref<32x512xf32, #tpu.memory_space<vmem>>
          %dma_start3A_322 = arith.constant 0 : i32
          %dma_start3A_323 = tpu.memref_slice %arg2[%mul3A_309, %dma_start3A_322] : memref<8192x512xf32, #tpu.memory_space<hbm>> -> memref<32x512xf32, #tpu.memory_space<hbm>>
          tpu.enqueue_dma source(%dma_start3A_323 : memref<32x512xf32, #tpu.memory_space<hbm>>) target(%dma_start3A_321 : memref<32x512xf32, #tpu.memory_space<vmem>>) target_semaphore(%dma_start3A_317 : memref<!tpu.dma_semaphore, #tpu.memory_space<semaphore_mem>>)
          "tpu.trace_stop"() : () -> ()
        } else {
        }
        %and3A_184 = arith.constant true
        %and3A_185 = arith.andi %and3A, %and3A_184 : i1
        %add3A_186 = arith.constant 1 : i32
        %add3A_187 = arith.addi %scan3A_141, %add3A_186 : i32
        %select_n3A_188 = arith.select %and3A_185, %add3A_187, %scan3A_141 : i32
        %ne3A_189 = arith.cmpi ne, %add3A_150, %add3A_168 : i32
        %or3A_190 = arith.constant false
        %or3A_191 = arith.ori %or3A_190, %ne3A_189 : i1
        %or3A_192 = arith.constant false
        %or3A_193 = arith.ori %or3A_191, %or3A_192 : i1
        %ge3A_194 = arith.constant 7 : i32
        %ge3A_195 = arith.cmpi sge, %scan3A_140, %ge3A_194 : i32
        %not3A_196 = arith.constant true
        %not3A_197 = arith.xori %ge3A_195, %not3A_196 : i1
        %and3A_198 = arith.andi %or3A_193, %not3A_197 : i1
        %convert_element_type3A_199 = arith.extui %and3A_198 : i1 to i32
        %cond3A_200 = arith.constant 0 : i32
        %cond3A_201 = arith.cmpi ne, %convert_element_type3A_199, %cond3A_200 : i32
        scf.if %cond3A_201 {
          "tpu.trace_start"() <{level = 10 : i32, message = "ep_copy_in"}> : () -> ()
          %rem3A_306 = arith.constant 2 : i32
          %rem3A_307 = arith.remui %scan3A_143, %rem3A_306 : i32
          %mul3A_308 = arith.constant 32 : i32
          %mul3A_309 = arith.muli %mul3A_308, %add3A_168 : i32
          %dma_start3A_310 = arith.constant 0 : i32
          %dma_start3A_311 = arith.constant 0 : i32
          %dma_start3A_312 = tpu.memref_slice %run_scoped3A_20[%rem3A_307, %dma_start3A_310, %dma_start3A_311] : memref<2x32x512xf32, #tpu.memory_space<vmem>> -> memref<1x32x512xf32, #tpu.memory_space<vmem>>
          %dma_start3A_313 = tpu.memref_squeeze %dma_start3A_312 : memref<1x32x512xf32, #tpu.memory_space<vmem>> -> memref<32x512xf32, #tpu.memory_space<vmem>>
          %dma_start3A_314 = arith.constant 0 : i32
          %dma_start3A_315 = tpu.memref_slice %arg3[%mul3A_309, %dma_start3A_314] : memref<8192x512xf32, #tpu.memory_space<hbm>> -> memref<32x512xf32, #tpu.memory_space<hbm>>
          %dma_start3A_316 = tpu.memref_slice %run_scoped3A_21[%rem3A_307] : memref<2x!tpu.dma_semaphore, #tpu.memory_space<semaphore_mem>> -> memref<1x!tpu.dma_semaphore, #tpu.memory_space<semaphore_mem>>
          %dma_start3A_317 = tpu.memref_squeeze %dma_start3A_316 : memref<1x!tpu.dma_semaphore, #tpu.memory_space<semaphore_mem>> -> memref<!tpu.dma_semaphore, #tpu.memory_space<semaphore_mem>>
          %dma_start3A_318 = arith.constant 0 : i32
          %dma_start3A_319 = arith.constant 0 : i32
          %dma_start3A_320 = tpu.memref_slice %run_scoped3A_20[%rem3A_307, %dma_start3A_318, %dma_start3A_319] : memref<2x32x512xf32, #tpu.memory_space<vmem>> -> memref<1x32x512xf32, #tpu.memory_space<vmem>>
          %dma_start3A_321 = tpu.memref_squeeze %dma_start3A_320 : memref<1x32x512xf32, #tpu.memory_space<vmem>> -> memref<32x512xf32, #tpu.memory_space<vmem>>
          %dma_start3A_322 = arith.constant 0 : i32
          %dma_start3A_323 = tpu.memref_slice %arg3[%mul3A_309, %dma_start3A_322] : memref<8192x512xf32, #tpu.memory_space<hbm>> -> memref<32x512xf32, #tpu.memory_space<hbm>>
          tpu.enqueue_dma source(%dma_start3A_323 : memref<32x512xf32, #tpu.memory_space<hbm>>) target(%dma_start3A_321 : memref<32x512xf32, #tpu.memory_space<vmem>>) target_semaphore(%dma_start3A_317 : memref<!tpu.dma_semaphore, #tpu.memory_space<semaphore_mem>>)
          "tpu.trace_stop"() : () -> ()
        } else {
        }
        %and3A_202 = arith.constant true
        %and3A_203 = arith.andi %and3A_198, %and3A_202 : i1
        %add3A_204 = arith.constant 1 : i32
        %add3A_205 = arith.addi %scan3A_143, %add3A_204 : i32
        %select_n3A_206 = arith.select %and3A_203, %add3A_205, %scan3A_143 : i32
        %ne3A_207 = arith.cmpi ne, %add3A_150, %add3A_159 : i32
        %or3A_208 = arith.constant false
        %or3A_209 = arith.ori %or3A_208, %ne3A_207 : i1
        %or3A_210 = arith.constant false
        %or3A_211 = arith.ori %or3A_209, %or3A_210 : i1
        %or3A_212 = arith.ori %or3A_211, %eq3A_147 : i1
        %convert_element_type3A_213 = arith.extui %or3A_212 : i1 to i32
        %cond3A_214 = arith.constant 0 : i32
        %cond3A_215 = arith.cmpi ne, %convert_element_type3A_213, %cond3A_214 : i32
        scf.if %cond3A_215 {
          "tpu.trace_start"() <{level = 10 : i32, message = "ep_wait_in"}> : () -> ()
          %mul3A_306 = arith.constant 32 : i32
          %mul3A_307 = arith.muli %mul3A_306, %add3A_150 : i32
          %rem3A_308 = arith.constant 2 : i32
          %rem3A_309 = arith.remui %scan3A_142, %rem3A_308 : i32
          %dma_wait3A = arith.constant 0 : i32
          %dma_wait3A_310 = arith.constant 0 : i32
          %dma_wait3A_311 = tpu.memref_slice %run_scoped3A[%rem3A_309, %dma_wait3A, %dma_wait3A_310] : memref<2x32x512xf32, #tpu.memory_space<vmem>> -> memref<1x32x512xf32, #tpu.memory_space<vmem>>
          %dma_wait3A_312 = tpu.memref_squeeze %dma_wait3A_311 : memref<1x32x512xf32, #tpu.memory_space<vmem>> -> memref<32x512xf32, #tpu.memory_space<vmem>>
          %dma_wait3A_313 = arith.constant 0 : i32
          %dma_wait3A_314 = tpu.memref_slice %arg2[%mul3A_307, %dma_wait3A_313] : memref<8192x512xf32, #tpu.memory_space<hbm>> -> memref<32x512xf32, #tpu.memory_space<hbm>>
          %dma_wait3A_315 = tpu.memref_slice %run_scoped3A_19[%rem3A_309] : memref<2x!tpu.dma_semaphore, #tpu.memory_space<semaphore_mem>> -> memref<1x!tpu.dma_semaphore, #tpu.memory_space<semaphore_mem>>
          %dma_wait3A_316 = tpu.memref_squeeze %dma_wait3A_315 : memref<1x!tpu.dma_semaphore, #tpu.memory_space<semaphore_mem>> -> memref<!tpu.dma_semaphore, #tpu.memory_space<semaphore_mem>>
          %dma_wait3A_317 = arith.constant 0 : i32
          %dma_wait3A_318 = arith.constant 0 : i32
          %dma_wait3A_319 = tpu.memref_slice %run_scoped3A[%rem3A_309, %dma_wait3A_317, %dma_wait3A_318] : memref<2x32x512xf32, #tpu.memory_space<vmem>> -> memref<1x32x512xf32, #tpu.memory_space<vmem>>
          %dma_wait3A_320 = tpu.memref_squeeze %dma_wait3A_319 : memref<1x32x512xf32, #tpu.memory_space<vmem>> -> memref<32x512xf32, #tpu.memory_space<vmem>>
          %dma_wait3A_321 = arith.constant 0 : i32
          %dma_wait3A_322 = tpu.memref_slice %arg2[%mul3A_307, %dma_wait3A_321] : memref<8192x512xf32, #tpu.memory_space<hbm>> -> memref<32x512xf32, #tpu.memory_space<hbm>>
          tpu.wait_dma2 semaphore(%dma_wait3A_316 : memref<!tpu.dma_semaphore, #tpu.memory_space<semaphore_mem>>) src(%dma_wait3A_322 : memref<32x512xf32, #tpu.memory_space<hbm>>) dst(%dma_wait3A_320 : memref<32x512xf32, #tpu.memory_space<vmem>>)
          "tpu.trace_stop"() : () -> ()
        } else {
        }
        %ne3A_216 = arith.cmpi ne, %add3A_150, %add3A_159 : i32
        %or3A_217 = arith.constant false
        %or3A_218 = arith.ori %or3A_217, %ne3A_216 : i1
        %or3A_219 = arith.constant false
        %or3A_220 = arith.ori %or3A_218, %or3A_219 : i1
        %or3A_221 = arith.ori %or3A_220, %eq3A_147 : i1
        %convert_element_type3A_222 = arith.extui %or3A_221 : i1 to i32
        %cond3A_223 = arith.constant 0 : i32
        %cond3A_224 = arith.cmpi ne, %convert_element_type3A_222, %cond3A_223 : i32
        scf.if %cond3A_224 {
          "tpu.trace_start"() <{level = 10 : i32, message = "ep_wait_in"}> : () -> ()
          %mul3A_306 = arith.constant 32 : i32
          %mul3A_307 = arith.muli %mul3A_306, %add3A_150 : i32
          %rem3A_308 = arith.constant 2 : i32
          %rem3A_309 = arith.remui %scan3A_144, %rem3A_308 : i32
          %dma_wait3A = arith.constant 0 : i32
          %dma_wait3A_310 = arith.constant 0 : i32
          %dma_wait3A_311 = tpu.memref_slice %run_scoped3A_20[%rem3A_309, %dma_wait3A, %dma_wait3A_310] : memref<2x32x512xf32, #tpu.memory_space<vmem>> -> memref<1x32x512xf32, #tpu.memory_space<vmem>>
          %dma_wait3A_312 = tpu.memref_squeeze %dma_wait3A_311 : memref<1x32x512xf32, #tpu.memory_space<vmem>> -> memref<32x512xf32, #tpu.memory_space<vmem>>
          %dma_wait3A_313 = arith.constant 0 : i32
          %dma_wait3A_314 = tpu.memref_slice %arg3[%mul3A_307, %dma_wait3A_313] : memref<8192x512xf32, #tpu.memory_space<hbm>> -> memref<32x512xf32, #tpu.memory_space<hbm>>
          %dma_wait3A_315 = tpu.memref_slice %run_scoped3A_21[%rem3A_309] : memref<2x!tpu.dma_semaphore, #tpu.memory_space<semaphore_mem>> -> memref<1x!tpu.dma_semaphore, #tpu.memory_space<semaphore_mem>>
          %dma_wait3A_316 = tpu.memref_squeeze %dma_wait3A_315 : memref<1x!tpu.dma_semaphore, #tpu.memory_space<semaphore_mem>> -> memref<!tpu.dma_semaphore, #tpu.memory_space<semaphore_mem>>
          %dma_wait3A_317 = arith.constant 0 : i32
          %dma_wait3A_318 = arith.constant 0 : i32
          %dma_wait3A_319 = tpu.memref_slice %run_scoped3A_20[%rem3A_309, %dma_wait3A_317, %dma_wait3A_318] : memref<2x32x512xf32, #tpu.memory_space<vmem>> -> memref<1x32x512xf32, #tpu.memory_space<vmem>>
          %dma_wait3A_320 = tpu.memref_squeeze %dma_wait3A_319 : memref<1x32x512xf32, #tpu.memory_space<vmem>> -> memref<32x512xf32, #tpu.memory_space<vmem>>
          %dma_wait3A_321 = arith.constant 0 : i32
          %dma_wait3A_322 = tpu.memref_slice %arg3[%mul3A_307, %dma_wait3A_321] : memref<8192x512xf32, #tpu.memory_space<hbm>> -> memref<32x512xf32, #tpu.memory_space<hbm>>
          tpu.wait_dma2 semaphore(%dma_wait3A_316 : memref<!tpu.dma_semaphore, #tpu.memory_space<semaphore_mem>>) src(%dma_wait3A_322 : memref<32x512xf32, #tpu.memory_space<hbm>>) dst(%dma_wait3A_320 : memref<32x512xf32, #tpu.memory_space<vmem>>)
          "tpu.trace_stop"() : () -> ()
        } else {
        }
        %rem3A_225 = arith.constant 2 : i32
        %rem3A_226 = arith.remui %scan3A_142, %rem3A_225 : i32
        %rem3A_227 = arith.constant 2 : i32
        %rem3A_228 = arith.remui %scan3A_144, %rem3A_227 : i32
        %parallel_loop3A_229 = arith.constant 0 : i32
        %parallel_loop3A_230 = arith.constant 16384 : i32
        %parallel_loop3A_231 = arith.constant 16 : i32
        "tpu.trace_start"() <{level = 10 : i32, message = "ep_run_kernel"}> : () -> ()
        scf.for %parallel_loop3A_306 = %parallel_loop3A_229 to %parallel_loop3A_230 step %parallel_loop3A_231  : i32 {
          %parallel_loop3A_307 = arith.constant 9 : i32
          %parallel_loop3A_308 = arith.shrsi %parallel_loop3A_306, %parallel_loop3A_307 : i32
          %parallel_loop3A_309 = arith.constant 511 : i32
          %parallel_loop3A_310 = arith.andi %parallel_loop3A_306, %parallel_loop3A_309 : i32
          %parallel_loop3A_311 = arith.constant 0 : i32
          %parallel_loop3A_312 = arith.constant 0 : i32
          %parallel_loop3A_313 = tpu.memref_slice %run_scoped3A[%rem3A_226, %parallel_loop3A_311, %parallel_loop3A_312] : memref<2x32x512xf32, #tpu.memory_space<vmem>> -> memref<1x32x512xf32, #tpu.memory_space<vmem>>
          %parallel_loop3A_314 = tpu.memref_squeeze %parallel_loop3A_313 : memref<1x32x512xf32, #tpu.memory_space<vmem>> -> memref<32x512xf32, #tpu.memory_space<vmem>>
          %parallel_loop3A_315 = arith.index_cast %parallel_loop3A_308 : i32 to index
          %parallel_loop3A_316 = arith.index_cast %parallel_loop3A_310 : i32 to index
          %parallel_loop3A_317 = tpu.vector_load %parallel_loop3A_314[%parallel_loop3A_315, %parallel_loop3A_316] {strides = array<i32>} : memref<32x512xf32, #tpu.memory_space<vmem>>, vector<16xf32>,
          %parallel_loop3A_318 = arith.constant 0 : i32
          %parallel_loop3A_319 = arith.constant 0 : i32
          %parallel_loop3A_320 = tpu.memref_slice %run_scoped3A_20[%rem3A_228, %parallel_loop3A_318, %parallel_loop3A_319] : memref<2x32x512xf32, #tpu.memory_space<vmem>> -> memref<1x32x512xf32, #tpu.memory_space<vmem>>
          %parallel_loop3A_321 = tpu.memref_squeeze %parallel_loop3A_320 : memref<1x32x512xf32, #tpu.memory_space<vmem>> -> memref<32x512xf32, #tpu.memory_space<vmem>>
          %parallel_loop3A_322 = arith.index_cast %parallel_loop3A_308 : i32 to index
          %parallel_loop3A_323 = arith.index_cast %parallel_loop3A_310 : i32 to index
          %parallel_loop3A_324 = tpu.vector_load %parallel_loop3A_321[%parallel_loop3A_322, %parallel_loop3A_323] {strides = array<i32>} : memref<32x512xf32, #tpu.memory_space<vmem>>, vector<16xf32>,
          %parallel_loop3A_325 = arith.cmpf oeq, %parallel_loop3A_324, %broadcast_in_dim3A_5 : vector<16xf32>
          %parallel_loop3A_326 = arith.subf %broadcast_in_dim3A_5, %parallel_loop3A_317 : vector<16xf32>
          %parallel_loop3A_327 = arith.select %parallel_loop3A_325, %parallel_loop3A_317, %parallel_loop3A_326 : vector<16xi1>, vector<16xf32>
          %parallel_loop3A_328 = vector.bitcast %parallel_loop3A_327 : vector<16xf32> to vector<16xi32>
          %parallel_loop3A_329 = arith.constant 15 : i32
          %parallel_loop3A_330 = vector.broadcast %parallel_loop3A_329 : i32 to vector<16xi32>
          %parallel_loop3A_331 = arith.shrui %parallel_loop3A_328, %parallel_loop3A_330 : vector<16xi32>
          %parallel_loop3A_332 = arith.constant 7 : i32
          %parallel_loop3A_333 = vector.broadcast %parallel_loop3A_332 : i32 to vector<16xi32>
          %parallel_loop3A_334 = arith.shrui %parallel_loop3A_331, %parallel_loop3A_333 : vector<16xi32>
          %parallel_loop3A_335 = arith.andi %parallel_loop3A_331, %broadcast_in_dim3A_9 : vector<16xi32>
          tpu.vector_store_idx %arg5[%parallel_loop3A_334, %parallel_loop3A_335], %broadcast_in_dim3A_7 {add = true} : memref<512x128xi32, #tpu.memory_space<vmem>>[vector<16xi32>, vector<16xi32>], vector<16xi32>,
        } {sc.loop_unroll_factor = 8 : i64, sc.parallel_access}
        "tpu.trace_stop"() : () -> ()
        %ne3A_232 = arith.cmpi ne, %add3A_150, %add3A_168 : i32
        %or3A_233 = arith.constant false
        %or3A_234 = arith.ori %or3A_233, %ne3A_232 : i1
        %or3A_235 = arith.constant false
        %or3A_236 = arith.ori %or3A_234, %or3A_235 : i1
        %or3A_237 = arith.ori %or3A_236, %eq3A_149 : i1
        %convert_element_type3A_238 = arith.extui %or3A_237 : i1 to i32
        %cond3A_239 = arith.constant 0 : i32
        %cond3A_240 = arith.cmpi ne, %convert_element_type3A_238, %cond3A_239 : i32
        scf.if %cond3A_240 {
        } else {
        }
        %and3A_241 = arith.constant false
        %and3A_242 = arith.andi %or3A_237, %and3A_241 : i1
        %ne3A_243 = arith.cmpi ne, %add3A_150, %add3A_168 : i32
        %or3A_244 = arith.constant false
        %or3A_245 = arith.ori %or3A_244, %ne3A_243 : i1
        %or3A_246 = arith.constant false
        %or3A_247 = arith.ori %or3A_245, %or3A_246 : i1
        %or3A_248 = arith.ori %or3A_247, %eq3A_149 : i1
        %convert_element_type3A_249 = arith.extui %or3A_248 : i1 to i32
        %cond3A_250 = arith.constant 0 : i32
        %cond3A_251 = arith.cmpi ne, %convert_element_type3A_249, %cond3A_250 : i32
        scf.if %cond3A_251 {
        } else {
        }
        %and3A_252 = arith.constant false
        %and3A_253 = arith.andi %or3A_248, %and3A_252 : i1
        %ne3A_254 = arith.cmpi ne, %add3A_150, %add3A_159 : i32
        %or3A_255 = arith.constant false
        %or3A_256 = arith.ori %or3A_255, %ne3A_254 : i1
        %or3A_257 = arith.constant false
        %or3A_258 = arith.ori %or3A_256, %or3A_257 : i1
        %not3A_259 = arith.constant true
        %not3A_260 = arith.xori %eq3A_147, %not3A_259 : i1
        %and3A_261 = arith.andi %or3A_258, %not3A_260 : i1
        %convert_element_type3A_262 = arith.extui %and3A_261 : i1 to i32
        %cond3A_263 = arith.constant 0 : i32
        %cond3A_264 = arith.cmpi ne, %convert_element_type3A_262, %cond3A_263 : i32
        scf.if %cond3A_264 {
        } else {
        }
        %and3A_265 = arith.constant false
        %and3A_266 = arith.andi %and3A_261, %and3A_265 : i1
        %ne3A_267 = arith.cmpi ne, %add3A_150, %add3A_159 : i32
        %or3A_268 = arith.constant false
        %or3A_269 = arith.ori %or3A_268, %ne3A_267 : i1
        %or3A_270 = arith.constant false
        %or3A_271 = arith.ori %or3A_269, %or3A_270 : i1
        %not3A_272 = arith.constant true
        %not3A_273 = arith.xori %eq3A_147, %not3A_272 : i1
        %and3A_274 = arith.andi %or3A_271, %not3A_273 : i1
        %convert_element_type3A_275 = arith.extui %and3A_274 : i1 to i32
        %cond3A_276 = arith.constant 0 : i32
        %cond3A_277 = arith.cmpi ne, %convert_element_type3A_275, %cond3A_276 : i32
        scf.if %cond3A_277 {
        } else {
        }
        %and3A_278 = arith.constant false
        %and3A_279 = arith.andi %and3A_274, %and3A_278 : i1
        %ne3A_280 = arith.cmpi ne, %add3A_150, %add3A_168 : i32
        %or3A_281 = arith.constant false
        %or3A_282 = arith.ori %or3A_281, %ne3A_280 : i1
        %or3A_283 = arith.constant false
        %or3A_284 = arith.ori %or3A_282, %or3A_283 : i1
        %or3A_285 = arith.ori %or3A_284, %eq3A_149 : i1
        %add3A_286 = arith.constant 1 : i32
        %add3A_287 = arith.addi %scan3A_142, %add3A_286 : i32
        %select_n3A_288 = arith.select %or3A_285, %add3A_287, %scan3A_142 : i32
        %ne3A_289 = arith.cmpi ne, %add3A_150, %add3A_168 : i32
        %or3A_290 = arith.constant false
        %or3A_291 = arith.ori %or3A_290, %ne3A_289 : i1
        %or3A_292 = arith.constant false
        %or3A_293 = arith.ori %or3A_291, %or3A_292 : i1
        %or3A_294 = arith.ori %or3A_293, %eq3A_149 : i1
        %add3A_295 = arith.constant 1 : i32
        %add3A_296 = arith.addi %scan3A_144, %add3A_295 : i32
        %select_n3A_297 = arith.select %or3A_294, %add3A_296, %scan3A_144 : i32
        %add3A_298 = arith.constant 1 : i32
        %add3A_299 = arith.addi %scan3A_145, %add3A_298 : i32
        %select_n3A_300 = arith.constant true
        %select_n3A_301 = arith.select %select_n3A_300, %add3A_299, %scan3A_145 : i32
        %eq3A_302 = arith.constant 8 : i32
        %eq3A_303 = arith.cmpi eq, %select_n3A_301, %eq3A_302 : i32
        %select_n3A_304 = arith.constant 0 : i32
        %select_n3A_305 = arith.select %eq3A_303, %select_n3A_304, %select_n3A_301 : i32
        scf.yield %select_n3A_188, %select_n3A_288, %select_n3A_206, %select_n3A_297, %select_n3A_305 : i32, i32, i32, i32, i32
      }
      %scan3A_104 = arith.constant 8 : i32
      %sub3A = arith.constant 1 : i32
      %sub3A_105 = arith.subi %scan3A_103#4, %sub3A : i32
      %select_n3A_106 = arith.constant true
      %select_n3A_107 = arith.select %select_n3A_106, %sub3A_105, %scan3A_103#4 : i32
      %eq3A_108 = arith.constant -1 : i32
      %eq3A_109 = arith.cmpi eq, %select_n3A_107, %eq3A_108 : i32
      %select_n3A_110 = arith.constant 7 : i32
      %select_n3A_111 = arith.select %eq3A_109, %select_n3A_110, %select_n3A_107 : i32
      %add3A_112 = arith.addi %select_n3A_111, %mul3A_18 : i32
      %sub3A_113 = arith.constant 1 : i32
      %sub3A_114 = arith.subi %select_n3A_111, %sub3A_113 : i32
      %select_n3A_115 = arith.constant true
      %select_n3A_116 = arith.select %select_n3A_115, %sub3A_114, %select_n3A_111 : i32
      %eq3A_117 = arith.constant -1 : i32
      %eq3A_118 = arith.cmpi eq, %select_n3A_116, %eq3A_117 : i32
      %select_n3A_119 = arith.constant 7 : i32
      %select_n3A_120 = arith.select %eq3A_118, %select_n3A_119, %select_n3A_116 : i32
      %add3A_121 = arith.addi %select_n3A_120, %mul3A_18 : i32
      %add3A_122 = arith.constant 1 : i32
      %add3A_123 = arith.addi %select_n3A_111, %add3A_122 : i32
      %select_n3A_124 = arith.constant true
      %select_n3A_125 = arith.select %select_n3A_124, %add3A_123, %select_n3A_111 : i32
      %eq3A_126 = arith.constant 8 : i32
      %eq3A_127 = arith.cmpi eq, %select_n3A_125, %eq3A_126 : i32
      %select_n3A_128 = arith.constant 0 : i32
      %select_n3A_129 = arith.select %eq3A_127, %select_n3A_128, %select_n3A_125 : i32
      %add3A_130 = arith.addi %select_n3A_129, %mul3A_18 : i32
      %add3A_131 = arith.constant 1 : i32
      %add3A_132 = arith.addi %select_n3A_129, %add3A_131 : i32
      %select_n3A_133 = arith.constant true
      %select_n3A_134 = arith.select %select_n3A_133, %add3A_132, %select_n3A_129 : i32
      %eq3A_135 = arith.constant 8 : i32
      %eq3A_136 = arith.cmpi eq, %select_n3A_134, %eq3A_135 : i32
      %select_n3A_137 = arith.constant 0 : i32
      %select_n3A_138 = arith.select %eq3A_136, %select_n3A_137, %select_n3A_134 : i32
      %add3A_139 = arith.addi %select_n3A_138, %mul3A_18 : i32
      tpu.yield
    }) : () -> ()
    "tpu.region"() ({
      %run_scoped3A = tpu.sem_alloc : memref<!tpu.dma_semaphore, #tpu.memory_space<semaphore_mem>>
      %dma_start3A = arith.constant 0 : i32
      %dma_start3A_19 = arith.constant 0 : i32
      %dma_start3A_20 = tpu.memref_slice %arg4[%add3A, %dma_start3A, %dma_start3A_19] : memref<32x512x128xi32, #tpu.memory_space<hbm>> -> memref<1x512x128xi32, #tpu.memory_space<hbm>>
      %dma_start3A_21 = tpu.memref_squeeze %dma_start3A_20 : memref<1x512x128xi32, #tpu.memory_space<hbm>> -> memref<512x128xi32, #tpu.memory_space<hbm>>
      %dma_start3A_22 = arith.constant 0 : i32
      %dma_start3A_23 = arith.constant 0 : i32
      %dma_start3A_24 = tpu.memref_slice %arg4[%add3A, %dma_start3A_22, %dma_start3A_23] : memref<32x512x128xi32, #tpu.memory_space<hbm>> -> memref<1x512x128xi32, #tpu.memory_space<hbm>>
      %dma_start3A_25 = tpu.memref_squeeze %dma_start3A_24 : memref<1x512x128xi32, #tpu.memory_space<hbm>> -> memref<512x128xi32, #tpu.memory_space<hbm>>
      tpu.enqueue_dma source(%arg5 : memref<512x128xi32, #tpu.memory_space<vmem>>) target(%dma_start3A_25 : memref<512x128xi32, #tpu.memory_space<hbm>>) target_semaphore(%run_scoped3A : memref<!tpu.dma_semaphore, #tpu.memory_space<semaphore_mem>>)
      %dma_wait3A = arith.constant 0 : i32
      %dma_wait3A_26 = arith.constant 0 : i32
      %dma_wait3A_27 = tpu.memref_slice %arg4[%add3A, %dma_wait3A, %dma_wait3A_26] : memref<32x512x128xi32, #tpu.memory_space<hbm>> -> memref<1x512x128xi32, #tpu.memory_space<hbm>>
      %dma_wait3A_28 = tpu.memref_squeeze %dma_wait3A_27 : memref<1x512x128xi32, #tpu.memory_space<hbm>> -> memref<512x128xi32, #tpu.memory_space<hbm>>
      %dma_wait3A_29 = arith.constant 0 : i32
      %dma_wait3A_30 = arith.constant 0 : i32
      %dma_wait3A_31 = tpu.memref_slice %arg4[%add3A, %dma_wait3A_29, %dma_wait3A_30] : memref<32x512x128xi32, #tpu.memory_space<hbm>> -> memref<1x512x128xi32, #tpu.memory_space<hbm>>
      %dma_wait3A_32 = tpu.memref_squeeze %dma_wait3A_31 : memref<1x512x128xi32, #tpu.memory_space<hbm>> -> memref<512x128xi32, #tpu.memory_space<hbm>>
      tpu.wait_dma2 semaphore(%run_scoped3A : memref<!tpu.dma_semaphore, #tpu.memory_space<semaphore_mem>>) src(%arg5 : memref<512x128xi32, #tpu.memory_space<vmem>>) dst(%dma_wait3A_32 : memref<512x128xi32, #tpu.memory_space<hbm>>)
      tpu.yield
    }) : () -> ()
    return
  }
}

module attributes {stable_mosaic.version = 14 : i64} {
  func.func @_k1_body(%arg0: i32, %arg1: memref<1024x512xf32, #tpu.memory_space<vmem>>, %arg2: memref<1024x512xf32, #tpu.memory_space<vmem>>, %arg3: memref<8x128xf32, #tpu.memory_space<vmem>>, %arg4: memref<4xf32, #tpu.memory_space<smem>>) attributes {dimension_semantics = [#tpu.dimension_semantics<arbitrary>], iteration_bounds = array<i64: 8>, scalar_prefetch = 0 : i64, scratch_operands = 1 : i64, tpu.core_type = #tpu.core_type<tc>, window_params = [{transform_indices = @transform_0, window_bounds = array<i64: 1024, 512>}, {transform_indices = @transform_1, window_bounds = array<i64: 1024, 512>}, {pipeline_mode = #tpu.pipeline_mode<synchronous>, transform_indices = @transform_2, window_bounds = array<i64: 8, 128>}]} {
    %eq3A = arith.constant 0 : i32
    %eq3A_0 = arith.cmpi eq, %arg0, %eq3A : i32
    %convert_element_type3A = arith.extui %eq3A_0 : i1 to i32
    %cond3A = arith.constant 0 : i32
    %cond3A_1 = arith.cmpi ne, %convert_element_type3A, %cond3A : i32
    scf.if %cond3A_1 {
      %swap3A_39 = arith.constant 0.000000e+00 : f32
      %swap3A_40 = arith.constant 0 : index
      %swap3A_41 = memref.load %arg4[%swap3A_40] : memref<4xf32, #tpu.memory_space<smem>>
      memref.store %swap3A_39, %arg4[%swap3A_40] : memref<4xf32, #tpu.memory_space<smem>>
      %swap3A_42 = arith.constant 0.000000e+00 : f32
      %swap3A_43 = arith.constant 1 : index
      %swap3A_44 = memref.load %arg4[%swap3A_43] : memref<4xf32, #tpu.memory_space<smem>>
      memref.store %swap3A_42, %arg4[%swap3A_43] : memref<4xf32, #tpu.memory_space<smem>>
      %swap3A_45 = arith.constant 0.000000e+00 : f32
      %swap3A_46 = arith.constant 2 : index
      %swap3A_47 = memref.load %arg4[%swap3A_46] : memref<4xf32, #tpu.memory_space<smem>>
      memref.store %swap3A_45, %arg4[%swap3A_46] : memref<4xf32, #tpu.memory_space<smem>>
    } else {
    }
    %get3A = arith.constant 0 : index
    %get3A_2 = arith.constant 0 : index
    %get3A_3 = vector.load %arg1[%get3A, %get3A_2] : memref<1024x512xf32, #tpu.memory_space<vmem>>, vector<1024x512xf32>
    %get3A_4 = arith.constant 0 : index
    %get3A_5 = arith.constant 0 : index
    %get3A_6 = vector.load %arg2[%get3A_4, %get3A_5] : memref<1024x512xf32, #tpu.memory_space<vmem>>, vector<1024x512xf32>
    %get3A_7 = arith.constant 0 : index
    %get3A_8 = memref.load %arg4[%get3A_7] : memref<4xf32, #tpu.memory_space<smem>>
    %mul3A = arith.mulf %get3A_3, %get3A_6 : vector<1024x512xf32>
    %reduce_sum3A = vector.shape_cast %mul3A : vector<1024x512xf32> to vector<1x1024x512xf32>
    %reduce_sum3A_9 = arith.constant dense<0.000000e+00> : vector<1xf32>
    %reduce_sum3A_10 = vector.multi_reduction <add>, %reduce_sum3A, %reduce_sum3A_9 [1, 2] : vector<1x1024x512xf32> to vector<1xf32>
    %reduce_sum3A_11 = vector.shape_cast %reduce_sum3A_10 : vector<1xf32> to vector<1x1x1xf32>
    %reduce_sum3A_12 = vector.extract %reduce_sum3A_11[0, 0, 0] : f32 from vector<1x1x1xf32>
    %add3A = arith.addf %get3A_8, %reduce_sum3A_12 : f32
    %swap3A = arith.constant 0 : index
    %swap3A_13 = memref.load %arg4[%swap3A] : memref<4xf32, #tpu.memory_space<smem>>
    memref.store %add3A, %arg4[%swap3A] : memref<4xf32, #tpu.memory_space<smem>>
    %get3A_14 = arith.constant 1 : index
    %get3A_15 = memref.load %arg4[%get3A_14] : memref<4xf32, #tpu.memory_space<smem>>
    %reduce_sum3A_16 = vector.shape_cast %get3A_3 : vector<1024x512xf32> to vector<1x1024x512xf32>
    %reduce_sum3A_17 = arith.constant dense<0.000000e+00> : vector<1xf32>
    %reduce_sum3A_18 = vector.multi_reduction <add>, %reduce_sum3A_16, %reduce_sum3A_17 [1, 2] : vector<1x1024x512xf32> to vector<1xf32>
    %reduce_sum3A_19 = vector.shape_cast %reduce_sum3A_18 : vector<1xf32> to vector<1x1x1xf32>
    %reduce_sum3A_20 = vector.extract %reduce_sum3A_19[0, 0, 0] : f32 from vector<1x1x1xf32>
    %add3A_21 = arith.addf %get3A_15, %reduce_sum3A_20 : f32
    %swap3A_22 = arith.constant 1 : index
    %swap3A_23 = memref.load %arg4[%swap3A_22] : memref<4xf32, #tpu.memory_space<smem>>
    memref.store %add3A_21, %arg4[%swap3A_22] : memref<4xf32, #tpu.memory_space<smem>>
    %get3A_24 = arith.constant 2 : index
    %get3A_25 = memref.load %arg4[%get3A_24] : memref<4xf32, #tpu.memory_space<smem>>
    %reduce_sum3A_26 = vector.shape_cast %get3A_6 : vector<1024x512xf32> to vector<1x1024x512xf32>
    %reduce_sum3A_27 = arith.constant dense<0.000000e+00> : vector<1xf32>
    %reduce_sum3A_28 = vector.multi_reduction <add>, %reduce_sum3A_26, %reduce_sum3A_27 [1, 2] : vector<1x1024x512xf32> to vector<1xf32>
    %reduce_sum3A_29 = vector.shape_cast %reduce_sum3A_28 : vector<1xf32> to vector<1x1x1xf32>
    %reduce_sum3A_30 = vector.extract %reduce_sum3A_29[0, 0, 0] : f32 from vector<1x1x1xf32>
    %add3A_31 = arith.addf %get3A_25, %reduce_sum3A_30 : f32
    %swap3A_32 = arith.constant 2 : index
    %swap3A_33 = memref.load %arg4[%swap3A_32] : memref<4xf32, #tpu.memory_space<smem>>
    memref.store %add3A_31, %arg4[%swap3A_32] : memref<4xf32, #tpu.memory_space<smem>>
    %eq3A_34 = arith.constant 7 : i32
    %eq3A_35 = arith.cmpi eq, %arg0, %eq3A_34 : i32
    %convert_element_type3A_36 = arith.extui %eq3A_35 : i1 to i32
    %cond3A_37 = arith.constant 0 : i32
    %cond3A_38 = arith.cmpi ne, %convert_element_type3A_36, %cond3A_37 : i32
    scf.if %cond3A_38 {
      %iota3A = tpu.iota {dimensions = array<i32: 0>} : vector<8x128xi32>
      %iota3A_39 = tpu.iota {dimensions = array<i32: 1>} : vector<8x128xi32>
      %eq3A_40 = arith.constant 0 : i32
      %eq3A_41 = vector.broadcast %eq3A_40 : i32 to vector<8x128xi32>
      %eq3A_42 = arith.cmpi eq, %iota3A, %eq3A_41 : vector<8x128xi32>
      %eq3A_43 = arith.constant 0 : i32
      %eq3A_44 = vector.broadcast %eq3A_43 : i32 to vector<8x128xi32>
      %eq3A_45 = arith.cmpi eq, %iota3A_39, %eq3A_44 : vector<8x128xi32>
      %and3A = arith.andi %eq3A_42, %eq3A_45 : vector<8x128xi1>
      %get3A_46 = arith.constant 0 : index
      %get3A_47 = memref.load %arg4[%get3A_46] : memref<4xf32, #tpu.memory_space<smem>>
      %jit3A = arith.constant 0.000000e+00 : f32
      %broadcast_in_dim3A = vector.broadcast %get3A_47 : f32 to vector<8x128xf32>
      %broadcast_in_dim3A_48 = vector.broadcast %jit3A : f32 to vector<8x128xf32>
      %select_n3A = arith.select %and3A, %broadcast_in_dim3A, %broadcast_in_dim3A_48 : vector<8x128xi1>, vector<8x128xf32>
      %eq3A_49 = arith.constant 0 : i32
      %eq3A_50 = vector.broadcast %eq3A_49 : i32 to vector<8x128xi32>
      %eq3A_51 = arith.cmpi eq, %iota3A, %eq3A_50 : vector<8x128xi32>
      %eq3A_52 = arith.constant 1 : i32
      %eq3A_53 = vector.broadcast %eq3A_52 : i32 to vector<8x128xi32>
      %eq3A_54 = arith.cmpi eq, %iota3A_39, %eq3A_53 : vector<8x128xi32>
      %and3A_55 = arith.andi %eq3A_51, %eq3A_54 : vector<8x128xi1>
      %get3A_56 = arith.constant 1 : index
      %get3A_57 = memref.load %arg4[%get3A_56] : memref<4xf32, #tpu.memory_space<smem>>
      %broadcast_in_dim3A_58 = vector.broadcast %get3A_57 : f32 to vector<8x128xf32>
      %select_n3A_59 = arith.select %and3A_55, %broadcast_in_dim3A_58, %select_n3A : vector<8x128xi1>, vector<8x128xf32>
      %eq3A_60 = arith.constant 0 : i32
      %eq3A_61 = vector.broadcast %eq3A_60 : i32 to vector<8x128xi32>
      %eq3A_62 = arith.cmpi eq, %iota3A, %eq3A_61 : vector<8x128xi32>
      %eq3A_63 = arith.constant 2 : i32
      %eq3A_64 = vector.broadcast %eq3A_63 : i32 to vector<8x128xi32>
      %eq3A_65 = arith.cmpi eq, %iota3A_39, %eq3A_64 : vector<8x128xi32>
      %and3A_66 = arith.andi %eq3A_62, %eq3A_65 : vector<8x128xi1>
      %get3A_67 = arith.constant 2 : index
      %get3A_68 = memref.load %arg4[%get3A_67] : memref<4xf32, #tpu.memory_space<smem>>
      %broadcast_in_dim3A_69 = vector.broadcast %get3A_68 : f32 to vector<8x128xf32>
      %select_n3A_70 = arith.select %and3A_66, %broadcast_in_dim3A_69, %select_n3A_59 : vector<8x128xi1>, vector<8x128xf32>
      %swap3A_71 = arith.constant 0 : index
      %swap3A_72 = arith.constant 0 : index
      %swap3A_73 = vector.load %arg3[%swap3A_71, %swap3A_72] : memref<8x128xf32, #tpu.memory_space<vmem>>, vector<8x128xf32>
      tpu.vector_store %arg3[%swap3A_71, %swap3A_72], %select_n3A_70 {strides = array<i32>} : memref<8x128xf32, #tpu.memory_space<vmem>>, vector<8x128xf32>,
    } else {
    }
    return
  }
  func.func @transform_0(%arg0: i32) -> (i32, i32) {
    %c0_i32 = arith.constant 0 : i32
    %c0_i32_0 = arith.constant 0 : i32
    return %arg0, %c0_i32 : i32, i32
  }
  func.func @transform_1(%arg0: i32) -> (i32, i32) {
    %c0_i32 = arith.constant 0 : i32
    %c0_i32_0 = arith.constant 0 : i32
    return %arg0, %c0_i32 : i32, i32
  }
  func.func @transform_2(%arg0: i32) -> (i32, i32) {
    %c0_i32 = arith.constant 0 : i32
    %c0_i32_0 = arith.constant 0 : i32
    %c0_i32_1 = arith.constant 0 : i32
    return %c0_i32, %c0_i32_0 : i32, i32
  }
}

module attributes {stable_mosaic.version = 14 : i64} {
  func.func @_k5_body(%arg0: i32, %arg1: memref<8x128xf32, #tpu.memory_space<vmem>>, %arg2: memref<8x128xi32, #tpu.memory_space<vmem>>, %arg3: memref<32x256x128xi32, #tpu.memory_space<vmem>>, %arg4: memref<1024x512xf32, #tpu.memory_space<vmem>>, %arg5: memref<1024x512xf32, #tpu.memory_space<vmem>>, %arg6: memref<8x128xf32, #tpu.memory_space<vmem>>, %arg7: memref<2xi32, #tpu.memory_space<smem>>, %arg8: memref<2xf32, #tpu.memory_space<smem>>) attributes {dimension_semantics = [#tpu.dimension_semantics<arbitrary>], iteration_bounds = array<i64: 8>, scalar_prefetch = 0 : i64, scratch_operands = 2 : i64, tpu.core_type = #tpu.core_type<tc>, window_params = [{pipeline_mode = #tpu.pipeline_mode<synchronous>, transform_indices = @transform_0, window_bounds = array<i64: 8, 128>}, {pipeline_mode = #tpu.pipeline_mode<synchronous>, transform_indices = @transform_1, window_bounds = array<i64: 8, 128>}, {pipeline_mode = #tpu.pipeline_mode<synchronous>, transform_indices = @transform_2, window_bounds = array<i64: 32, 256, 128>}, {transform_indices = @transform_3, window_bounds = array<i64: 1024, 512>}, {transform_indices = @transform_4, window_bounds = array<i64: 1024, 512>}, {pipeline_mode = #tpu.pipeline_mode<synchronous>, transform_indices = @transform_5, window_bounds = array<i64: 8, 128>}]} {
    %iota3A = tpu.iota {dimensions = array<i32: 0>} : vector<8x128xi32>
    %eq3A = arith.constant 0 : i32
    %eq3A_0 = arith.cmpi eq, %arg0, %eq3A : i32
    %convert_element_type3A = arith.extui %eq3A_0 : i1 to i32
    %cond3A = arith.constant 0 : i32
    %cond3A_1 = arith.cmpi ne, %convert_element_type3A, %cond3A : i32
    scf.if %cond3A_1 {
      %get3A_40 = arith.constant 0 : index
      %get3A_41 = arith.constant 0 : index
      %get3A_42 = vector.load %arg2[%get3A_40, %get3A_41] : memref<8x128xi32, #tpu.memory_space<vmem>>, vector<8x128xi32>
      %eq3A_43 = arith.constant 0 : i32
      %eq3A_44 = vector.broadcast %eq3A_43 : i32 to vector<8x128xi32>
      %eq3A_45 = arith.cmpi eq, %iota3A, %eq3A_44 : vector<8x128xi32>
      %jit3A_46 = arith.constant 0 : i32
      %broadcast_in_dim3A_47 = vector.broadcast %jit3A_46 : i32 to vector<8x128xi32>
      %select_n3A_48 = arith.select %eq3A_45, %get3A_42, %broadcast_in_dim3A_47 : vector<8x128xi1>, vector<8x128xi32>
      %reduce_sum3A_49 = vector.shape_cast %select_n3A_48 : vector<8x128xi32> to vector<1x8x128xi32>
      %reduce_sum3A_50 = arith.constant dense<0> : vector<1xi32>
      %reduce_sum3A_51 = vector.multi_reduction <add>, %reduce_sum3A_49, %reduce_sum3A_50 [1, 2] : vector<1x8x128xi32> to vector<1xi32>
      %reduce_sum3A_52 = vector.shape_cast %reduce_sum3A_51 : vector<1xi32> to vector<1x1x1xi32>
      %reduce_sum3A_53 = vector.extract %reduce_sum3A_52[0, 0, 0] : i32 from vector<1x1x1xi32>
      %jit3A_54 = arith.constant 128 : i32
      %div3A = arith.divsi %reduce_sum3A_53, %jit3A_54 : i32
      %sign3A = arith.constant 0 : i32
      %sign3A_55 = arith.cmpi sgt, %reduce_sum3A_53, %sign3A : i32
      %sign3A_56 = arith.extui %sign3A_55 : i1 to i32
      %sign3A_57 = arith.constant 0 : i32
      %sign3A_58 = arith.cmpi slt, %reduce_sum3A_53, %sign3A_57 : i32
      %sign3A_59 = arith.extui %sign3A_58 : i1 to i32
      %sign3A_60 = arith.subi %sign3A_56, %sign3A_59 : i32
      %sign3A_61 = arith.constant 0 : i32
      %sign3A_62 = arith.cmpi sgt, %jit3A_54, %sign3A_61 : i32
      %sign3A_63 = arith.extui %sign3A_62 : i1 to i32
      %sign3A_64 = arith.constant 0 : i32
      %sign3A_65 = arith.cmpi slt, %jit3A_54, %sign3A_64 : i32
      %sign3A_66 = arith.extui %sign3A_65 : i1 to i32
      %sign3A_67 = arith.subi %sign3A_63, %sign3A_66 : i32
      %ne3A = arith.cmpi ne, %sign3A_60, %sign3A_67 : i32
      %rem3A = arith.remsi %reduce_sum3A_53, %jit3A_54 : i32
      %ne3A_68 = arith.constant 0 : i32
      %ne3A_69 = arith.cmpi ne, %rem3A, %ne3A_68 : i32
      %and3A = arith.andi %ne3A, %ne3A_69 : i1
      %sub3A_70 = arith.constant 1 : i32
      %sub3A_71 = arith.subi %div3A, %sub3A_70 : i32
      %select_n3A_72 = arith.select %and3A, %sub3A_71, %div3A : i32
      %eq3A_73 = arith.constant 1 : i32
      %eq3A_74 = vector.broadcast %eq3A_73 : i32 to vector<8x128xi32>
      %eq3A_75 = arith.cmpi eq, %iota3A, %eq3A_74 : vector<8x128xi32>
      %jit3A_76 = arith.constant 0 : i32
      %broadcast_in_dim3A_77 = vector.broadcast %jit3A_76 : i32 to vector<8x128xi32>
      %select_n3A_78 = arith.select %eq3A_75, %get3A_42, %broadcast_in_dim3A_77 : vector<8x128xi1>, vector<8x128xi32>
      %reduce_sum3A_79 = vector.shape_cast %select_n3A_78 : vector<8x128xi32> to vector<1x8x128xi32>
      %reduce_sum3A_80 = arith.constant dense<0> : vector<1xi32>
      %reduce_sum3A_81 = vector.multi_reduction <add>, %reduce_sum3A_79, %reduce_sum3A_80 [1, 2] : vector<1x8x128xi32> to vector<1xi32>
      %reduce_sum3A_82 = vector.shape_cast %reduce_sum3A_81 : vector<1xi32> to vector<1x1x1xi32>
      %reduce_sum3A_83 = vector.extract %reduce_sum3A_82[0, 0, 0] : i32 from vector<1x1x1xi32>
      %jit3A_84 = arith.constant 128 : i32
      %div3A_85 = arith.divsi %reduce_sum3A_83, %jit3A_84 : i32
      %sign3A_86 = arith.constant 0 : i32
      %sign3A_87 = arith.cmpi sgt, %reduce_sum3A_83, %sign3A_86 : i32
      %sign3A_88 = arith.extui %sign3A_87 : i1 to i32
      %sign3A_89 = arith.constant 0 : i32
      %sign3A_90 = arith.cmpi slt, %reduce_sum3A_83, %sign3A_89 : i32
      %sign3A_91 = arith.extui %sign3A_90 : i1 to i32
      %sign3A_92 = arith.subi %sign3A_88, %sign3A_91 : i32
      %sign3A_93 = arith.constant 0 : i32
      %sign3A_94 = arith.cmpi sgt, %jit3A_84, %sign3A_93 : i32
      %sign3A_95 = arith.extui %sign3A_94 : i1 to i32
      %sign3A_96 = arith.constant 0 : i32
      %sign3A_97 = arith.cmpi slt, %jit3A_84, %sign3A_96 : i32
      %sign3A_98 = arith.extui %sign3A_97 : i1 to i32
      %sign3A_99 = arith.subi %sign3A_95, %sign3A_98 : i32
      %ne3A_100 = arith.cmpi ne, %sign3A_92, %sign3A_99 : i32
      %rem3A_101 = arith.remsi %reduce_sum3A_83, %jit3A_84 : i32
      %ne3A_102 = arith.constant 0 : i32
      %ne3A_103 = arith.cmpi ne, %rem3A_101, %ne3A_102 : i32
      %and3A_104 = arith.andi %ne3A_100, %ne3A_103 : i1
      %sub3A_105 = arith.constant 1 : i32
      %sub3A_106 = arith.subi %div3A_85, %sub3A_105 : i32
      %select_n3A_107 = arith.select %and3A_104, %sub3A_106, %div3A_85 : i32
      %sub3A_108 = arith.constant 419430 : i32
      %sub3A_109 = arith.subi %sub3A_108, %select_n3A_107 : i32
      %get3A_110 = arith.constant 0 : index
      %get3A_111 = arith.constant 0 : index
      %get3A_112 = arith.constant 0 : index
      %get3A_113 = vector.load %arg3[%get3A_110, %get3A_111, %get3A_112] : memref<32x256x128xi32, #tpu.memory_space<vmem>>, vector<1x256x128xi32>
      %get3A_114 = vector.shape_cast %get3A_113 : vector<1x256x128xi32> to vector<256x128xi32>
      %get3A_115 = arith.constant 1 : index
      %get3A_116 = arith.constant 0 : index
      %get3A_117 = arith.constant 0 : index
      %get3A_118 = vector.load %arg3[%get3A_115, %get3A_116, %get3A_117] : memref<32x256x128xi32, #tpu.memory_space<vmem>>, vector<1x256x128xi32>
      %get3A_119 = vector.shape_cast %get3A_118 : vector<1x256x128xi32> to vector<256x128xi32>
      %add3A_120 = arith.addi %get3A_114, %get3A_119 : vector<256x128xi32>
      %get3A_121 = arith.constant 2 : index
      %get3A_122 = arith.constant 0 : index
      %get3A_123 = arith.constant 0 : index
      %get3A_124 = vector.load %arg3[%get3A_121, %get3A_122, %get3A_123] : memref<32x256x128xi32, #tpu.memory_space<vmem>>, vector<1x256x128xi32>
      %get3A_125 = vector.shape_cast %get3A_124 : vector<1x256x128xi32> to vector<256x128xi32>
      %add3A_126 = arith.addi %add3A_120, %get3A_125 : vector<256x128xi32>
      %get3A_127 = arith.constant 3 : index
      %get3A_128 = arith.constant 0 : index
      %get3A_129 = arith.constant 0 : index
      %get3A_130 = vector.load %arg3[%get3A_127, %get3A_128, %get3A_129] : memref<32x256x128xi32, #tpu.memory_space<vmem>>, vector<1x256x128xi32>
      %get3A_131 = vector.shape_cast %get3A_130 : vector<1x256x128xi32> to vector<256x128xi32>
      %add3A_132 = arith.addi %add3A_126, %get3A_131 : vector<256x128xi32>
      %get3A_133 = arith.constant 4 : index
      %get3A_134 = arith.constant 0 : index
      %get3A_135 = arith.constant 0 : index
      %get3A_136 = vector.load %arg3[%get3A_133, %get3A_134, %get3A_135] : memref<32x256x128xi32, #tpu.memory_space<vmem>>, vector<1x256x128xi32>
      %get3A_137 = vector.shape_cast %get3A_136 : vector<1x256x128xi32> to vector<256x128xi32>
      %add3A_138 = arith.addi %add3A_132, %get3A_137 : vector<256x128xi32>
      %get3A_139 = arith.constant 5 : index
      %get3A_140 = arith.constant 0 : index
      %get3A_141 = arith.constant 0 : index
      %get3A_142 = vector.load %arg3[%get3A_139, %get3A_140, %get3A_141] : memref<32x256x128xi32, #tpu.memory_space<vmem>>, vector<1x256x128xi32>
      %get3A_143 = vector.shape_cast %get3A_142 : vector<1x256x128xi32> to vector<256x128xi32>
      %add3A_144 = arith.addi %add3A_138, %get3A_143 : vector<256x128xi32>
      %get3A_145 = arith.constant 6 : index
      %get3A_146 = arith.constant 0 : index
      %get3A_147 = arith.constant 0 : index
      %get3A_148 = vector.load %arg3[%get3A_145, %get3A_146, %get3A_147] : memref<32x256x128xi32, #tpu.memory_space<vmem>>, vector<1x256x128xi32>
      %get3A_149 = vector.shape_cast %get3A_148 : vector<1x256x128xi32> to vector<256x128xi32>
      %add3A_150 = arith.addi %add3A_144, %get3A_149 : vector<256x128xi32>
      %get3A_151 = arith.constant 7 : index
      %get3A_152 = arith.constant 0 : index
      %get3A_153 = arith.constant 0 : index
      %get3A_154 = vector.load %arg3[%get3A_151, %get3A_152, %get3A_153] : memref<32x256x128xi32, #tpu.memory_space<vmem>>, vector<1x256x128xi32>
      %get3A_155 = vector.shape_cast %get3A_154 : vector<1x256x128xi32> to vector<256x128xi32>
      %add3A_156 = arith.addi %add3A_150, %get3A_155 : vector<256x128xi32>
      %get3A_157 = arith.constant 8 : index
      %get3A_158 = arith.constant 0 : index
      %get3A_159 = arith.constant 0 : index
      %get3A_160 = vector.load %arg3[%get3A_157, %get3A_158, %get3A_159] : memref<32x256x128xi32, #tpu.memory_space<vmem>>, vector<1x256x128xi32>
      %get3A_161 = vector.shape_cast %get3A_160 : vector<1x256x128xi32> to vector<256x128xi32>
      %add3A_162 = arith.addi %add3A_156, %get3A_161 : vector<256x128xi32>
      %get3A_163 = arith.constant 9 : index
      %get3A_164 = arith.constant 0 : index
      %get3A_165 = arith.constant 0 : index
      %get3A_166 = vector.load %arg3[%get3A_163, %get3A_164, %get3A_165] : memref<32x256x128xi32, #tpu.memory_space<vmem>>, vector<1x256x128xi32>
      %get3A_167 = vector.shape_cast %get3A_166 : vector<1x256x128xi32> to vector<256x128xi32>
      %add3A_168 = arith.addi %add3A_162, %get3A_167 : vector<256x128xi32>
      %get3A_169 = arith.constant 10 : index
      %get3A_170 = arith.constant 0 : index
      %get3A_171 = arith.constant 0 : index
      %get3A_172 = vector.load %arg3[%get3A_169, %get3A_170, %get3A_171] : memref<32x256x128xi32, #tpu.memory_space<vmem>>, vector<1x256x128xi32>
      %get3A_173 = vector.shape_cast %get3A_172 : vector<1x256x128xi32> to vector<256x128xi32>
      %add3A_174 = arith.addi %add3A_168, %get3A_173 : vector<256x128xi32>
      %get3A_175 = arith.constant 11 : index
      %get3A_176 = arith.constant 0 : index
      %get3A_177 = arith.constant 0 : index
      %get3A_178 = vector.load %arg3[%get3A_175, %get3A_176, %get3A_177] : memref<32x256x128xi32, #tpu.memory_space<vmem>>, vector<1x256x128xi32>
      %get3A_179 = vector.shape_cast %get3A_178 : vector<1x256x128xi32> to vector<256x128xi32>
      %add3A_180 = arith.addi %add3A_174, %get3A_179 : vector<256x128xi32>
      %get3A_181 = arith.constant 12 : index
      %get3A_182 = arith.constant 0 : index
      %get3A_183 = arith.constant 0 : index
      %get3A_184 = vector.load %arg3[%get3A_181, %get3A_182, %get3A_183] : memref<32x256x128xi32, #tpu.memory_space<vmem>>, vector<1x256x128xi32>
      %get3A_185 = vector.shape_cast %get3A_184 : vector<1x256x128xi32> to vector<256x128xi32>
      %add3A_186 = arith.addi %add3A_180, %get3A_185 : vector<256x128xi32>
      %get3A_187 = arith.constant 13 : index
      %get3A_188 = arith.constant 0 : index
      %get3A_189 = arith.constant 0 : index
      %get3A_190 = vector.load %arg3[%get3A_187, %get3A_188, %get3A_189] : memref<32x256x128xi32, #tpu.memory_space<vmem>>, vector<1x256x128xi32>
      %get3A_191 = vector.shape_cast %get3A_190 : vector<1x256x128xi32> to vector<256x128xi32>
      %add3A_192 = arith.addi %add3A_186, %get3A_191 : vector<256x128xi32>
      %get3A_193 = arith.constant 14 : index
      %get3A_194 = arith.constant 0 : index
      %get3A_195 = arith.constant 0 : index
      %get3A_196 = vector.load %arg3[%get3A_193, %get3A_194, %get3A_195] : memref<32x256x128xi32, #tpu.memory_space<vmem>>, vector<1x256x128xi32>
      %get3A_197 = vector.shape_cast %get3A_196 : vector<1x256x128xi32> to vector<256x128xi32>
      %add3A_198 = arith.addi %add3A_192, %get3A_197 : vector<256x128xi32>
      %get3A_199 = arith.constant 15 : index
      %get3A_200 = arith.constant 0 : index
      %get3A_201 = arith.constant 0 : index
      %get3A_202 = vector.load %arg3[%get3A_199, %get3A_200, %get3A_201] : memref<32x256x128xi32, #tpu.memory_space<vmem>>, vector<1x256x128xi32>
      %get3A_203 = vector.shape_cast %get3A_202 : vector<1x256x128xi32> to vector<256x128xi32>
      %add3A_204 = arith.addi %add3A_198, %get3A_203 : vector<256x128xi32>
      %get3A_205 = arith.constant 16 : index
      %get3A_206 = arith.constant 0 : index
      %get3A_207 = arith.constant 0 : index
      %get3A_208 = vector.load %arg3[%get3A_205, %get3A_206, %get3A_207] : memref<32x256x128xi32, #tpu.memory_space<vmem>>, vector<1x256x128xi32>
      %get3A_209 = vector.shape_cast %get3A_208 : vector<1x256x128xi32> to vector<256x128xi32>
      %add3A_210 = arith.addi %add3A_204, %get3A_209 : vector<256x128xi32>
      %get3A_211 = arith.constant 17 : index
      %get3A_212 = arith.constant 0 : index
      %get3A_213 = arith.constant 0 : index
      %get3A_214 = vector.load %arg3[%get3A_211, %get3A_212, %get3A_213] : memref<32x256x128xi32, #tpu.memory_space<vmem>>, vector<1x256x128xi32>
      %get3A_215 = vector.shape_cast %get3A_214 : vector<1x256x128xi32> to vector<256x128xi32>
      %add3A_216 = arith.addi %add3A_210, %get3A_215 : vector<256x128xi32>
      %get3A_217 = arith.constant 18 : index
      %get3A_218 = arith.constant 0 : index
      %get3A_219 = arith.constant 0 : index
      %get3A_220 = vector.load %arg3[%get3A_217, %get3A_218, %get3A_219] : memref<32x256x128xi32, #tpu.memory_space<vmem>>, vector<1x256x128xi32>
      %get3A_221 = vector.shape_cast %get3A_220 : vector<1x256x128xi32> to vector<256x128xi32>
      %add3A_222 = arith.addi %add3A_216, %get3A_221 : vector<256x128xi32>
      %get3A_223 = arith.constant 19 : index
      %get3A_224 = arith.constant 0 : index
      %get3A_225 = arith.constant 0 : index
      %get3A_226 = vector.load %arg3[%get3A_223, %get3A_224, %get3A_225] : memref<32x256x128xi32, #tpu.memory_space<vmem>>, vector<1x256x128xi32>
      %get3A_227 = vector.shape_cast %get3A_226 : vector<1x256x128xi32> to vector<256x128xi32>
      %add3A_228 = arith.addi %add3A_222, %get3A_227 : vector<256x128xi32>
      %get3A_229 = arith.constant 20 : index
      %get3A_230 = arith.constant 0 : index
      %get3A_231 = arith.constant 0 : index
      %get3A_232 = vector.load %arg3[%get3A_229, %get3A_230, %get3A_231] : memref<32x256x128xi32, #tpu.memory_space<vmem>>, vector<1x256x128xi32>
      %get3A_233 = vector.shape_cast %get3A_232 : vector<1x256x128xi32> to vector<256x128xi32>
      %add3A_234 = arith.addi %add3A_228, %get3A_233 : vector<256x128xi32>
      %get3A_235 = arith.constant 21 : index
      %get3A_236 = arith.constant 0 : index
      %get3A_237 = arith.constant 0 : index
      %get3A_238 = vector.load %arg3[%get3A_235, %get3A_236, %get3A_237] : memref<32x256x128xi32, #tpu.memory_space<vmem>>, vector<1x256x128xi32>
      %get3A_239 = vector.shape_cast %get3A_238 : vector<1x256x128xi32> to vector<256x128xi32>
      %add3A_240 = arith.addi %add3A_234, %get3A_239 : vector<256x128xi32>
      %get3A_241 = arith.constant 22 : index
      %get3A_242 = arith.constant 0 : index
      %get3A_243 = arith.constant 0 : index
      %get3A_244 = vector.load %arg3[%get3A_241, %get3A_242, %get3A_243] : memref<32x256x128xi32, #tpu.memory_space<vmem>>, vector<1x256x128xi32>
      %get3A_245 = vector.shape_cast %get3A_244 : vector<1x256x128xi32> to vector<256x128xi32>
      %add3A_246 = arith.addi %add3A_240, %get3A_245 : vector<256x128xi32>
      %get3A_247 = arith.constant 23 : index
      %get3A_248 = arith.constant 0 : index
      %get3A_249 = arith.constant 0 : index
      %get3A_250 = vector.load %arg3[%get3A_247, %get3A_248, %get3A_249] : memref<32x256x128xi32, #tpu.memory_space<vmem>>, vector<1x256x128xi32>
      %get3A_251 = vector.shape_cast %get3A_250 : vector<1x256x128xi32> to vector<256x128xi32>
      %add3A_252 = arith.addi %add3A_246, %get3A_251 : vector<256x128xi32>
      %get3A_253 = arith.constant 24 : index
      %get3A_254 = arith.constant 0 : index
      %get3A_255 = arith.constant 0 : index
      %get3A_256 = vector.load %arg3[%get3A_253, %get3A_254, %get3A_255] : memref<32x256x128xi32, #tpu.memory_space<vmem>>, vector<1x256x128xi32>
      %get3A_257 = vector.shape_cast %get3A_256 : vector<1x256x128xi32> to vector<256x128xi32>
      %add3A_258 = arith.addi %add3A_252, %get3A_257 : vector<256x128xi32>
      %get3A_259 = arith.constant 25 : index
      %get3A_260 = arith.constant 0 : index
      %get3A_261 = arith.constant 0 : index
      %get3A_262 = vector.load %arg3[%get3A_259, %get3A_260, %get3A_261] : memref<32x256x128xi32, #tpu.memory_space<vmem>>, vector<1x256x128xi32>
      %get3A_263 = vector.shape_cast %get3A_262 : vector<1x256x128xi32> to vector<256x128xi32>
      %add3A_264 = arith.addi %add3A_258, %get3A_263 : vector<256x128xi32>
      %get3A_265 = arith.constant 26 : index
      %get3A_266 = arith.constant 0 : index
      %get3A_267 = arith.constant 0 : index
      %get3A_268 = vector.load %arg3[%get3A_265, %get3A_266, %get3A_267] : memref<32x256x128xi32, #tpu.memory_space<vmem>>, vector<1x256x128xi32>
      %get3A_269 = vector.shape_cast %get3A_268 : vector<1x256x128xi32> to vector<256x128xi32>
      %add3A_270 = arith.addi %add3A_264, %get3A_269 : vector<256x128xi32>
      %get3A_271 = arith.constant 27 : index
      %get3A_272 = arith.constant 0 : index
      %get3A_273 = arith.constant 0 : index
      %get3A_274 = vector.load %arg3[%get3A_271, %get3A_272, %get3A_273] : memref<32x256x128xi32, #tpu.memory_space<vmem>>, vector<1x256x128xi32>
      %get3A_275 = vector.shape_cast %get3A_274 : vector<1x256x128xi32> to vector<256x128xi32>
      %add3A_276 = arith.addi %add3A_270, %get3A_275 : vector<256x128xi32>
      %get3A_277 = arith.constant 28 : index
      %get3A_278 = arith.constant 0 : index
      %get3A_279 = arith.constant 0 : index
      %get3A_280 = vector.load %arg3[%get3A_277, %get3A_278, %get3A_279] : memref<32x256x128xi32, #tpu.memory_space<vmem>>, vector<1x256x128xi32>
      %get3A_281 = vector.shape_cast %get3A_280 : vector<1x256x128xi32> to vector<256x128xi32>
      %add3A_282 = arith.addi %add3A_276, %get3A_281 : vector<256x128xi32>
      %get3A_283 = arith.constant 29 : index
      %get3A_284 = arith.constant 0 : index
      %get3A_285 = arith.constant 0 : index
      %get3A_286 = vector.load %arg3[%get3A_283, %get3A_284, %get3A_285] : memref<32x256x128xi32, #tpu.memory_space<vmem>>, vector<1x256x128xi32>
      %get3A_287 = vector.shape_cast %get3A_286 : vector<1x256x128xi32> to vector<256x128xi32>
      %add3A_288 = arith.addi %add3A_282, %get3A_287 : vector<256x128xi32>
      %get3A_289 = arith.constant 30 : index
      %get3A_290 = arith.constant 0 : index
      %get3A_291 = arith.constant 0 : index
      %get3A_292 = vector.load %arg3[%get3A_289, %get3A_290, %get3A_291] : memref<32x256x128xi32, #tpu.memory_space<vmem>>, vector<1x256x128xi32>
      %get3A_293 = vector.shape_cast %get3A_292 : vector<1x256x128xi32> to vector<256x128xi32>
      %add3A_294 = arith.addi %add3A_288, %get3A_293 : vector<256x128xi32>
      %get3A_295 = arith.constant 31 : index
      %get3A_296 = arith.constant 0 : index
      %get3A_297 = arith.constant 0 : index
      %get3A_298 = vector.load %arg3[%get3A_295, %get3A_296, %get3A_297] : memref<32x256x128xi32, #tpu.memory_space<vmem>>, vector<1x256x128xi32>
      %get3A_299 = vector.shape_cast %get3A_298 : vector<1x256x128xi32> to vector<256x128xi32>
      %add3A_300 = arith.addi %add3A_294, %get3A_299 : vector<256x128xi32>
      %iota3A_301 = tpu.iota {dimensions = array<i32: 0>} : vector<256x128xi32>
      %mul3A_302 = arith.constant 128 : i32
      %mul3A_303 = vector.broadcast %mul3A_302 : i32 to vector<256x128xi32>
      %mul3A_304 = arith.muli %iota3A_301, %mul3A_303 : vector<256x128xi32>
      %iota3A_305 = tpu.iota {dimensions = array<i32: 1>} : vector<256x128xi32>
      %add3A_306 = arith.addi %mul3A_304, %iota3A_305 : vector<256x128xi32>
      %scan3A = arith.constant 0 : i32
      %scan3A_307 = arith.constant 32767 : i32
      %scan3A_308 = arith.constant 0 : i32
      %scan3A_309 = arith.constant 15 : i32
      %scan3A_310 = arith.addi %scan3A_308, %scan3A_309 : i32
      %scan3A_311 = arith.constant 1 : i32
      %scan3A_312:2 = scf.for %scan3A_334 = %scan3A_308 to %scan3A_310 step %scan3A_311 iter_args(%scan3A_335 = %scan3A, %scan3A_336 = %scan3A_307) -> (i32, i32)  : i32 {
        %add3A_337 = arith.addi %scan3A_335, %scan3A_336 : i32
        %jit3A_338 = arith.constant 2 : i32
        %div3A_339 = arith.divsi %add3A_337, %jit3A_338 : i32
        %sign3A_340 = arith.constant 0 : i32
        %sign3A_341 = arith.cmpi sgt, %add3A_337, %sign3A_340 : i32
        %sign3A_342 = arith.extui %sign3A_341 : i1 to i32
        %sign3A_343 = arith.constant 0 : i32
        %sign3A_344 = arith.cmpi slt, %add3A_337, %sign3A_343 : i32
        %sign3A_345 = arith.extui %sign3A_344 : i1 to i32
        %sign3A_346 = arith.subi %sign3A_342, %sign3A_345 : i32
        %sign3A_347 = arith.constant 0 : i32
        %sign3A_348 = arith.cmpi sgt, %jit3A_338, %sign3A_347 : i32
        %sign3A_349 = arith.extui %sign3A_348 : i1 to i32
        %sign3A_350 = arith.constant 0 : i32
        %sign3A_351 = arith.cmpi slt, %jit3A_338, %sign3A_350 : i32
        %sign3A_352 = arith.extui %sign3A_351 : i1 to i32
        %sign3A_353 = arith.subi %sign3A_349, %sign3A_352 : i32
        %ne3A_354 = arith.cmpi ne, %sign3A_346, %sign3A_353 : i32
        %rem3A_355 = arith.remsi %add3A_337, %jit3A_338 : i32
        %ne3A_356 = arith.constant 0 : i32
        %ne3A_357 = arith.cmpi ne, %rem3A_355, %ne3A_356 : i32
        %and3A_358 = arith.andi %ne3A_354, %ne3A_357 : i1
        %sub3A_359 = arith.constant 1 : i32
        %sub3A_360 = arith.subi %div3A_339, %sub3A_359 : i32
        %select_n3A_361 = arith.select %and3A_358, %sub3A_360, %div3A_339 : i32
        %le3A = vector.broadcast %select_n3A_361 : i32 to vector<256x128xi32>
        %le3A_362 = arith.cmpi sle, %add3A_306, %le3A : vector<256x128xi32>
        %jit3A_363 = arith.constant 0 : i32
        %broadcast_in_dim3A_364 = vector.broadcast %jit3A_363 : i32 to vector<256x128xi32>
        %select_n3A_365 = arith.select %le3A_362, %add3A_300, %broadcast_in_dim3A_364 : vector<256x128xi1>, vector<256x128xi32>
        %reduce_sum3A_366 = vector.shape_cast %select_n3A_365 : vector<256x128xi32> to vector<1x256x128xi32>
        %reduce_sum3A_367 = arith.constant dense<0> : vector<1xi32>
        %reduce_sum3A_368 = vector.multi_reduction <add>, %reduce_sum3A_366, %reduce_sum3A_367 [1, 2] : vector<1x256x128xi32> to vector<1xi32>
        %reduce_sum3A_369 = vector.shape_cast %reduce_sum3A_368 : vector<1xi32> to vector<1x1x1xi32>
        %reduce_sum3A_370 = vector.extract %reduce_sum3A_369[0, 0, 0] : i32 from vector<1x1x1xi32>
        %ge3A = arith.cmpi sge, %reduce_sum3A_370, %sub3A_109 : i32
        %add3A_371 = arith.constant 1 : i32
        %add3A_372 = arith.addi %select_n3A_361, %add3A_371 : i32
        %select_n3A_373 = arith.select %ge3A, %scan3A_335, %add3A_372 : i32
        %ge3A_374 = arith.cmpi sge, %reduce_sum3A_370, %sub3A_109 : i32
        %select_n3A_375 = arith.select %ge3A_374, %select_n3A_361, %scan3A_336 : i32
        scf.yield %select_n3A_373, %select_n3A_375 : i32, i32
      }
      %lt3A_313 = vector.broadcast %scan3A_312#0 : i32 to vector<256x128xi32>
      %lt3A_314 = arith.cmpi slt, %add3A_306, %lt3A_313 : vector<256x128xi32>
      %jit3A_315 = arith.constant 0 : i32
      %broadcast_in_dim3A_316 = vector.broadcast %jit3A_315 : i32 to vector<256x128xi32>
      %select_n3A_317 = arith.select %lt3A_314, %add3A_300, %broadcast_in_dim3A_316 : vector<256x128xi1>, vector<256x128xi32>
      %reduce_sum3A_318 = vector.shape_cast %select_n3A_317 : vector<256x128xi32> to vector<1x256x128xi32>
      %reduce_sum3A_319 = arith.constant dense<0> : vector<1xi32>
      %reduce_sum3A_320 = vector.multi_reduction <add>, %reduce_sum3A_318, %reduce_sum3A_319 [1, 2] : vector<1x256x128xi32> to vector<1xi32>
      %reduce_sum3A_321 = vector.shape_cast %reduce_sum3A_320 : vector<1xi32> to vector<1x1x1xi32>
      %reduce_sum3A_322 = vector.extract %reduce_sum3A_321[0, 0, 0] : i32 from vector<1x1x1xi32>
      %mul3A_323 = arith.constant 32768 : i32
      %mul3A_324 = arith.muli %select_n3A_72, %mul3A_323 : i32
      %add3A_325 = arith.addi %mul3A_324, %scan3A_312#0 : i32
      %swap3A_326 = arith.constant 0 : index
      %swap3A_327 = memref.load %arg7[%swap3A_326] : memref<2xi32, #tpu.memory_space<smem>>
      memref.store %add3A_325, %arg7[%swap3A_326] : memref<2xi32, #tpu.memory_space<smem>>
      %add3A_328 = arith.addi %select_n3A_107, %reduce_sum3A_322 : i32
      %swap3A_329 = arith.constant 1 : index
      %swap3A_330 = memref.load %arg7[%swap3A_329] : memref<2xi32, #tpu.memory_space<smem>>
      memref.store %add3A_328, %arg7[%swap3A_329] : memref<2xi32, #tpu.memory_space<smem>>
      %swap3A_331 = arith.constant 0.000000e+00 : f32
      %swap3A_332 = arith.constant 0 : index
      %swap3A_333 = memref.load %arg8[%swap3A_332] : memref<2xf32, #tpu.memory_space<smem>>
      memref.store %swap3A_331, %arg8[%swap3A_332] : memref<2xf32, #tpu.memory_space<smem>>
    } else {
    }
    %get3A = arith.constant 0 : index
    %get3A_2 = memref.load %arg7[%get3A] : memref<2xi32, #tpu.memory_space<smem>>
    %get3A_3 = arith.constant 1 : index
    %get3A_4 = memref.load %arg7[%get3A_3] : memref<2xi32, #tpu.memory_space<smem>>
    %get3A_5 = arith.constant 0 : index
    %get3A_6 = arith.constant 0 : index
    %get3A_7 = vector.load %arg4[%get3A_5, %get3A_6] : memref<1024x512xf32, #tpu.memory_space<vmem>>, vector<1024x512xf32>
    %get3A_8 = arith.constant 0 : index
    %get3A_9 = arith.constant 0 : index
    %get3A_10 = vector.load %arg5[%get3A_8, %get3A_9] : memref<1024x512xf32, #tpu.memory_space<vmem>>, vector<1024x512xf32>
    %eq3A_11 = arith.constant 1.000000e+00 : f32
    %eq3A_12 = vector.broadcast %eq3A_11 : f32 to vector<1024x512xf32>
    %eq3A_13 = arith.cmpf oeq, %get3A_10, %eq3A_12 : vector<1024x512xf32>
    %sub3A = arith.constant 1.000000e+00 : f32
    %sub3A_14 = vector.broadcast %sub3A : f32 to vector<1024x512xf32>
    %sub3A_15 = arith.subf %sub3A_14, %get3A_7 : vector<1024x512xf32>
    %select_n3A = arith.select %eq3A_13, %get3A_7, %sub3A_15 : vector<1024x512xi1>, vector<1024x512xf32>
    %bitcast_convert_type3A = tpu.bitcast %select_n3A : vector<1024x512xf32> -> vector<1024x512xi32>
    %log3A = math.log %select_n3A : vector<1024x512xf32>
    %max3A = arith.constant -1.000000e+02 : f32
    %max3A_16 = vector.broadcast %max3A : f32 to vector<1024x512xf32>
    %max3A_17 = arith.maximumf %log3A, %max3A_16 : vector<1024x512xf32>
    %neg3A = arith.constant 0.000000e+00 : f32
    %neg3A_18 = vector.broadcast %neg3A : f32 to vector<1024x512xf32>
    %neg3A_19 = arith.subf %neg3A_18, %max3A_17 : vector<1024x512xf32>
    %sub3A_20 = arith.constant 1.000000e+00 : f32
    %sub3A_21 = vector.broadcast %sub3A_20 : f32 to vector<1024x512xf32>
    %sub3A_22 = arith.subf %sub3A_21, %select_n3A : vector<1024x512xf32>
    %mul3A = arith.constant 3.100000e+00 : f32
    %mul3A_23 = vector.broadcast %mul3A : f32 to vector<1024x512xf32>
    %mul3A_24 = arith.mulf %sub3A_22, %mul3A_23 : vector<1024x512xf32>
    %add3A = arith.addf %neg3A_19, %mul3A_24 : vector<1024x512xf32>
    %get3A_25 = arith.constant 0 : index
    %get3A_26 = memref.load %arg8[%get3A_25] : memref<2xf32, #tpu.memory_space<smem>>
    %lt3A = vector.broadcast %get3A_2 : i32 to vector<1024x512xi32>
    %lt3A_27 = arith.cmpi slt, %bitcast_convert_type3A, %lt3A : vector<1024x512xi32>
    %jit3A = arith.constant 0.000000e+00 : f32
    %broadcast_in_dim3A = vector.broadcast %jit3A : f32 to vector<1024x512xf32>
    %select_n3A_28 = arith.select %lt3A_27, %add3A, %broadcast_in_dim3A : vector<1024x512xi1>, vector<1024x512xf32>
    %reduce_sum3A = vector.shape_cast %select_n3A_28 : vector<1024x512xf32> to vector<1x1024x512xf32>
    %reduce_sum3A_29 = arith.constant dense<0.000000e+00> : vector<1xf32>
    %reduce_sum3A_30 = vector.multi_reduction <add>, %reduce_sum3A, %reduce_sum3A_29 [1, 2] : vector<1x1024x512xf32> to vector<1xf32>
    %reduce_sum3A_31 = vector.shape_cast %reduce_sum3A_30 : vector<1xf32> to vector<1x1x1xf32>
    %reduce_sum3A_32 = vector.extract %reduce_sum3A_31[0, 0, 0] : f32 from vector<1x1x1xf32>
    %add3A_33 = arith.addf %get3A_26, %reduce_sum3A_32 : f32
    %swap3A = arith.constant 0 : index
    %swap3A_34 = memref.load %arg8[%swap3A] : memref<2xf32, #tpu.memory_space<smem>>
    memref.store %add3A_33, %arg8[%swap3A] : memref<2xf32, #tpu.memory_space<smem>>
    %eq3A_35 = arith.constant 7 : i32
    %eq3A_36 = arith.cmpi eq, %arg0, %eq3A_35 : i32
    %convert_element_type3A_37 = arith.extui %eq3A_36 : i1 to i32
    %cond3A_38 = arith.constant 0 : i32
    %cond3A_39 = arith.cmpi ne, %convert_element_type3A_37, %cond3A_38 : i32
    scf.if %cond3A_39 {
      %iota3A_40 = tpu.iota {dimensions = array<i32: 1>} : vector<8x128xi32>
      %get3A_41 = arith.constant 0 : index
      %get3A_42 = arith.constant 0 : index
      %get3A_43 = vector.load %arg1[%get3A_41, %get3A_42] : memref<8x128xf32, #tpu.memory_space<vmem>>, vector<8x128xf32>
      %eq3A_44 = arith.constant 0 : i32
      %eq3A_45 = vector.broadcast %eq3A_44 : i32 to vector<8x128xi32>
      %eq3A_46 = arith.cmpi eq, %iota3A, %eq3A_45 : vector<8x128xi32>
      %eq3A_47 = arith.constant 0 : i32
      %eq3A_48 = vector.broadcast %eq3A_47 : i32 to vector<8x128xi32>
      %eq3A_49 = arith.cmpi eq, %iota3A_40, %eq3A_48 : vector<8x128xi32>
      %and3A = arith.andi %eq3A_46, %eq3A_49 : vector<8x128xi1>
      %jit3A_50 = arith.constant 0.000000e+00 : f32
      %broadcast_in_dim3A_51 = vector.broadcast %jit3A_50 : f32 to vector<8x128xf32>
      %select_n3A_52 = arith.select %and3A, %get3A_43, %broadcast_in_dim3A_51 : vector<8x128xi1>, vector<8x128xf32>
      %reduce_sum3A_53 = vector.shape_cast %select_n3A_52 : vector<8x128xf32> to vector<1x8x128xf32>
      %reduce_sum3A_54 = arith.constant dense<0.000000e+00> : vector<1xf32>
      %reduce_sum3A_55 = vector.multi_reduction <add>, %reduce_sum3A_53, %reduce_sum3A_54 [1, 2] : vector<1x8x128xf32> to vector<1xf32>
      %reduce_sum3A_56 = vector.shape_cast %reduce_sum3A_55 : vector<1xf32> to vector<1x1x1xf32>
      %reduce_sum3A_57 = vector.extract %reduce_sum3A_56[0, 0, 0] : f32 from vector<1x1x1xf32>
      %eq3A_58 = arith.constant 0 : i32
      %eq3A_59 = vector.broadcast %eq3A_58 : i32 to vector<8x128xi32>
      %eq3A_60 = arith.cmpi eq, %iota3A, %eq3A_59 : vector<8x128xi32>
      %eq3A_61 = arith.constant 1 : i32
      %eq3A_62 = vector.broadcast %eq3A_61 : i32 to vector<8x128xi32>
      %eq3A_63 = arith.cmpi eq, %iota3A_40, %eq3A_62 : vector<8x128xi32>
      %and3A_64 = arith.andi %eq3A_60, %eq3A_63 : vector<8x128xi1>
      %jit3A_65 = arith.constant 0.000000e+00 : f32
      %broadcast_in_dim3A_66 = vector.broadcast %jit3A_65 : f32 to vector<8x128xf32>
      %select_n3A_67 = arith.select %and3A_64, %get3A_43, %broadcast_in_dim3A_66 : vector<8x128xi1>, vector<8x128xf32>
      %reduce_sum3A_68 = vector.shape_cast %select_n3A_67 : vector<8x128xf32> to vector<1x8x128xf32>
      %reduce_sum3A_69 = arith.constant dense<0.000000e+00> : vector<1xf32>
      %reduce_sum3A_70 = vector.multi_reduction <add>, %reduce_sum3A_68, %reduce_sum3A_69 [1, 2] : vector<1x8x128xf32> to vector<1xf32>
      %reduce_sum3A_71 = vector.shape_cast %reduce_sum3A_70 : vector<1xf32> to vector<1x1x1xf32>
      %reduce_sum3A_72 = vector.extract %reduce_sum3A_71[0, 0, 0] : f32 from vector<1x1x1xf32>
      %eq3A_73 = arith.constant 0 : i32
      %eq3A_74 = vector.broadcast %eq3A_73 : i32 to vector<8x128xi32>
      %eq3A_75 = arith.cmpi eq, %iota3A, %eq3A_74 : vector<8x128xi32>
      %eq3A_76 = arith.constant 2 : i32
      %eq3A_77 = vector.broadcast %eq3A_76 : i32 to vector<8x128xi32>
      %eq3A_78 = arith.cmpi eq, %iota3A_40, %eq3A_77 : vector<8x128xi32>
      %and3A_79 = arith.andi %eq3A_75, %eq3A_78 : vector<8x128xi1>
      %jit3A_80 = arith.constant 0.000000e+00 : f32
      %broadcast_in_dim3A_81 = vector.broadcast %jit3A_80 : f32 to vector<8x128xf32>
      %select_n3A_82 = arith.select %and3A_79, %get3A_43, %broadcast_in_dim3A_81 : vector<8x128xi1>, vector<8x128xf32>
      %reduce_sum3A_83 = vector.shape_cast %select_n3A_82 : vector<8x128xf32> to vector<1x8x128xf32>
      %reduce_sum3A_84 = arith.constant dense<0.000000e+00> : vector<1xf32>
      %reduce_sum3A_85 = vector.multi_reduction <add>, %reduce_sum3A_83, %reduce_sum3A_84 [1, 2] : vector<1x8x128xf32> to vector<1xf32>
      %reduce_sum3A_86 = vector.shape_cast %reduce_sum3A_85 : vector<1xf32> to vector<1x1x1xf32>
      %reduce_sum3A_87 = vector.extract %reduce_sum3A_86[0, 0, 0] : f32 from vector<1x1x1xf32>
      %mul3A_88 = arith.constant 2.000000e+00 : f32
      %mul3A_89 = arith.mulf %mul3A_88, %reduce_sum3A_57 : f32
      %add3A_90 = arith.constant 1.000000e+00 : f32
      %add3A_91 = arith.addf %mul3A_89, %add3A_90 : f32
      %add3A_92 = arith.addf %reduce_sum3A_72, %reduce_sum3A_87 : f32
      %add3A_93 = arith.constant 1.000000e+00 : f32
      %add3A_94 = arith.addf %add3A_92, %add3A_93 : f32
      %div3A = arith.divf %add3A_91, %add3A_94 : f32
      %sub3A_95 = arith.constant 1.000000e+00 : f32
      %sub3A_96 = arith.subf %sub3A_95, %div3A : f32
      %broadcast_in_dim3A_97 = vector.broadcast %get3A_2 : i32 to vector<8x128xi32>
      %bitcast_convert_type3A_98 = tpu.bitcast %broadcast_in_dim3A_97 : vector<8x128xi32> -> vector<8x128xf32>
      %log3A_99 = math.log %bitcast_convert_type3A_98 : vector<8x128xf32>
      %max3A_100 = arith.constant -1.000000e+02 : f32
      %max3A_101 = vector.broadcast %max3A_100 : f32 to vector<8x128xf32>
      %max3A_102 = arith.maximumf %log3A_99, %max3A_101 : vector<8x128xf32>
      %neg3A_103 = arith.constant 0.000000e+00 : f32
      %neg3A_104 = vector.broadcast %neg3A_103 : f32 to vector<8x128xf32>
      %neg3A_105 = arith.subf %neg3A_104, %max3A_102 : vector<8x128xf32>
      %neg3A_106 = arith.constant 0.000000e+00 : f32
      %neg3A_107 = vector.broadcast %neg3A_106 : f32 to vector<8x128xf32>
      %neg3A_108 = arith.subf %neg3A_107, %neg3A_105 : vector<8x128xf32>
      %exp3A = math.exp %neg3A_108 : vector<8x128xf32>
      %sub3A_109 = arith.constant 1.000000e+00 : f32
      %sub3A_110 = vector.broadcast %sub3A_109 : f32 to vector<8x128xf32>
      %sub3A_111 = arith.subf %sub3A_110, %exp3A : vector<8x128xf32>
      %mul3A_112 = arith.constant 3.100000e+00 : f32
      %mul3A_113 = vector.broadcast %mul3A_112 : f32 to vector<8x128xf32>
      %mul3A_114 = arith.mulf %sub3A_111, %mul3A_113 : vector<8x128xf32>
      %add3A_115 = arith.addf %neg3A_105, %mul3A_114 : vector<8x128xf32>
      %get3A_116 = arith.constant 0 : index
      %get3A_117 = memref.load %arg8[%get3A_116] : memref<2xf32, #tpu.memory_space<smem>>
      %sub3A_118 = arith.constant 419430 : i32
      %sub3A_119 = arith.subi %sub3A_118, %get3A_4 : i32
      %convert_element_type3A_120 = arith.sitofp %sub3A_119 : i32 to f32
      %mul3A_121 = vector.broadcast %convert_element_type3A_120 : f32 to vector<8x128xf32>
      %mul3A_122 = arith.mulf %mul3A_121, %add3A_115 : vector<8x128xf32>
      %add3A_123 = vector.broadcast %get3A_117 : f32 to vector<8x128xf32>
      %add3A_124 = arith.addf %add3A_123, %mul3A_122 : vector<8x128xf32>
      %div3A_125 = arith.constant 4.194300e+05 : f32
      %div3A_126 = vector.broadcast %div3A_125 : f32 to vector<8x128xf32>
      %div3A_127 = arith.divf %add3A_124, %div3A_126 : vector<8x128xf32>
      %add3A_128 = vector.broadcast %sub3A_96 : f32 to vector<8x128xf32>
      %add3A_129 = arith.addf %add3A_128, %div3A_127 : vector<8x128xf32>
      %swap3A_130 = arith.constant 0 : index
      %swap3A_131 = arith.constant 0 : index
      %swap3A_132 = vector.load %arg6[%swap3A_130, %swap3A_131] : memref<8x128xf32, #tpu.memory_space<vmem>>, vector<8x128xf32>
      tpu.vector_store %arg6[%swap3A_130, %swap3A_131], %add3A_129 {strides = array<i32>} : memref<8x128xf32, #tpu.memory_space<vmem>>, vector<8x128xf32>,
    } else {
    }
    return
  }
  func.func @transform_0(%arg0: i32) -> (i32, i32) {
    %c0_i32 = arith.constant 0 : i32
    %c0_i32_0 = arith.constant 0 : i32
    %c0_i32_1 = arith.constant 0 : i32
    return %c0_i32, %c0_i32_0 : i32, i32
  }
  func.func @transform_1(%arg0: i32) -> (i32, i32) {
    %c0_i32 = arith.constant 0 : i32
    %c0_i32_0 = arith.constant 0 : i32
    %c0_i32_1 = arith.constant 0 : i32
    return %c0_i32, %c0_i32_0 : i32, i32
  }
  func.func @transform_2(%arg0: i32) -> (i32, i32, i32) {
    %c0_i32 = arith.constant 0 : i32
    %c0_i32_0 = arith.constant 0 : i32
    %c0_i32_1 = arith.constant 0 : i32
    %c0_i32_2 = arith.constant 0 : i32
    return %c0_i32, %c0_i32_0, %c0_i32_1 : i32, i32, i32
  }
  func.func @transform_3(%arg0: i32) -> (i32, i32) {
    %c0_i32 = arith.constant 0 : i32
    %c0_i32_0 = arith.constant 0 : i32
    return %arg0, %c0_i32 : i32, i32
  }
  func.func @transform_4(%arg0: i32) -> (i32, i32) {
    %c0_i32 = arith.constant 0 : i32
    %c0_i32_0 = arith.constant 0 : i32
    return %arg0, %c0_i32 : i32, i32
  }
  func.func @transform_5(%arg0: i32) -> (i32, i32) {
    %c0_i32 = arith.constant 0 : i32
    %c0_i32_0 = arith.constant 0 : i32
    %c0_i32_1 = arith.constant 0 : i32
    return %c0_i32, %c0_i32_0 : i32, i32
  }
}

module attributes {stable_mosaic.version = 14 : i64} {
  func.func @_scan1_body(%arg0: i32, %arg1: memref<32x512x128xi32, #tpu.memory_space<vmem>>, %arg2: memref<8x128xi32, #tpu.memory_space<vmem>>) attributes {dimension_semantics = [#tpu.dimension_semantics<arbitrary>], iteration_bounds = array<i64: 1>, scalar_prefetch = 0 : i64, scratch_operands = 0 : i64, tpu.core_type = #tpu.core_type<tc>, window_params = [{pipeline_mode = #tpu.pipeline_mode<synchronous>, transform_indices = @transform_0, window_bounds = array<i64: 32, 512, 128>}, {pipeline_mode = #tpu.pipeline_mode<synchronous>, transform_indices = @transform_1, window_bounds = array<i64: 8, 128>}]} {
    %get3A = arith.constant 0 : index
    %get3A_0 = arith.constant 0 : index
    %get3A_1 = arith.constant 0 : index
    %get3A_2 = vector.load %arg1[%get3A, %get3A_0, %get3A_1] : memref<32x512x128xi32, #tpu.memory_space<vmem>>, vector<1x512x128xi32>
    %get3A_3 = vector.shape_cast %get3A_2 : vector<1x512x128xi32> to vector<512x128xi32>
    %get3A_4 = arith.constant 1 : index
    %get3A_5 = arith.constant 0 : index
    %get3A_6 = arith.constant 0 : index
    %get3A_7 = vector.load %arg1[%get3A_4, %get3A_5, %get3A_6] : memref<32x512x128xi32, #tpu.memory_space<vmem>>, vector<1x512x128xi32>
    %get3A_8 = vector.shape_cast %get3A_7 : vector<1x512x128xi32> to vector<512x128xi32>
    %add3A = arith.addi %get3A_3, %get3A_8 : vector<512x128xi32>
    %get3A_9 = arith.constant 2 : index
    %get3A_10 = arith.constant 0 : index
    %get3A_11 = arith.constant 0 : index
    %get3A_12 = vector.load %arg1[%get3A_9, %get3A_10, %get3A_11] : memref<32x512x128xi32, #tpu.memory_space<vmem>>, vector<1x512x128xi32>
    %get3A_13 = vector.shape_cast %get3A_12 : vector<1x512x128xi32> to vector<512x128xi32>
    %add3A_14 = arith.addi %add3A, %get3A_13 : vector<512x128xi32>
    %get3A_15 = arith.constant 3 : index
    %get3A_16 = arith.constant 0 : index
    %get3A_17 = arith.constant 0 : index
    %get3A_18 = vector.load %arg1[%get3A_15, %get3A_16, %get3A_17] : memref<32x512x128xi32, #tpu.memory_space<vmem>>, vector<1x512x128xi32>
    %get3A_19 = vector.shape_cast %get3A_18 : vector<1x512x128xi32> to vector<512x128xi32>
    %add3A_20 = arith.addi %add3A_14, %get3A_19 : vector<512x128xi32>
    %get3A_21 = arith.constant 4 : index
    %get3A_22 = arith.constant 0 : index
    %get3A_23 = arith.constant 0 : index
    %get3A_24 = vector.load %arg1[%get3A_21, %get3A_22, %get3A_23] : memref<32x512x128xi32, #tpu.memory_space<vmem>>, vector<1x512x128xi32>
    %get3A_25 = vector.shape_cast %get3A_24 : vector<1x512x128xi32> to vector<512x128xi32>
    %add3A_26 = arith.addi %add3A_20, %get3A_25 : vector<512x128xi32>
    %get3A_27 = arith.constant 5 : index
    %get3A_28 = arith.constant 0 : index
    %get3A_29 = arith.constant 0 : index
    %get3A_30 = vector.load %arg1[%get3A_27, %get3A_28, %get3A_29] : memref<32x512x128xi32, #tpu.memory_space<vmem>>, vector<1x512x128xi32>
    %get3A_31 = vector.shape_cast %get3A_30 : vector<1x512x128xi32> to vector<512x128xi32>
    %add3A_32 = arith.addi %add3A_26, %get3A_31 : vector<512x128xi32>
    %get3A_33 = arith.constant 6 : index
    %get3A_34 = arith.constant 0 : index
    %get3A_35 = arith.constant 0 : index
    %get3A_36 = vector.load %arg1[%get3A_33, %get3A_34, %get3A_35] : memref<32x512x128xi32, #tpu.memory_space<vmem>>, vector<1x512x128xi32>
    %get3A_37 = vector.shape_cast %get3A_36 : vector<1x512x128xi32> to vector<512x128xi32>
    %add3A_38 = arith.addi %add3A_32, %get3A_37 : vector<512x128xi32>
    %get3A_39 = arith.constant 7 : index
    %get3A_40 = arith.constant 0 : index
    %get3A_41 = arith.constant 0 : index
    %get3A_42 = vector.load %arg1[%get3A_39, %get3A_40, %get3A_41] : memref<32x512x128xi32, #tpu.memory_space<vmem>>, vector<1x512x128xi32>
    %get3A_43 = vector.shape_cast %get3A_42 : vector<1x512x128xi32> to vector<512x128xi32>
    %add3A_44 = arith.addi %add3A_38, %get3A_43 : vector<512x128xi32>
    %get3A_45 = arith.constant 8 : index
    %get3A_46 = arith.constant 0 : index
    %get3A_47 = arith.constant 0 : index
    %get3A_48 = vector.load %arg1[%get3A_45, %get3A_46, %get3A_47] : memref<32x512x128xi32, #tpu.memory_space<vmem>>, vector<1x512x128xi32>
    %get3A_49 = vector.shape_cast %get3A_48 : vector<1x512x128xi32> to vector<512x128xi32>
    %add3A_50 = arith.addi %add3A_44, %get3A_49 : vector<512x128xi32>
    %get3A_51 = arith.constant 9 : index
    %get3A_52 = arith.constant 0 : index
    %get3A_53 = arith.constant 0 : index
    %get3A_54 = vector.load %arg1[%get3A_51, %get3A_52, %get3A_53] : memref<32x512x128xi32, #tpu.memory_space<vmem>>, vector<1x512x128xi32>
    %get3A_55 = vector.shape_cast %get3A_54 : vector<1x512x128xi32> to vector<512x128xi32>
    %add3A_56 = arith.addi %add3A_50, %get3A_55 : vector<512x128xi32>
    %get3A_57 = arith.constant 10 : index
    %get3A_58 = arith.constant 0 : index
    %get3A_59 = arith.constant 0 : index
    %get3A_60 = vector.load %arg1[%get3A_57, %get3A_58, %get3A_59] : memref<32x512x128xi32, #tpu.memory_space<vmem>>, vector<1x512x128xi32>
    %get3A_61 = vector.shape_cast %get3A_60 : vector<1x512x128xi32> to vector<512x128xi32>
    %add3A_62 = arith.addi %add3A_56, %get3A_61 : vector<512x128xi32>
    %get3A_63 = arith.constant 11 : index
    %get3A_64 = arith.constant 0 : index
    %get3A_65 = arith.constant 0 : index
    %get3A_66 = vector.load %arg1[%get3A_63, %get3A_64, %get3A_65] : memref<32x512x128xi32, #tpu.memory_space<vmem>>, vector<1x512x128xi32>
    %get3A_67 = vector.shape_cast %get3A_66 : vector<1x512x128xi32> to vector<512x128xi32>
    %add3A_68 = arith.addi %add3A_62, %get3A_67 : vector<512x128xi32>
    %get3A_69 = arith.constant 12 : index
    %get3A_70 = arith.constant 0 : index
    %get3A_71 = arith.constant 0 : index
    %get3A_72 = vector.load %arg1[%get3A_69, %get3A_70, %get3A_71] : memref<32x512x128xi32, #tpu.memory_space<vmem>>, vector<1x512x128xi32>
    %get3A_73 = vector.shape_cast %get3A_72 : vector<1x512x128xi32> to vector<512x128xi32>
    %add3A_74 = arith.addi %add3A_68, %get3A_73 : vector<512x128xi32>
    %get3A_75 = arith.constant 13 : index
    %get3A_76 = arith.constant 0 : index
    %get3A_77 = arith.constant 0 : index
    %get3A_78 = vector.load %arg1[%get3A_75, %get3A_76, %get3A_77] : memref<32x512x128xi32, #tpu.memory_space<vmem>>, vector<1x512x128xi32>
    %get3A_79 = vector.shape_cast %get3A_78 : vector<1x512x128xi32> to vector<512x128xi32>
    %add3A_80 = arith.addi %add3A_74, %get3A_79 : vector<512x128xi32>
    %get3A_81 = arith.constant 14 : index
    %get3A_82 = arith.constant 0 : index
    %get3A_83 = arith.constant 0 : index
    %get3A_84 = vector.load %arg1[%get3A_81, %get3A_82, %get3A_83] : memref<32x512x128xi32, #tpu.memory_space<vmem>>, vector<1x512x128xi32>
    %get3A_85 = vector.shape_cast %get3A_84 : vector<1x512x128xi32> to vector<512x128xi32>
    %add3A_86 = arith.addi %add3A_80, %get3A_85 : vector<512x128xi32>
    %get3A_87 = arith.constant 15 : index
    %get3A_88 = arith.constant 0 : index
    %get3A_89 = arith.constant 0 : index
    %get3A_90 = vector.load %arg1[%get3A_87, %get3A_88, %get3A_89] : memref<32x512x128xi32, #tpu.memory_space<vmem>>, vector<1x512x128xi32>
    %get3A_91 = vector.shape_cast %get3A_90 : vector<1x512x128xi32> to vector<512x128xi32>
    %add3A_92 = arith.addi %add3A_86, %get3A_91 : vector<512x128xi32>
    %get3A_93 = arith.constant 16 : index
    %get3A_94 = arith.constant 0 : index
    %get3A_95 = arith.constant 0 : index
    %get3A_96 = vector.load %arg1[%get3A_93, %get3A_94, %get3A_95] : memref<32x512x128xi32, #tpu.memory_space<vmem>>, vector<1x512x128xi32>
    %get3A_97 = vector.shape_cast %get3A_96 : vector<1x512x128xi32> to vector<512x128xi32>
    %add3A_98 = arith.addi %add3A_92, %get3A_97 : vector<512x128xi32>
    %get3A_99 = arith.constant 17 : index
    %get3A_100 = arith.constant 0 : index
    %get3A_101 = arith.constant 0 : index
    %get3A_102 = vector.load %arg1[%get3A_99, %get3A_100, %get3A_101] : memref<32x512x128xi32, #tpu.memory_space<vmem>>, vector<1x512x128xi32>
    %get3A_103 = vector.shape_cast %get3A_102 : vector<1x512x128xi32> to vector<512x128xi32>
    %add3A_104 = arith.addi %add3A_98, %get3A_103 : vector<512x128xi32>
    %get3A_105 = arith.constant 18 : index
    %get3A_106 = arith.constant 0 : index
    %get3A_107 = arith.constant 0 : index
    %get3A_108 = vector.load %arg1[%get3A_105, %get3A_106, %get3A_107] : memref<32x512x128xi32, #tpu.memory_space<vmem>>, vector<1x512x128xi32>
    %get3A_109 = vector.shape_cast %get3A_108 : vector<1x512x128xi32> to vector<512x128xi32>
    %add3A_110 = arith.addi %add3A_104, %get3A_109 : vector<512x128xi32>
    %get3A_111 = arith.constant 19 : index
    %get3A_112 = arith.constant 0 : index
    %get3A_113 = arith.constant 0 : index
    %get3A_114 = vector.load %arg1[%get3A_111, %get3A_112, %get3A_113] : memref<32x512x128xi32, #tpu.memory_space<vmem>>, vector<1x512x128xi32>
    %get3A_115 = vector.shape_cast %get3A_114 : vector<1x512x128xi32> to vector<512x128xi32>
    %add3A_116 = arith.addi %add3A_110, %get3A_115 : vector<512x128xi32>
    %get3A_117 = arith.constant 20 : index
    %get3A_118 = arith.constant 0 : index
    %get3A_119 = arith.constant 0 : index
    %get3A_120 = vector.load %arg1[%get3A_117, %get3A_118, %get3A_119] : memref<32x512x128xi32, #tpu.memory_space<vmem>>, vector<1x512x128xi32>
    %get3A_121 = vector.shape_cast %get3A_120 : vector<1x512x128xi32> to vector<512x128xi32>
    %add3A_122 = arith.addi %add3A_116, %get3A_121 : vector<512x128xi32>
    %get3A_123 = arith.constant 21 : index
    %get3A_124 = arith.constant 0 : index
    %get3A_125 = arith.constant 0 : index
    %get3A_126 = vector.load %arg1[%get3A_123, %get3A_124, %get3A_125] : memref<32x512x128xi32, #tpu.memory_space<vmem>>, vector<1x512x128xi32>
    %get3A_127 = vector.shape_cast %get3A_126 : vector<1x512x128xi32> to vector<512x128xi32>
    %add3A_128 = arith.addi %add3A_122, %get3A_127 : vector<512x128xi32>
    %get3A_129 = arith.constant 22 : index
    %get3A_130 = arith.constant 0 : index
    %get3A_131 = arith.constant 0 : index
    %get3A_132 = vector.load %arg1[%get3A_129, %get3A_130, %get3A_131] : memref<32x512x128xi32, #tpu.memory_space<vmem>>, vector<1x512x128xi32>
    %get3A_133 = vector.shape_cast %get3A_132 : vector<1x512x128xi32> to vector<512x128xi32>
    %add3A_134 = arith.addi %add3A_128, %get3A_133 : vector<512x128xi32>
    %get3A_135 = arith.constant 23 : index
    %get3A_136 = arith.constant 0 : index
    %get3A_137 = arith.constant 0 : index
    %get3A_138 = vector.load %arg1[%get3A_135, %get3A_136, %get3A_137] : memref<32x512x128xi32, #tpu.memory_space<vmem>>, vector<1x512x128xi32>
    %get3A_139 = vector.shape_cast %get3A_138 : vector<1x512x128xi32> to vector<512x128xi32>
    %add3A_140 = arith.addi %add3A_134, %get3A_139 : vector<512x128xi32>
    %get3A_141 = arith.constant 24 : index
    %get3A_142 = arith.constant 0 : index
    %get3A_143 = arith.constant 0 : index
    %get3A_144 = vector.load %arg1[%get3A_141, %get3A_142, %get3A_143] : memref<32x512x128xi32, #tpu.memory_space<vmem>>, vector<1x512x128xi32>
    %get3A_145 = vector.shape_cast %get3A_144 : vector<1x512x128xi32> to vector<512x128xi32>
    %add3A_146 = arith.addi %add3A_140, %get3A_145 : vector<512x128xi32>
    %get3A_147 = arith.constant 25 : index
    %get3A_148 = arith.constant 0 : index
    %get3A_149 = arith.constant 0 : index
    %get3A_150 = vector.load %arg1[%get3A_147, %get3A_148, %get3A_149] : memref<32x512x128xi32, #tpu.memory_space<vmem>>, vector<1x512x128xi32>
    %get3A_151 = vector.shape_cast %get3A_150 : vector<1x512x128xi32> to vector<512x128xi32>
    %add3A_152 = arith.addi %add3A_146, %get3A_151 : vector<512x128xi32>
    %get3A_153 = arith.constant 26 : index
    %get3A_154 = arith.constant 0 : index
    %get3A_155 = arith.constant 0 : index
    %get3A_156 = vector.load %arg1[%get3A_153, %get3A_154, %get3A_155] : memref<32x512x128xi32, #tpu.memory_space<vmem>>, vector<1x512x128xi32>
    %get3A_157 = vector.shape_cast %get3A_156 : vector<1x512x128xi32> to vector<512x128xi32>
    %add3A_158 = arith.addi %add3A_152, %get3A_157 : vector<512x128xi32>
    %get3A_159 = arith.constant 27 : index
    %get3A_160 = arith.constant 0 : index
    %get3A_161 = arith.constant 0 : index
    %get3A_162 = vector.load %arg1[%get3A_159, %get3A_160, %get3A_161] : memref<32x512x128xi32, #tpu.memory_space<vmem>>, vector<1x512x128xi32>
    %get3A_163 = vector.shape_cast %get3A_162 : vector<1x512x128xi32> to vector<512x128xi32>
    %add3A_164 = arith.addi %add3A_158, %get3A_163 : vector<512x128xi32>
    %get3A_165 = arith.constant 28 : index
    %get3A_166 = arith.constant 0 : index
    %get3A_167 = arith.constant 0 : index
    %get3A_168 = vector.load %arg1[%get3A_165, %get3A_166, %get3A_167] : memref<32x512x128xi32, #tpu.memory_space<vmem>>, vector<1x512x128xi32>
    %get3A_169 = vector.shape_cast %get3A_168 : vector<1x512x128xi32> to vector<512x128xi32>
    %add3A_170 = arith.addi %add3A_164, %get3A_169 : vector<512x128xi32>
    %get3A_171 = arith.constant 29 : index
    %get3A_172 = arith.constant 0 : index
    %get3A_173 = arith.constant 0 : index
    %get3A_174 = vector.load %arg1[%get3A_171, %get3A_172, %get3A_173] : memref<32x512x128xi32, #tpu.memory_space<vmem>>, vector<1x512x128xi32>
    %get3A_175 = vector.shape_cast %get3A_174 : vector<1x512x128xi32> to vector<512x128xi32>
    %add3A_176 = arith.addi %add3A_170, %get3A_175 : vector<512x128xi32>
    %get3A_177 = arith.constant 30 : index
    %get3A_178 = arith.constant 0 : index
    %get3A_179 = arith.constant 0 : index
    %get3A_180 = vector.load %arg1[%get3A_177, %get3A_178, %get3A_179] : memref<32x512x128xi32, #tpu.memory_space<vmem>>, vector<1x512x128xi32>
    %get3A_181 = vector.shape_cast %get3A_180 : vector<1x512x128xi32> to vector<512x128xi32>
    %add3A_182 = arith.addi %add3A_176, %get3A_181 : vector<512x128xi32>
    %get3A_183 = arith.constant 31 : index
    %get3A_184 = arith.constant 0 : index
    %get3A_185 = arith.constant 0 : index
    %get3A_186 = vector.load %arg1[%get3A_183, %get3A_184, %get3A_185] : memref<32x512x128xi32, #tpu.memory_space<vmem>>, vector<1x512x128xi32>
    %get3A_187 = vector.shape_cast %get3A_186 : vector<1x512x128xi32> to vector<512x128xi32>
    %add3A_188 = arith.addi %add3A_182, %get3A_187 : vector<512x128xi32>
    %iota3A = tpu.iota {dimensions = array<i32: 0>} : vector<512x128xi32>
    %mul3A = arith.constant 128 : i32
    %mul3A_189 = vector.broadcast %mul3A : i32 to vector<512x128xi32>
    %mul3A_190 = arith.muli %iota3A, %mul3A_189 : vector<512x128xi32>
    %iota3A_191 = tpu.iota {dimensions = array<i32: 1>} : vector<512x128xi32>
    %add3A_192 = arith.addi %mul3A_190, %iota3A_191 : vector<512x128xi32>
    %scan3A = arith.constant 419430 : i32
    %scan3A_193 = arith.constant 0 : i32
    %scan3A_194 = arith.constant 65535 : i32
    %scan3A_195 = arith.constant 0 : i32
    %scan3A_196 = arith.constant 16 : i32
    %scan3A_197 = arith.addi %scan3A_195, %scan3A_196 : i32
    %scan3A_198 = arith.constant 1 : i32
    %scan3A_199:2 = scf.for %scan3A_219 = %scan3A_195 to %scan3A_197 step %scan3A_198 iter_args(%scan3A_220 = %scan3A_193, %scan3A_221 = %scan3A_194) -> (i32, i32)  : i32 {
      %add3A_222 = arith.addi %scan3A_220, %scan3A_221 : i32
      %jit3A_223 = arith.constant 2 : i32
      %div3A = arith.divsi %add3A_222, %jit3A_223 : i32
      %sign3A = arith.constant 0 : i32
      %sign3A_224 = arith.cmpi sgt, %add3A_222, %sign3A : i32
      %sign3A_225 = arith.extui %sign3A_224 : i1 to i32
      %sign3A_226 = arith.constant 0 : i32
      %sign3A_227 = arith.cmpi slt, %add3A_222, %sign3A_226 : i32
      %sign3A_228 = arith.extui %sign3A_227 : i1 to i32
      %sign3A_229 = arith.subi %sign3A_225, %sign3A_228 : i32
      %sign3A_230 = arith.constant 0 : i32
      %sign3A_231 = arith.cmpi sgt, %jit3A_223, %sign3A_230 : i32
      %sign3A_232 = arith.extui %sign3A_231 : i1 to i32
      %sign3A_233 = arith.constant 0 : i32
      %sign3A_234 = arith.cmpi slt, %jit3A_223, %sign3A_233 : i32
      %sign3A_235 = arith.extui %sign3A_234 : i1 to i32
      %sign3A_236 = arith.subi %sign3A_232, %sign3A_235 : i32
      %ne3A = arith.cmpi ne, %sign3A_229, %sign3A_236 : i32
      %rem3A = arith.remsi %add3A_222, %jit3A_223 : i32
      %ne3A_237 = arith.constant 0 : i32
      %ne3A_238 = arith.cmpi ne, %rem3A, %ne3A_237 : i32
      %and3A = arith.andi %ne3A, %ne3A_238 : i1
      %sub3A = arith.constant 1 : i32
      %sub3A_239 = arith.subi %div3A, %sub3A : i32
      %select_n3A_240 = arith.select %and3A, %sub3A_239, %div3A : i32
      %le3A = vector.broadcast %select_n3A_240 : i32 to vector<512x128xi32>
      %le3A_241 = arith.cmpi sle, %add3A_192, %le3A : vector<512x128xi32>
      %jit3A_242 = arith.constant 0 : i32
      %broadcast_in_dim3A_243 = vector.broadcast %jit3A_242 : i32 to vector<512x128xi32>
      %select_n3A_244 = arith.select %le3A_241, %add3A_188, %broadcast_in_dim3A_243 : vector<512x128xi1>, vector<512x128xi32>
      %reduce_sum3A_245 = vector.shape_cast %select_n3A_244 : vector<512x128xi32> to vector<1x512x128xi32>
      %reduce_sum3A_246 = arith.constant dense<0> : vector<1xi32>
      %reduce_sum3A_247 = vector.multi_reduction <add>, %reduce_sum3A_245, %reduce_sum3A_246 [1, 2] : vector<1x512x128xi32> to vector<1xi32>
      %reduce_sum3A_248 = vector.shape_cast %reduce_sum3A_247 : vector<1xi32> to vector<1x1x1xi32>
      %reduce_sum3A_249 = vector.extract %reduce_sum3A_248[0, 0, 0] : i32 from vector<1x1x1xi32>
      %ge3A = arith.cmpi sge, %reduce_sum3A_249, %scan3A : i32
      %add3A_250 = arith.constant 1 : i32
      %add3A_251 = arith.addi %select_n3A_240, %add3A_250 : i32
      %select_n3A_252 = arith.select %ge3A, %scan3A_220, %add3A_251 : i32
      %ge3A_253 = arith.cmpi sge, %reduce_sum3A_249, %scan3A : i32
      %select_n3A_254 = arith.select %ge3A_253, %select_n3A_240, %scan3A_221 : i32
      scf.yield %select_n3A_252, %select_n3A_254 : i32, i32
    }
    %lt3A = vector.broadcast %scan3A_199#0 : i32 to vector<512x128xi32>
    %lt3A_200 = arith.cmpi slt, %add3A_192, %lt3A : vector<512x128xi32>
    %jit3A = arith.constant 0 : i32
    %broadcast_in_dim3A = vector.broadcast %jit3A : i32 to vector<512x128xi32>
    %select_n3A = arith.select %lt3A_200, %add3A_188, %broadcast_in_dim3A : vector<512x128xi1>, vector<512x128xi32>
    %reduce_sum3A = vector.shape_cast %select_n3A : vector<512x128xi32> to vector<1x512x128xi32>
    %reduce_sum3A_201 = arith.constant dense<0> : vector<1xi32>
    %reduce_sum3A_202 = vector.multi_reduction <add>, %reduce_sum3A, %reduce_sum3A_201 [1, 2] : vector<1x512x128xi32> to vector<1xi32>
    %reduce_sum3A_203 = vector.shape_cast %reduce_sum3A_202 : vector<1xi32> to vector<1x1x1xi32>
    %reduce_sum3A_204 = vector.extract %reduce_sum3A_203[0, 0, 0] : i32 from vector<1x1x1xi32>
    %iota3A_205 = tpu.iota {dimensions = array<i32: 0>} : vector<8x128xi32>
    %eq3A = arith.constant 0 : i32
    %eq3A_206 = vector.broadcast %eq3A : i32 to vector<8x128xi32>
    %eq3A_207 = arith.cmpi eq, %iota3A_205, %eq3A_206 : vector<8x128xi32>
    %jit3A_208 = arith.constant 0 : i32
    %broadcast_in_dim3A_209 = vector.broadcast %scan3A_199#0 : i32 to vector<8x128xi32>
    %broadcast_in_dim3A_210 = vector.broadcast %jit3A_208 : i32 to vector<8x128xi32>
    %select_n3A_211 = arith.select %eq3A_207, %broadcast_in_dim3A_209, %broadcast_in_dim3A_210 : vector<8x128xi1>, vector<8x128xi32>
    %eq3A_212 = arith.constant 1 : i32
    %eq3A_213 = vector.broadcast %eq3A_212 : i32 to vector<8x128xi32>
    %eq3A_214 = arith.cmpi eq, %iota3A_205, %eq3A_213 : vector<8x128xi32>
    %broadcast_in_dim3A_215 = vector.broadcast %reduce_sum3A_204 : i32 to vector<8x128xi32>
    %select_n3A_216 = arith.select %eq3A_214, %broadcast_in_dim3A_215, %select_n3A_211 : vector<8x128xi1>, vector<8x128xi32>
    %swap3A = arith.constant 0 : index
    %swap3A_217 = arith.constant 0 : index
    %swap3A_218 = vector.load %arg2[%swap3A, %swap3A_217] : memref<8x128xi32, #tpu.memory_space<vmem>>, vector<8x128xi32>
    tpu.vector_store %arg2[%swap3A, %swap3A_217], %select_n3A_216 {strides = array<i32>} : memref<8x128xi32, #tpu.memory_space<vmem>>, vector<8x128xi32>,
    return
  }
  func.func @transform_0(%arg0: i32) -> (i32, i32, i32) {
    %c0_i32 = arith.constant 0 : i32
    %c0_i32_0 = arith.constant 0 : i32
    %c0_i32_1 = arith.constant 0 : i32
    %c0_i32_2 = arith.constant 0 : i32
    return %c0_i32, %c0_i32_0, %c0_i32_1 : i32, i32, i32
  }
  func.func @transform_1(%arg0: i32) -> (i32, i32) {
    %c0_i32 = arith.constant 0 : i32
    %c0_i32_0 = arith.constant 0 : i32
    %c0_i32_1 = arith.constant 0 : i32
    return %c0_i32, %c0_i32_0 : i32, i32
  }
}

</mosaic_0001>

<sc_bundles>
// kernel: kernel.10.cloned.1.call-start
scs
__scs_entry_jumppad:
0x0: {  	(pc) =	sbr.rel $0x88, $3  }
0x1: {  	(tag) =	ssettag $0x0;
	lr =	simm.s32 $0x1  }
0x2: {  	[smem:$0x3F9F] =	sst lr;
	_ =	strace $0xD0000000  }
0x3: {  	_ = 	snop  }
0x4: {  	_ = 	snop  }
0x5: {  	_ = 	snop  }
0x6: {  	_ = 	snop  }
0x7: {  	_ = 	snop  }
__scs_overlays_trampoline_lowered:
0x8: {  	[smem:$0x3FAE] =	sst s0  }
0x9: {  	[smem:$0x3FAF] =	sst s1  }
0xa: {  	[smem:$0x3FB0] =	sst s2  }
0xb: {  	[smem:$0x3FB1] =	sst s3  }
0xc: {  	[smem:$0x3FB2] =	sst s4  }
0xd: {  	[smem:$0x3FB3] =	sst s5  }
0xe: {  	[smem:$0x3FB4] =	sst s6  }
0xf: {  	[smem:$0x3FB5] =	sst s7  }
0x10: {  	[smem:$0x3FB6] =	sst s8  }
0x11: {  	[smem:$0x3FB7] =	sst s9;
	s0 =	simm.s32 @!p0 $0x0  }
0x12: {  	s1 =	sld [smem:$0x3F9D];
	s0 =	simm.s32 @p0 $0x1  }
0x13: {  	[smem:$0x3FB8] =	sst s0;
	s0 =	simm.s32 @!p1 $0x0  }
0x14: {  	s2 =	sld [smem:$0x3F9C];
	s0 =	simm.s32 @p1 $0x1  }
0x15: {  	[smem:$0x3FB9] =	sst s0;
	s0 =	simm.s32 @!p2 $0x0  }
0x16: {  	s3 =	sld [smem:$0x3FDB];
	s0 =	simm.s32 @p2 $0x1  }
0x17: {  	s4 =	simm.s32 $0x1BF5;
	[smem:$0x3FBB] =	sst s0  }
0x18: {  	s0 =	sld [smem:$0x3F9E];
	_ =	swait.ge [sflag:s4], $0x0  }
0x19: {  	s7 =	sld [smem:$0x3F9F]  }
0x1a: {  	s8 =	sadd.s32 $0xFFFFE003, lr  }
0x1b: {  	s9 =	sadd.s32 $0xFFFFFEF7, lr;
	s5 =	simm.s32 $0xFFFFFFFF;
	p2 =	slt.u32 s8, $0xFFFFF086  }
0x1c: {  	p1 =	slt.u32 s9, $0xF7A;
	s5 =	simm.s32 @!p2 $0x0  }
0x1d: {  	s5 =	simm.s32 @p1 $0x1;
	p0 =	seq.s32 s7, s2  }
0x1e: {  	s7 =	smul.u32 @!p0 $0xF7A, s2;
	p2 =	seq.s32 @!p0 s5, $0x0  }
0x1f: {  	s9 =	smul.u32 $0xF7A, s1;
	s8 =	simm.s32 @!p0 $0x1BF5;
	p2 =	por !p2, p0  }
0x20: {  	[sflag:s8] =	ssyncset.s32 @!p0 $0xFFFFF086;
	s6 =	sadd.s32 @!p0 s3, s7;
	s7 =	simm.s32 @!p0 $0x108  }
0x21: {  	s3 =	sadd.s32 s3, s9;
	s6 =	sadd.s32 @!p0 $0x88, s6;
	s7 =	simm.s32 @p2 $0x1082  }
0x22: {  	[simem:s7], [sflag:s8] =	dma.local @!p0 [hbm:s6], $0xF7A  }
0x23: {  	s9 =	sor.u32 $0xD0000000, s2;
	s6 =	simm.s32 $0x108;
	_ =	swait.ge @!p0 [sflag:s8], $0x0  }
0x24: {  	s3 =	sadd.s32 $0x88, s3;
	s6 =	simm.s32 @!p1 $0x1082;
	[sflag:s4] =	ssyncset.s32 $0xFFFFF086  }
0x25: {  	[simem:s6], [sflag:s4] =	dma.local [hbm:s3], $0xF7A  }
0x26: {  	[smem:$0x3F9F] =	sst s1;
	(tag) =	ssettag s2;
	_ =	strace s9  }
0x27: {  	s1 =	sld [smem:$0x3FAF]  }
0x28: {  	s2 =	sld [smem:$0x3FB0]  }
0x29: {  	s4 =	sld [smem:$0x3FB2]  }
0x2a: {  	p0 =	seq.s32 s5, $0x0;
	s5 =	sld [smem:$0x3FB3]  }
0x2b: {  	s6 =	sld [smem:$0x3FB4]  }
0x2c: {  	s7 =	sld [smem:$0x3FB5]  }
0x2d: {  	s3 =	simm.s32 $0x108;
	s8 =	sld [smem:$0x3FB6]  }
0x2e: {  	s3 =	simm.s32 @!p0 $0x1082;
	s9 =	sld [smem:$0x3FB7]  }
0x2f: {  	lr =	sadd.s32 s0, s3;
	s0 =	sld [smem:$0x3FAE]  }
0x30: {  	s3 =	sld [smem:$0x3FB1]  }
0x31: {  	[smem:$0x3FBA] =	sst s10  }
0x32: {  	s10 =	sld [smem:$0x3FB8];
	_ =	sdelay $0x3  }
0x33: {  	p0 =	seq.s32 s10, $0x1;
	s10 =	sld [smem:$0x3FBA];
	_ =	sdelay $0x3  }
0x34: {  	[smem:$0x3FBA] =	sst s10  }
0x35: {  	s10 =	sld [smem:$0x3FB9];
	_ =	sdelay $0x3  }
0x36: {  	p1 =	seq.s32 s10, $0x1;
	s10 =	sld [smem:$0x3FBA];
	_ =	sdelay $0x3  }
0x37: {  	[smem:$0x3FBA] =	sst s10  }
0x38: {  	s10 =	sld [smem:$0x3FBB]  }
0x39: {  	_ = 	snop;
	(pc) =	sbr.ind lr, $3  }
0x3a: {  	_ = 	snop  }
0x3b: {  	_ = 	snop  }
0x3c: {  	p2 =	seq.s32 s10, $0x1;
	s10 =	sld [smem:$0x3FBA]  }
0x3d: {  	_ =	shalt  }
0x3e: {  	_ =	shalt  }
0x3f: {  	_ =	shalt  }
0x40: {  	_ =	shalt  }
0x41: {  	_ =	shalt  }
0x42: {  	_ =	shalt  }
0x43: {  	_ =	shalt  }
0x44: {  	_ =	shalt  }
0x45: {  	_ =	shalt  }
0x46: {  	_ =	shalt  }
0x47: {  	_ =	shalt  }
0x48: {  	_ =	shalt  }
0x49: {  	_ =	shalt  }
0x4a: {  	_ =	shalt  }
0x4b: {  	_ =	shalt  }
0x4c: {  	_ =	shalt  }
0x4d: {  	_ =	shalt  }
0x4e: {  	_ =	shalt  }
0x4f: {  	_ =	shalt  }
0x50: {  	_ =	shalt  }
0x51: {  	_ =	shalt  }
0x52: {  	_ =	shalt  }
0x53: {  	_ =	shalt  }
0x54: {  	_ =	shalt  }
0x55: {  	_ =	shalt  }
0x56: {  	_ =	shalt  }
0x57: {  	_ =	shalt  }
0x58: {  	_ =	shalt  }
0x59: {  	_ =	shalt  }
0x5a: {  	_ =	shalt  }
0x5b: {  	_ =	shalt  }
0x5c: {  	_ =	shalt  }
0x5d: {  	_ =	shalt  }
0x5e: {  	_ =	shalt  }
0x5f: {  	_ =	shalt  }
0x60: {  	_ =	shalt  }
0x61: {  	_ =	shalt  }
0x62: {  	_ =	shalt  }
0x63: {  	_ =	shalt  }
0x64: {  	_ =	shalt  }
0x65: {  	_ =	shalt  }
0x66: {  	_ =	shalt  }
0x67: {  	_ =	shalt  }
0x68: {  	_ =	shalt  }
0x69: {  	_ =	shalt  }
0x6a: {  	_ =	shalt  }
0x6b: {  	_ =	shalt  }
0x6c: {  	_ =	shalt  }
0x6d: {  	_ =	shalt  }
0x6e: {  	_ =	shalt  }
0x6f: {  	_ =	shalt  }
0x70: {  	_ =	shalt  }
0x71: {  	_ =	shalt  }
0x72: {  	_ =	shalt  }
0x73: {  	_ =	shalt  }
0x74: {  	_ =	shalt  }
0x75: {  	_ =	shalt  }
0x76: {  	_ =	shalt  }
0x77: {  	_ =	shalt  }
0x78: {  	_ =	shalt  }
0x79: {  	_ =	shalt  }
0x7a: {  	_ =	shalt  }
0x7b: {  	_ =	shalt  }
0x7c: {  	_ =	shalt  }
0x7d: {  	_ =	shalt  }
0x7e: {  	_ =	shalt  }
0x7f: {  	_ =	shalt  }
0x80: {  	_ =	shalt  }
0x81: {  	_ =	shalt  }
0x82: {  	_ =	shalt  }
0x83: {  	_ =	shalt  }
0x84: {  	_ =	shalt  }
0x85: {  	_ =	shalt  }
0x86: {  	_ =	shalt  }
0x87: {  	_ =	shalt  }
.Lfunc_end0:
.L_simem_size_0:
called_computation.1_lowered:
.L_overlay_start_0:
0x88: {  	s2 =	sld [smem:$0x3FD9]  }
0x89: {  	s3 =	sld [smem:$0x3FFE];
	_ =	sdelay $0x1  }
0x8a: {  	s1 =	srdreg.scid  }
0x8b: {  	s0 =	sand.u32 $0x1, s1  }
0x8c: {  	s17 =	sshll.u32 s0, $0xA;
	s2 =	sadd.s32 s3, s2  }
0x8d: {  	s2 =	sadd.s32 s2, s17  }
0x8e: {  	[smem:$0x3FC6] =	sst s2  }
0x8f: {  	_ = 	snop  }
0x90: {  	s2 =	sld [smem:$0x3FC9]  }
0x91: {  	s18 =	sld [smem:$0x3FC8];
	(tm) =	ssettm $0x1  }
0x92: {  	s4 =	sld [smem:$0x3FFB];
	_ =	sdelay $0x3  }
0x93: {  	_ =	strace s4  }
0x94: {  	s4 =	sld [smem:$0x3FFC];
	_ =	sdelay $0x3  }
0x95: {  	_ =	strace s4  }
0x96: {  	s4 =	sld [smem:$0x3FFD];
	_ =	sdelay $0x3  }
0x97: {  	_ =	strace s4  }
0x98: {  	_ =	strace $0x8FFFFFFF  }
0x99: {  	s19 =	sld [smem:$0x3FDB];
	_ =	sdelay $0x1  }
0x9a: {  	s5 =	simm.s32 $_scs_section_size  }
0x9b: {  	s6 =	simm.s32 $_size__tile_overlayer_lowered;
	s7 =	simm.s32 $_tile_overlayer_lowered  }
0x9c: {  	s22 =	simm.s32 $0x1BFF;
	s21 =	sshll.u32 s7, $0x1;
	s4 =	sadd.s32 s5, s19  }
0x9d: {  	s8 =	simm.s32 $0x0;
	s20 =	sshll.u32 s6, $0x1;
	s6 =	sadd.s32 s21, s4  }
0x9e: {  	[timem:s8], [sflag:s22] =	dma.local [hbm:s6], s20  }
0x9f: {  	_ =	swait.ge [sflag:s22], s20  }
0xa0: {  	s5 =	ssub.s32 $0x0, s20;
	[sflag:s22] =	ssyncset.done $0x0  }
0xa1: {  	[sflag:s22] =	ssyncadd.s32 s5;
	_ =	sdelay $0x1  }
0xa2: {  	s23 =	simm.s32 $0x1B8B  }
0xa3: {  	_ =	swait.ge [sflag:s23], $0x1  }
0xa4: {  	[sflag:s23] =	ssyncset.done $0x0  }
0xa5: {  	s25 =	simm.s32 $0x1B8E;
	s24 =	sld [smem:$0x3FFE];
	[sflag:s23] =	ssyncadd.s32 $0xFFFFFFFF  }
0xa6: {  	s26 =	simm.s32 $execute0_lowered;
	[smem:$0x3FD2] =	sst s25  }
0xa7: {  	s6 =	sshll.u32 s26, $0x1;
	_ =	strace $0x8000004F;
	[dreg:$0x1] =	wrdreg $0xFFFFFFFF  }
0xa8: {  	s28 =	simm.s32 $_size_execute0_lowered;
	s4 =	sadd.s32 s4, s6;
	[dreg:$0x0] =	wrdreg $0x0  }
0xa9: {  	s6 =	sshll.u32 s28, $0x1;
	[dreg:$0x2] =	wrdreg s4  }
0xaa: {  	[dreg:$0x3] =	wrdreg s6  }
0xab: {  	[dreg:$0x4] =	wrdreg $0xC0  }
0xac: {  	_ =	task [dreg:s8], $0x5FFFF  }
0xad: {  	[dreg:$0x1] =	wrdreg $0xFFFFFFFF  }
0xae: {  	[dreg:$0x0] =	wrdreg $0x60  }
0xaf: {  	[dreg:$0x2] =	wrdreg s2  }
0xb0: {  	[dreg:$0x3] =	wrdreg s18  }
0xb1: {  	[dreg:$0x4] =	wrdreg s24  }
0xb2: {  	[dreg:$0x5] =	wrdreg $0x9  }
0xb3: {  	_ =	task.clear_ibuf [dreg:s8], $0x6FFFF;
	_ =	strace $0x9000004F  }
0xb4: {  	s29 =	simm.s32 $0x9;
	_ =	strace $0x80000057  }
0xb5: {  	_ =	swait.ge [sflag:s29], $0x1  }
0xb6: {  	[sflag:s29] =	ssyncadd.s32 $0xFFFFFFFF  }
0xb7: {  	_ =	strace $0x90000057  }
0xb8: {  	_ =	sfence  }
0xb9: {  	s30 =	sld [smem:$0x0];
	_ =	sdelay $0x2  }
0xba: {  	s31 =	sshll.u32 s1, $0xD;
	s1 =	sshrl.u32 s1, $0x2  }
0xbb: {  	s3 =	sand.u32 $0x4000, s31;
	s1 =	sadd.s32 s1, s30  }
0xbc: {  	s0 =	sor.u32 s3, s0;
	s1 =	sshll.u32 s1, $0x11  }
0xbd: {  	s0 =	sor.u32 s1, s0  }
0xbe: {  	s0 =	sadd.s32 $0x8F2B, s0  }
0xbf: {  	[sflag:s0] =	ssyncadd.remote.s32 $0x1  }
0xc0: {  	_ =	sfence.sel $0xFFFF  }
0xc1: {  	[dreg:$0x0] =	wrdreg $0xFFFFFFFF;
	(pc) =	sbr.abs _section_cstart, $3  }
0xc2: {  	[dreg:$0x1] =	wrdreg $0xFFFFFFFF  }
0xc3: {  	_ =	task.clear_ibuf [dreg:s8], $0x2FFFF;
	_ =	strace $0x9FFFFFFF  }
0xc4: {  	(tm) =	ssettm $0x7FFFFFFF  }
0xc5: {  	_ =	shalt  }
tec
execute0_lowered:
.L_overlay_start_1:
0x0: {  	(tag) =	ssettag $0x1  }
0x1: {  	s1 =	rddreg [dreg:$0x0]  }
0x2: {  	s2 =	rddreg [dreg:$0x1]  }
0x3: {  	s4 =	rddreg [dreg:$0x2];
	s3 =	simm.s32 $0x0;
	s5 =	srdreg.scid  }
0x4: {  	s0 =	stileid.u32;
	s14 =	simm.s32 $0x1;
	s15 =	simm.s32 $0x0  }
0x5: {  	[smem:$0x7FF] =	sst s3;
	s6 =	sand.u32 $0x1, s5;
	s5 =	sadd.s32 $0x2000, s4  }
0x6: {  	s10 =	sshll.u32 s0, $0xE;
	s11 =	sshll.u32 s0, $0xD;
	_ =	strace $0x80000050  }
0x7: {  	s7 =	sshll.u32 s6, $0xC;
	s8 =	ssub.s32 $0x2, s6;
	s6 =	sshll.u32 s6, $0x12  }
0x8: {  	s7 =	sadd.s32 s7, s4;
	s9 =	sshrl.u32 s8, $0x1;
	s6 =	sor.u32 s10, s6  }
0x9: {  	s12 =	ssub.s32 s8, s9;
	s31 =	sadd.s32 s11, s7;
	s7 =	sadd.s32 s1, s6  }
0xa: {  	v0 =	vimm.s32 $0x0;
	v1 =	vimm.s32 $0x1;
	s8 =	sadd.s32 s2, s6;
	s9 =	sadd.s32 $0x2200, s31;
	s10 =	smax.u32 s12, $0x1  }
.LBB2_1:
0xb: {  	s16 =	simm.s32 $0x100  }
0xc: {  	[tilespmem:s16+$0xFFFFFF00] =	vst v0  }
0xd: {  	[tilespmem:s16+$0xF0] =	vst v0  }
0xe: {  	[tilespmem:s16+$0xE0] =	vst v0  }
0xf: {  	[tilespmem:s16+$0xD0] =	vst v0  }
0x10: {  	[tilespmem:s16+$0xC0] =	vst v0  }
0x11: {  	[tilespmem:s16+$0xB0] =	vst v0  }
0x12: {  	[tilespmem:s16+$0xA0] =	vst v0  }
0x13: {  	[tilespmem:s16+$0x90] =	vst v0  }
0x14: {  	[tilespmem:s16+$0x80] =	vst v0  }
0x15: {  	[tilespmem:s16+$0x70] =	vst v0  }
0x16: {  	[tilespmem:s16+$0x60] =	vst v0  }
0x17: {  	[tilespmem:s16+$0x50] =	vst v0  }
0x18: {  	[tilespmem:s16+$0x40] =	vst v0  }
0x19: {  	[tilespmem:s16+$0x30] =	vst v0  }
0x1a: {  	[tilespmem:s16+$0x20] =	vst v0  }
0x1b: {  	[tilespmem:s16+$0x10] =	vst v0  }
0x1c: {  	[tilespmem:s16+$0x0] =	vst v0  }
0x1d: {  	[tilespmem:s16+$0xFFFFFFF0] =	vst v0  }
0x1e: {  	[tilespmem:s16+$0xFFFFFFE0] =	vst v0  }
0x1f: {  	[tilespmem:s16+$0xFFFFFFD0] =	vst v0  }
0x20: {  	[tilespmem:s16+$0xFFFFFFC0] =	vst v0  }
0x21: {  	[tilespmem:s16+$0xFFFFFFB0] =	vst v0  }
0x22: {  	[tilespmem:s16+$0xFFFFFFA0] =	vst v0  }
0x23: {  	[tilespmem:s16+$0xFFFFFF90] =	vst v0  }
0x24: {  	[tilespmem:s16+$0xFFFFFF80] =	vst v0  }
0x25: {  	[tilespmem:s16+$0xFFFFFF70] =	vst v0  }
0x26: {  	[tilespmem:s16+$0xFFFFFF60] =	vst v0  }
0x27: {  	[tilespmem:s16+$0xFFFFFF50] =	vst v0  }
0x28: {  	[tilespmem:s16+$0xFFFFFF40] =	vst v0  }
0x29: {  	[tilespmem:s16+$0xFFFFFF30] =	vst v0  }
0x2a: {  	s17 =	simm.s32 $0x0;
	[tilespmem:s16+$0xFFFFFF20] =	vst v0  }
.LBB2_2:
0x2b: {  	s17 =	sadd.s32 $0x4, s17;
	[tilespmem:s16+$0xFFFFFF10] =	vst v0;
	s16 =	sadd.s32 $0x200, s16  }
0x2c: {  	[tilespmem:s16+$0xFFFFFF00] =	vst v0;
	p0 =	slt.u32 s17, $0xFC  }
0x2d: {  	[tilespmem:s16+$0xF0] =	vst v0  }
0x2e: {  	[tilespmem:s16+$0xE0] =	vst v0  }
0x2f: {  	[tilespmem:s16+$0xD0] =	vst v0  }
0x30: {  	[tilespmem:s16+$0xC0] =	vst v0  }
0x31: {  	[tilespmem:s16+$0xB0] =	vst v0  }
0x32: {  	[tilespmem:s16+$0xA0] =	vst v0  }
0x33: {  	[tilespmem:s16+$0x90] =	vst v0  }
0x34: {  	[tilespmem:s16+$0x80] =	vst v0  }
0x35: {  	[tilespmem:s16+$0x70] =	vst v0  }
0x36: {  	[tilespmem:s16+$0x60] =	vst v0  }
0x37: {  	[tilespmem:s16+$0x50] =	vst v0  }
0x38: {  	[tilespmem:s16+$0x40] =	vst v0  }
0x39: {  	[tilespmem:s16+$0x30] =	vst v0  }
0x3a: {  	[tilespmem:s16+$0x20] =	vst v0  }
0x3b: {  	[tilespmem:s16+$0x10] =	vst v0  }
0x3c: {  	[tilespmem:s16+$0x0] =	vst v0  }
0x3d: {  	[tilespmem:s16+$0xFFFFFFF0] =	vst v0  }
0x3e: {  	[tilespmem:s16+$0xFFFFFFE0] =	vst v0  }
0x3f: {  	[tilespmem:s16+$0xFFFFFFD0] =	vst v0  }
0x40: {  	[tilespmem:s16+$0xFFFFFFC0] =	vst v0  }
0x41: {  	[tilespmem:s16+$0xFFFFFFB0] =	vst v0  }
0x42: {  	[tilespmem:s16+$0xFFFFFFA0] =	vst v0  }
0x43: {  	[tilespmem:s16+$0xFFFFFF90] =	vst v0  }
0x44: {  	[tilespmem:s16+$0xFFFFFF80] =	vst v0  }
0x45: {  	[tilespmem:s16+$0xFFFFFF70] =	vst v0  }
.Ltmp0:
0x46: {  	[tilespmem:s16+$0xFFFFFF60] =	vst v0;
	(pc) =	sbr.rel @p0 .LBB2_2-.Ltmp0, $4  }
0x47: {  	[tilespmem:s16+$0xFFFFFF50] =	vst v0  }
0x48: {  	[tilespmem:s16+$0xFFFFFF40] =	vst v0  }
0x49: {  	[tilespmem:s16+$0xFFFFFF30] =	vst v0  }
0x4a: {  	[tilespmem:s16+$0xFFFFFF20] =	vst v0  }
0x4b: {  	[tilespmem:s16+$0xFFFFFF10] =	vst v0;
	s16 =	simm.s32 $0x0;
	s0 =	simm.s32 $0x8000;
	s17 =	simm.s32 $0x1  }
0x4c: {  	[tilespmem:s0], [sflag:$0x1] =	stream.linear.gather [hbm4b:s5+s16], $0x10, $0x38;
	[tilespmem:$0x18080] =	vst v63  }
0x4d: {  	_ =	swait.ge [sflag:s17], $0x10  }
0x4e: {  	[sflag:s17] =	ssyncset.done $0x0  }
0x4f: {  	[sflag:s17] =	ssyncadd.s32 $0xFFFFFFF0  }
0x50: {  	s30 =	simm.s32 $0x8080;
	s31 =	simm.s32 $0x10080;
	v2 =	vld [tilespmem:$0x8000];
	_ =	strace $0x80000051  }
0x51: {  	[tilespmem:s30], [sflag:$0x1] =	stream.linear.gather [hbm4b:s7+s16], $0x4000, $0x200038;
	[tilespmem:$0x18080] =	vst v63  }
0x52: {  	s23 =	simm.s32 $0x0;
	s18 =	simm.s32 $0x0;
	s19 =	simm.s32 $0x1  }
0x53: {  	[tilespmem:s31], [sflag:$0x3] =	stream.linear.gather [hbm4b:s8+s16], $0x4000, $0x200038;
	[tilespmem:$0x18080] =	vst v63  }
0x54: {  	s20 =	simm.s32 $0x0;
	s21 =	simm.s32 $0x0;
	_ =	strace $0x90000051  }
.LBB2_4:
0x55: {  	s22 =	sadd.s32 $0x1, s23  }
0x56: {  	p0 =	seq.s32 s22, $0x8  }
0x57: {  	s22 =	simm.s32 @p0 $0x0;
	p0 =	seq.s32 s21, $0x7  }
0x58: {  	p1 =	seq.s32 @!p0 s23, s22  }
0x59: {  	p2 =	por p1, p0  }
0x5a: {  	s25 =	sshll.u32 @!p2 s22, $0xB  }
0x5b: {  	s24 =	sand.u32 @!p2 $0x1, s17;
	_ =	strace @!p2 $0x80000052;
	s25 =	sadd.s32 @!p2 s25, s6  }
0x5c: {  	s30 =	simm.s32 @!p2 $0x0;
	s26 =	sshll.u32 @!p2 s24, $0xE;
	s25 =	sand.u32 @!p2 $0x1FFFF800, s25  }
0x5d: {  	s24 =	sadd.s32 @!p2 $0x1, s24;
	s26 =	sor.u32 @!p2 $0x8080, s26;
	s29 =	sadd.s32 @!p2 s1, s25  }
0x5e: {  	[tilespmem:s26], [sflag:s24] =	stream.linear.gather @!p2 [hbm4b:s29+s30], $0x4000, $0x200038;
	[tilespmem:$0x18080] =	vst v63  }
0x5f: {  	s24 =	sand.u32 @!p2 $0x1, s19  }
0x60: {  	s25 =	sadd.s32 @!p2 s2, s25;
	_ =	strace @!p2 $0x90000052;
	s26 =	sshll.u32 @!p2 s24, $0xE  }
0x61: {  	s24 =	sadd.s32 @!p2 $0x3, s24;
	_ =	strace @!p2 $0x80000053;
	s26 =	sor.u32 @!p2 $0x10080, s26  }
0x62: {  	[tilespmem:s26], [sflag:s24] =	stream.linear.gather @!p2 [hbm4b:s25+s30], $0x4000, $0x200038;
	[tilespmem:$0x18080] =	vst v63  }
0x63: {  	s4 =	sand.u32 $0x1, s20;
	_ =	strace @!p2 $0x90000053  }
0x64: {  	s24 =	sadd.s32 $0x1, s4;
	_ =	strace $0x80000054  }
0x65: {  	_ =	swait.ge [sflag:s24], $0x4000  }
0x66: {  	[sflag:s24] =	ssyncset.done $0x0  }
0x67: {  	s11 =	sshll.u32 s20, $0xE;
	s12 =	sand.u32 $0x1, s18;
	[sflag:s24] =	ssyncadd.s32 $0xFFFFC000  }
0x68: {  	s13 =	sshll.u32 s18, $0xE;
	s24 =	sand.u32 $0x4000, s11;
	_ =	strace $0x90000054  }
0x69: {  	s25 =	sadd.s32 $0x3, s12;
	s24 =	sor.u32 $0x8080, s24;
	_ =	strace $0x80000055  }
0x6a: {  	s26 =	sand.u32 $0x4000, s13;
	v3 =	vmov s24;
	_ =	swait.ge [sflag:s25], $0x4000  }
0x6b: {  	s31 =	simm.s32 $0x0;
	s30 =	sor.u32 $0x10080, s26;
	[sflag:s25] =	ssyncset.done $0x0  }
0x6c: {  	s0 =	sand.u32 $0x3000, s31;
	s4 =	sand.u32 $0xC00, s16;
	v4 =	vmov s30;
	[sflag:s25] =	ssyncadd.s32 $0xFFFFC000  }
0x6d: {  	s11 =	sand.u32 $0x380, s16;
	s24 =	sor.u32 s0, s4;
	_ =	strace $0x90000055  }
0x6e: {  	s29 =	sor.u32 s11, s24;
	_ =	strace $0x80000056  }
0x6f: {  	s24 =	sor.u32 $0x70, s29;
	v6 =	vld.idx.msk [tilespmem:v3+s29+$0x0 ss:$0x1], $0xffff  }
0x70: {  	v5 =	vld.idx.msk [tilespmem:v3+s24+$0x0 ss:$0x1], $0xffff  }
0x71: {  	s25 =	sor.u32 $0x10, s29;
	v7 =	vld.idx.msk [tilespmem:v4+s24+$0x0 ss:$0x1], $0xffff  }
0x72: {  	s12 =	sor.u32 $0x20, s29;
	v8 =	vld.idx.msk [tilespmem:v3+s25+$0x0 ss:$0x1], $0xffff  }
0x73: {  	s13 =	sor.u32 $0x30, s29;
	v9 =	vld.idx.msk [tilespmem:v3+s12+$0x0 ss:$0x1], $0xffff  }
0x74: {  	s4 =	sor.u32 $0x40, s29;
	v10 =	vld.idx.msk [tilespmem:v3+s13+$0x0 ss:$0x1], $0xffff  }
0x75: {  	s31 =	sor.u32 $0x50, s29;
	v11 =	vld.idx.msk [tilespmem:v3+s4+$0x0 ss:$0x1], $0xffff  }
0x76: {  	v13 =	vld.idx.msk [tilespmem:v3+s31+$0x0 ss:$0x1], $0xffff  }
0x77: {  	v15 =	vld.idx.msk [tilespmem:v4+s12+$0x0 ss:$0x1], $0xffff;
	v12 =	vsub.f32 $1.000000000e+00, v5  }
0x78: {  	v16 =	vld.idx.msk [tilespmem:v4+s4+$0x0 ss:$0x1], $0xffff;
	vm0 =	veq.f32 v7, $1.000000000e+00  }
0x79: {  	v23 =	vld.idx.msk [tilespmem:v4+s29+$0x0 ss:$0x1], $0xffff;
	v5 =	vsel vm0, v5, v12  }
0x7a: {  	s0 =	sor.u32 $0x60, s29;
	s24 =	simm.s32 $0x80;
	v12 =	vld.idx.msk [tilespmem:v4+s25+$0x0 ss:$0x1], $0xffff;
	s25 =	simm.s32 $0x400;
	v14 =	vshrl.u32 v5, $0xF  }
0x7b: {  	s26 =	simm.s32 $0x20;
	s11 =	sand.u32 $0x3000, s24;
	v7 =	vld.idx.msk [tilespmem:v3+s0+$0x0 ss:$0x1], $0xffff;
	s12 =	sand.u32 $0xC00, s25;
	vm0 =	veq.s32 v14, v2  }
0x7c: {  	v20 =	vld.idx.msk [tilespmem:v4+s0+$0x0 ss:$0x1], $0xffff;
	s29 =	sand.u32 $0x380, s26;
	v5 =	vand.u32 $0x7FFF, v5;
	s0 =	sor.u32 s11, s12  }
0x7d: {  	v17 =	vld.idx.msk [tilespmem:v4+s31+$0x0 ss:$0x1], $0xffff;
	v18 =	vsub.f32 $1.000000000e+00, v6;
	v19 =	vsub.f32 $1.000000000e+00, v8;
	s29 =	sor.u32 s29, s0  }
0x7e: {  	v21 =	vsub.f32 $1.000000000e+00, v9;
	v22 =	vsub.f32 $1.000000000e+00, v10;
	v14 =	vld.idx.msk [tilespmem:v4+s13+$0x0 ss:$0x1], $0xffff;
	s4 =	sor.u32 $0x40, s29  }
0x7f: {  	v24 =	vsub.f32 $1.000000000e+00, v11;
	v25 =	vsub.f32 $1.000000000e+00, v13;
	s11 =	sor.u32 $0x50, s29;
	vm1 =	veq.f32 v12, $1.000000000e+00;
	v62 =	vld.idx.msk [tilespmem:v3+s4+$0x0 ss:$0x1], $0xffff  }
0x80: {  	v12 =	vsub.f32 $1.000000000e+00, v7;
	v31 =	vld.idx.msk [tilespmem:v4+s11+$0x0 ss:$0x1], $0xffff;
	v8 =	vsel vm1, v8, v19;
	vm1 =	veq.f32 v23, $1.000000000e+00  }
0x81: {  	s13 =	sor.u32 $0x30, s29;
	v6 =	vsel vm1, v6, v18;
	[tilespmem:v5+s3+$0x0] =	vst.idx.add.s32.msk vm0, v1;
	vm0 =	veq.f32 v15, $1.000000000e+00;
	v15 =	vshrl.u32 v8, $0xF  }
0x82: {  	v23 =	vld.idx.msk [tilespmem:v3+s13+$0x0 ss:$0x1], $0xffff;
	v18 =	vshrl.u32 v6, $0xF;
	v6 =	vand.u32 $0x7FFF, v6;
	v19 =	vsel vm0, v9, v21  }
0x83: {  	s0 =	sor.u32 $0x70, s29;
	v5 =	vld.idx.msk [tilespmem:v3+s29+$0x0 ss:$0x1], $0xffff;
	vm0 =	veq.f32 v14, $1.000000000e+00;
	vm6 =	veq.s32 v15, v2;
	v9 =	vshrl.u32 v19, $0xF  }
0x84: {  	v14 =	vld.idx.msk [tilespmem:v3+s0+$0x0 ss:$0x1], $0xffff;
	v10 =	vsel vm0, v10, v22;
	vm0 =	veq.f32 v16, $1.000000000e+00;
	v63 =	vand.u32 $0x7FFF, v19  }
0x85: {  	s30 =	sor.u32 $0x10, s29;
	v16 =	vld.idx.msk [tilespmem:v4+s0+$0x0 ss:$0x1], $0xffff;
	v33 =	vsub.f32 $1.000000000e+00, v62;
	v21 =	vshrl.u32 v10, $0xF;
	v11 =	vsel vm0, v11, v24  }
0x86: {  	s0 =	sor.u32 $0x20, s29;
	v22 =	vld.idx.msk [tilespmem:v3+s30+$0x0 ss:$0x1], $0xffff;
	vm0 =	veq.f32 v17, $1.000000000e+00;
	vm5 =	veq.s32 v9, v2;
	v27 =	vand.u32 $0x7FFF, v10  }
0x87: {  	s12 =	sor.u32 $0x60, s29;
	v61 =	vld.idx.msk [tilespmem:v3+s0+$0x0 ss:$0x1], $0xffff;
	v32 =	vsub.f32 $1.000000000e+00, v23;
	v17 =	vshrl.u32 v11, $0xF;
	v13 =	vsel vm0, v13, v25  }
0x88: {  	v9 =	vld.idx.msk [tilespmem:v3+s12+$0x0 ss:$0x1], $0xffff;
	vm0 =	veq.f32 v20, $1.000000000e+00;
	vm4 =	veq.s32 v21, v2;
	v11 =	vand.u32 $0x7FFF, v11  }
0x89: {  	v21 =	vld.idx.msk [tilespmem:v4+s0+$0x0 ss:$0x1], $0xffff;
	v20 =	vshrl.u32 v13, $0xF;
	v7 =	vsel vm0, v7, v12;
	v26 =	vsub.f32 $1.000000000e+00, v14  }
0x8a: {  	v12 =	vld.idx.msk [tilespmem:v3+s11+$0x0 ss:$0x1], $0xffff;
	vm3 =	veq.s32 v17, v2;
	v15 =	vshrl.u32 v7, $0xF;
	vm0 =	veq.f32 v16, $1.000000000e+00  }
0x8b: {  	v10 =	vsub.f32 $1.000000000e+00, v5;
	vm1 =	veq.s32 v15, v2;
	v15 =	vld.idx.msk [tilespmem:v4+s30+$0x0 ss:$0x1], $0xffff;
	v14 =	vsel vm0, v14, v26  }
0x8c: {  	v28 =	vld.idx.msk [tilespmem:v4+s13+$0x0 ss:$0x1], $0xffff;
	vm2 =	veq.s32 v20, v2;
	v16 =	vand.u32 $0x7FFF, v8;
	v8 =	vshrl.u32 v14, $0xF  }
0x8d: {  	v29 =	vld.idx.msk [tilespmem:v4+s4+$0x0 ss:$0x1], $0xffff;
	v7 =	vand.u32 $0x7FFF, v7;
	vm0 =	veq.s32 v18, v2;
	vm7 =	veq.s32 v8, v2  }
0x8e: {  	v19 =	vld.idx.msk [tilespmem:v4+s12+$0x0 ss:$0x1], $0xffff;
	v17 =	vsub.f32 $1.000000000e+00, v9;
	v30 =	vand.u32 $0x7FFF, v14;
	v14 =	vsub.f32 $1.000000000e+00, v61  }
0x8f: {  	v18 =	vld.idx.msk [tilespmem:v4+s29+$0x0 ss:$0x1], $0xffff;
	vm15 =	veq.f32 v21, $1.000000000e+00;
	v8 =	vand.u32 $0x7FFF, v13;
	v13 =	vsub.f32 $1.000000000e+00, v22  }
0x90: {  	[tilespmem:v63+s3+$0x0] =	vst.idx.add.s32.msk vm5, v1;
	vm5 =	veq.f32 v31, $1.000000000e+00;
	v20 =	vsub.f32 $1.000000000e+00, v12;
	vm8 =	veq.f32 v15, $1.000000000e+00  }
0x91: {  	p1 =	por !p1, p0;
	s0 =	sadd.s32 @!p2 $0x1, s17;
	s29 =	simm.s32 $0x0;
	v14 =	vsel vm15, v61, v14;
	[tilespmem:v16+s3+$0x0] =	vst.idx.add.s32.msk vm6, v1;
	vm6 =	veq.f32 v28, $1.000000000e+00;
	v13 =	vsel vm8, v22, v13  }
0x92: {  	s28 =	smov.u32 s17;
	s17 =	smov.u32 @p1 s0;
	s29 =	simm.s32 @p1 $0x1;
	[tilespmem:v27+s3+$0x0] =	vst.idx.add.s32.msk vm4, v1;
	v22 =	vshrl.u32 v14, $0xF;
	v15 =	vsel vm6, v23, v32;
	vm6 =	veq.f32 v29, $1.000000000e+00  }
0x93: {  	s17 =	smov.u32 @p0 s28;
	s29 =	simm.s32 @p0 $0x0;
	v21 =	vshrl.u32 v13, $0xF;
	v23 =	vshrl.u32 v15, $0xF;
	v16 =	vsel vm6, v62, v33;
	[tilespmem:v30+s3+$0x0] =	vst.idx.add.s32.msk vm7, v1  }
.LBB2_5:
0x94: {  	s24 =	sadd.s32 $0x80, s24;
	v24 =	vshrl.u32 v16, $0xF;
	v12 =	vsel vm5, v12, v20;
	vm4 =	veq.f32 v19, $1.000000000e+00;
	s25 =	sadd.s32 $0x400, s25;
	[tilespmem:v11+s3+$0x0] =	vst.idx.add.s32.msk vm3, v1  }
0x95: {  	vm3 =	veq.f32 v18, $1.000000000e+00;
	s26 =	sadd.s32 $0x20, s26;
	s0 =	sand.u32 $0x3000, s24;
	s4 =	sand.u32 $0xC00, s25;
	v11 =	vshrl.u32 v12, $0xF;
	v9 =	vsel vm4, v9, v17;
	[tilespmem:v8+s3+$0x0] =	vst.idx.add.s32.msk vm2, v1  }
0x96: {  	vm6 =	veq.s32 v21, v2;
	p1 =	slt.u32 s24, $0x3F80;
	v10 =	vsel vm3, v5, v10;
	s0 =	sor.u32 s0, s4;
	s4 =	sand.u32 $0x380, s26;
	v8 =	vshrl.u32 v9, $0xF;
	[tilespmem:v7+s3+$0x0] =	vst.idx.add.s32.msk vm1, v1  }
0x97: {  	vm5 =	veq.s32 v22, v2;
	vm4 =	veq.s32 v23, v2;
	v7 =	vshrl.u32 v10, $0xF;
	s28 =	sor.u32 s4, s0;
	[tilespmem:v6+s3+$0x0] =	vst.idx.add.s32.msk vm0, v1  }
0x98: {  	vm3 =	veq.s32 v24, v2;
	vm2 =	veq.s32 v11, v2;
	vm1 =	veq.s32 v8, v2;
	v5 =	vld.idx.msk [tilespmem:v3+s28+$0x0 ss:$0x1], $0xffff;
	s0 =	sor.u32 $0x10, s28;
	s4 =	sor.u32 $0x20, s28;
	s11 =	sor.u32 $0x70, s28  }
0x99: {  	v21 =	vand.u32 $0x7FFF, v13;
	v23 =	vand.u32 $0x7FFF, v14;
	vm0 =	veq.s32 v7, v2;
	s12 =	sor.u32 $0x30, s28;
	s30 =	sor.u32 $0x40, s28;
	s31 =	sor.u32 $0x50, s28;
	v17 =	vld.idx.msk [tilespmem:v3+s11+$0x0 ss:$0x1], $0xffff  }
0x9a: {  	v24 =	vand.u32 $0x7FFF, v15;
	v11 =	vand.u32 $0x7FFF, v16;
	v8 =	vand.u32 $0x7FFF, v12;
	s13 =	sor.u32 $0x60, s28;
	v13 =	vld.idx.msk [tilespmem:v4+s11+$0x0 ss:$0x1], $0xffff  }
0x9b: {  	v6 =	vand.u32 $0x7FFF, v10;
	v7 =	vand.u32 $0x7FFF, v9;
	v14 =	vld.idx.msk [tilespmem:v3+s0+$0x0 ss:$0x1], $0xffff  }
0x9c: {  	v15 =	vld.idx.msk [tilespmem:v3+s4+$0x0 ss:$0x1], $0xffff  }
0x9d: {  	v16 =	vld.idx.msk [tilespmem:v3+s12+$0x0 ss:$0x1], $0xffff  }
0x9e: {  	v10 =	vsub.f32 $1.000000000e+00, v5;
	v25 =	vld.idx.msk [tilespmem:v3+s30+$0x0 ss:$0x1], $0xffff  }
0x9f: {  	v18 =	vsub.f32 $1.000000000e+00, v17;
	v12 =	vld.idx.msk [tilespmem:v3+s31+$0x0 ss:$0x1], $0xffff  }
0xa0: {  	vm7 =	veq.f32 v13, $1.000000000e+00;
	v9 =	vld.idx.msk [tilespmem:v3+s13+$0x0 ss:$0x1], $0xffff  }
0xa1: {  	v22 =	vsub.f32 $1.000000000e+00, v14;
	v17 =	vsel vm7, v17, v18;
	v13 =	vld.idx.msk [tilespmem:v4+s0+$0x0 ss:$0x1], $0xffff  }
0xa2: {  	v27 =	vsub.f32 $1.000000000e+00, v15;
	v18 =	vshrl.u32 v17, $0xF;
	v26 =	vld.idx.msk [tilespmem:v4+s4+$0x0 ss:$0x1], $0xffff  }
0xa3: {  	v29 =	vsub.f32 $1.000000000e+00, v16;
	vm7 =	veq.s32 v18, v2;
	v28 =	vld.idx.msk [tilespmem:v4+s12+$0x0 ss:$0x1], $0xffff  }
0xa4: {  	v32 =	vand.u32 $0x7FFF, v17;
	v31 =	vsub.f32 $1.000000000e+00, v25;
	v30 =	vld.idx.msk [tilespmem:v4+s30+$0x0 ss:$0x1], $0xffff  }
0xa5: {  	v20 =	vsub.f32 $1.000000000e+00, v12;
	v33 =	vld.idx.msk [tilespmem:v4+s31+$0x0 ss:$0x1], $0xffff  }
0xa6: {  	v17 =	vsub.f32 $1.000000000e+00, v9;
	v19 =	vld.idx.msk [tilespmem:v4+s13+$0x0 ss:$0x1], $0xffff  }
.Ltmp1:
0xa7: {  	vm8 =	veq.f32 v13, $1.000000000e+00;
	v18 =	vld.idx.msk [tilespmem:v4+s28+$0x0 ss:$0x1], $0xffff;
	(pc) =	sbr.rel @p1 .LBB2_5-.Ltmp1, $4  }
0xa8: {  	v13 =	vsel vm8, v14, v22;
	vm8 =	veq.f32 v26, $1.000000000e+00;
	[tilespmem:v21+s3+$0x0] =	vst.idx.add.s32.msk vm6, v1  }
0xa9: {  	v21 =	vshrl.u32 v13, $0xF;
	v14 =	vsel vm8, v15, v27;
	vm6 =	veq.f32 v28, $1.000000000e+00;
	[tilespmem:v32+s3+$0x0] =	vst.idx.add.s32.msk vm7, v1  }
0xaa: {  	v22 =	vshrl.u32 v14, $0xF;
	v15 =	vsel vm6, v16, v29;
	vm6 =	veq.f32 v30, $1.000000000e+00;
	[tilespmem:v23+s3+$0x0] =	vst.idx.add.s32.msk vm5, v1  }
0xab: {  	v23 =	vshrl.u32 v15, $0xF;
	v16 =	vsel vm6, v25, v31;
	vm5 =	veq.f32 v33, $1.000000000e+00;
	[tilespmem:v24+s3+$0x0] =	vst.idx.add.s32.msk vm4, v1  }
0xac: {  	_ =	sdelay $0x1  }
0xad: {  	v3 =	vshrl.u32 v16, $0xF;
	v4 =	vsel vm5, v12, v20  }
0xae: {  	vm4 =	veq.f32 v19, $1.000000000e+00;
	vm10 =	veq.f32 v18, $1.000000000e+00;
	vm6 =	veq.s32 v21, v2  }
0xaf: {  	vm7 =	veq.s32 v22, v2;
	v13 =	vand.u32 $0x7FFF, v13;
	vm11 =	veq.s32 v23, v2  }
0xb0: {  	[tilespmem:v11+s3+$0x0] =	vst.idx.add.s32.msk vm3, v1;
	v60 =	vand.u32 $0x7FFF, v14;
	v62 =	vand.u32 $0x7FFF, v16;
	v12 =	vshrl.u32 v4, $0xF  }
0xb1: {  	[tilespmem:v8+s3+$0x0] =	vst.idx.add.s32.msk vm2, v1;
	v9 =	vsel vm4, v9, v17;
	vm12 =	veq.s32 v3, v2;
	v3 =	vand.u32 $0x7FFF, v15  }
0xb2: {  	[tilespmem:v7+s3+$0x0] =	vst.idx.add.s32.msk vm1, v1;
	v5 =	vsel vm10, v5, v10;
	v61 =	vshrl.u32 v9, $0xF;
	vm13 =	veq.s32 v12, v2  }
0xb3: {  	[tilespmem:v6+s3+$0x0] =	vst.idx.add.s32.msk vm0, v1;
	v4 =	vand.u32 $0x7FFF, v4;
	v10 =	vshrl.u32 v5, $0xF;
	vm14 =	veq.s32 v61, v2  }
0xb4: {  	p1 =	sne.s32 s23, s22;
	v63 =	vand.u32 $0x7FFF, v9;
	vm15 =	veq.s32 v10, v2;
	[tilespmem:v13+s3+$0x0] =	vst.idx.add.s32.msk vm6, v1  }
0xb5: {  	s0 =	simm.s32 $0x1;
	s21 =	sadd.s32 $0x1, s21;
	p0 =	por p0, p1;
	v5 =	vand.u32 $0x7FFF, v5;
	[tilespmem:v60+s3+$0x0] =	vst.idx.add.s32.msk vm7, v1  }
0xb6: {  	s0 =	simm.s32 @!p0 $0x0;
	p0 =	sne.s32 s21, $0x8;
	[tilespmem:v3+s3+$0x0] =	vst.idx.add.s32.msk vm11, v1  }
.Ltmp2:
0xb7: {  	[tilespmem:v62+s3+$0x0] =	vst.idx.add.s32.msk vm12, v1;
	(pc) =	sbr.rel @p0 .LBB2_4-.Ltmp2, $4  }
0xb8: {  	[tilespmem:v4+s3+$0x0] =	vst.idx.add.s32.msk vm13, v1  }
0xb9: {  	[tilespmem:v63+s3+$0x0] =	vst.idx.add.s32.msk vm14, v1  }
0xba: {  	s19 =	sadd.s32 s19, s29;
	s23 =	smov.u32 s22;
	[tilespmem:v5+s3+$0x0] =	vst.idx.add.s32.msk vm15, v1  }
0xbb: {  	s20 =	sadd.s32 s0, s20;
	s18 =	sadd.s32 s0, s18;
	_ =	strace $0x90000056  }
0xbc: {  	s15 =	sadd.s32 $0x1, s15  }
0xbd: {  	p0 =	sne.s32 s15, s10  }
.Ltmp3:
0xbe: {  	_ = 	snop;
	(pc) =	sbr.rel @p0 .LBB2_1-.Ltmp3, $4  }
0xbf: {  	[hbm4b:s9+s3] =	stream.linear.scatter [tilespmem:s3], [sflag:$0x1], $0x8000, $0x38;
	[tilespmem:$0x18080] =	vst v63  }
0xc0: {  	_ =	swait.ge [sflag:s14], $0x8000  }
0xc1: {  	[sflag:s14] =	ssyncset.done $0x0  }
0xc2: {  	[sflag:s14] =	ssyncadd.s32 $0xFFFF8000  }
0xc3: {  	_ =	sfence.sel $0x180000  }
0xc4: {  	[bflag:$0x0] =	sbarrier.arrive $0xFFFF  }
0xc5: {  	_ =	strace $0x90000050  }
0xc6: {  	s0 =	stileid.u32;
	[bflag:$0x2] =	sbarrier.arrive $0xFFFF  }
0xc7: {  	p0 =	sne.s32 s0, $0x0;
	s0 =	rddreg [dreg:$0x3]  }
0xc8: {  	s0 =	sadd.s32 @!p0 $0x100000, s0  }
0xc9: {  	[sflag:s0] =	ssyncadd.tile.s32 @!p0 $0x1;
	_ =	shalt  }
.Lfunc_end2:
_tile_overlayer_lowered:
.L_overlay_start_2:
0xca: {  	(tag) =	ssettag $0x2  }
0xcb: {  	s0 =	rddreg [dreg:$0x0];
	s2 =	stileid.u32  }
0xcc: {  	s1 =	rddreg [dreg:$0x1];
	p0 =	sne.s32 s2, $0x0  }
0xcd: {  	s3 =	rddreg [dreg:$0x2];
	[bflag:$0x3] =	sbarrier.arrive $0xFFFF;
	s2 =	simm.s32 @!p0 $0x1C01  }
0xce: {  	[timem:s3], [sflag:s2] =	dma.local @!p0 [hbm:s0], s1  }
0xcf: {  	s0 =	simm.s32 @!p0 $0x1  }
0xd0: {  	_ =	swait.ge @!p0 [sflag:s0], s1  }
0xd1: {  	s1 =	ssub.s32 @!p0 $0x0, s1;
	[sflag:s0] =	ssyncset.done @!p0 $0x0  }
0xd2: {  	[sflag:s0] =	ssyncadd.s32 @!p0 s1  }
0xd3: {  	[bflag:$0x3] =	sbarrier.arrive $0xFFFF  }
0xd4: {  	_ =	shalt  }

// kernel: kernel.7.cloned.1.call-start
scs
__scs_entry_jumppad:
0x0: {  	(pc) =	sbr.rel $0x88, $3  }
0x1: {  	(tag) =	ssettag $0x0;
	lr =	simm.s32 $0x1  }
0x2: {  	[smem:$0x3F9F] =	sst lr;
	_ =	strace $0xD0000000  }
0x3: {  	_ = 	snop  }
0x4: {  	_ = 	snop  }
0x5: {  	_ = 	snop  }
0x6: {  	_ = 	snop  }
0x7: {  	_ = 	snop  }
__scs_overlays_trampoline_lowered:
0x8: {  	[smem:$0x3FAE] =	sst s0  }
0x9: {  	[smem:$0x3FAF] =	sst s1  }
0xa: {  	[smem:$0x3FB0] =	sst s2  }
0xb: {  	[smem:$0x3FB1] =	sst s3  }
0xc: {  	[smem:$0x3FB2] =	sst s4  }
0xd: {  	[smem:$0x3FB3] =	sst s5  }
0xe: {  	[smem:$0x3FB4] =	sst s6  }
0xf: {  	[smem:$0x3FB5] =	sst s7  }
0x10: {  	[smem:$0x3FB6] =	sst s8  }
0x11: {  	[smem:$0x3FB7] =	sst s9;
	s0 =	simm.s32 @!p0 $0x0  }
0x12: {  	s1 =	sld [smem:$0x3F9D];
	s0 =	simm.s32 @p0 $0x1  }
0x13: {  	[smem:$0x3FB8] =	sst s0;
	s0 =	simm.s32 @!p1 $0x0  }
0x14: {  	s2 =	sld [smem:$0x3F9C];
	s0 =	simm.s32 @p1 $0x1  }
0x15: {  	[smem:$0x3FB9] =	sst s0;
	s0 =	simm.s32 @!p2 $0x0  }
0x16: {  	s3 =	sld [smem:$0x3FDB];
	s0 =	simm.s32 @p2 $0x1  }
0x17: {  	s4 =	simm.s32 $0x1BF5;
	[smem:$0x3FBB] =	sst s0  }
0x18: {  	s0 =	sld [smem:$0x3F9E];
	_ =	swait.ge [sflag:s4], $0x0  }
0x19: {  	s7 =	sld [smem:$0x3F9F]  }
0x1a: {  	s8 =	sadd.s32 $0xFFFFE003, lr  }
0x1b: {  	s9 =	sadd.s32 $0xFFFFFEF7, lr;
	s5 =	simm.s32 $0xFFFFFFFF;
	p2 =	slt.u32 s8, $0xFFFFF086  }
0x1c: {  	p1 =	slt.u32 s9, $0xF7A;
	s5 =	simm.s32 @!p2 $0x0  }
0x1d: {  	s5 =	simm.s32 @p1 $0x1;
	p0 =	seq.s32 s7, s2  }
0x1e: {  	s7 =	smul.u32 @!p0 $0xF7A, s2;
	p2 =	seq.s32 @!p0 s5, $0x0  }
0x1f: {  	s9 =	smul.u32 $0xF7A, s1;
	s8 =	simm.s32 @!p0 $0x1BF5;
	p2 =	por !p2, p0  }
0x20: {  	[sflag:s8] =	ssyncset.s32 @!p0 $0xFFFFF086;
	s6 =	sadd.s32 @!p0 s3, s7;
	s7 =	simm.s32 @!p0 $0x108  }
0x21: {  	s3 =	sadd.s32 s3, s9;
	s6 =	sadd.s32 @!p0 $0x88, s6;
	s7 =	simm.s32 @p2 $0x1082  }
0x22: {  	[simem:s7], [sflag:s8] =	dma.local @!p0 [hbm:s6], $0xF7A  }
0x23: {  	s9 =	sor.u32 $0xD0000000, s2;
	s6 =	simm.s32 $0x108;
	_ =	swait.ge @!p0 [sflag:s8], $0x0  }
0x24: {  	s3 =	sadd.s32 $0x88, s3;
	s6 =	simm.s32 @!p1 $0x1082;
	[sflag:s4] =	ssyncset.s32 $0xFFFFF086  }
0x25: {  	[simem:s6], [sflag:s4] =	dma.local [hbm:s3], $0xF7A  }
0x26: {  	[smem:$0x3F9F] =	sst s1;
	(tag) =	ssettag s2;
	_ =	strace s9  }
0x27: {  	s1 =	sld [smem:$0x3FAF]  }
0x28: {  	s2 =	sld [smem:$0x3FB0]  }
0x29: {  	s4 =	sld [smem:$0x3FB2]  }
0x2a: {  	p0 =	seq.s32 s5, $0x0;
	s5 =	sld [smem:$0x3FB3]  }
0x2b: {  	s6 =	sld [smem:$0x3FB4]  }
0x2c: {  	s7 =	sld [smem:$0x3FB5]  }
0x2d: {  	s3 =	simm.s32 $0x108;
	s8 =	sld [smem:$0x3FB6]  }
0x2e: {  	s3 =	simm.s32 @!p0 $0x1082;
	s9 =	sld [smem:$0x3FB7]  }
0x2f: {  	lr =	sadd.s32 s0, s3;
	s0 =	sld [smem:$0x3FAE]  }
0x30: {  	s3 =	sld [smem:$0x3FB1]  }
0x31: {  	[smem:$0x3FBA] =	sst s10  }
0x32: {  	s10 =	sld [smem:$0x3FB8];
	_ =	sdelay $0x3  }
0x33: {  	p0 =	seq.s32 s10, $0x1;
	s10 =	sld [smem:$0x3FBA];
	_ =	sdelay $0x3  }
0x34: {  	[smem:$0x3FBA] =	sst s10  }
0x35: {  	s10 =	sld [smem:$0x3FB9];
	_ =	sdelay $0x3  }
0x36: {  	p1 =	seq.s32 s10, $0x1;
	s10 =	sld [smem:$0x3FBA];
	_ =	sdelay $0x3  }
0x37: {  	[smem:$0x3FBA] =	sst s10  }
0x38: {  	s10 =	sld [smem:$0x3FBB]  }
0x39: {  	_ = 	snop;
	(pc) =	sbr.ind lr, $3  }
0x3a: {  	_ = 	snop  }
0x3b: {  	_ = 	snop  }
0x3c: {  	p2 =	seq.s32 s10, $0x1;
	s10 =	sld [smem:$0x3FBA]  }
0x3d: {  	_ =	shalt  }
0x3e: {  	_ =	shalt  }
0x3f: {  	_ =	shalt  }
0x40: {  	_ =	shalt  }
0x41: {  	_ =	shalt  }
0x42: {  	_ =	shalt  }
0x43: {  	_ =	shalt  }
0x44: {  	_ =	shalt  }
0x45: {  	_ =	shalt  }
0x46: {  	_ =	shalt  }
0x47: {  	_ =	shalt  }
0x48: {  	_ =	shalt  }
0x49: {  	_ =	shalt  }
0x4a: {  	_ =	shalt  }
0x4b: {  	_ =	shalt  }
0x4c: {  	_ =	shalt  }
0x4d: {  	_ =	shalt  }
0x4e: {  	_ =	shalt  }
0x4f: {  	_ =	shalt  }
0x50: {  	_ =	shalt  }
0x51: {  	_ =	shalt  }
0x52: {  	_ =	shalt  }
0x53: {  	_ =	shalt  }
0x54: {  	_ =	shalt  }
0x55: {  	_ =	shalt  }
0x56: {  	_ =	shalt  }
0x57: {  	_ =	shalt  }
0x58: {  	_ =	shalt  }
0x59: {  	_ =	shalt  }
0x5a: {  	_ =	shalt  }
0x5b: {  	_ =	shalt  }
0x5c: {  	_ =	shalt  }
0x5d: {  	_ =	shalt  }
0x5e: {  	_ =	shalt  }
0x5f: {  	_ =	shalt  }
0x60: {  	_ =	shalt  }
0x61: {  	_ =	shalt  }
0x62: {  	_ =	shalt  }
0x63: {  	_ =	shalt  }
0x64: {  	_ =	shalt  }
0x65: {  	_ =	shalt  }
0x66: {  	_ =	shalt  }
0x67: {  	_ =	shalt  }
0x68: {  	_ =	shalt  }
0x69: {  	_ =	shalt  }
0x6a: {  	_ =	shalt  }
0x6b: {  	_ =	shalt  }
0x6c: {  	_ =	shalt  }
0x6d: {  	_ =	shalt  }
0x6e: {  	_ =	shalt  }
0x6f: {  	_ =	shalt  }
0x70: {  	_ =	shalt  }
0x71: {  	_ =	shalt  }
0x72: {  	_ =	shalt  }
0x73: {  	_ =	shalt  }
0x74: {  	_ =	shalt  }
0x75: {  	_ =	shalt  }
0x76: {  	_ =	shalt  }
0x77: {  	_ =	shalt  }
0x78: {  	_ =	shalt  }
0x79: {  	_ =	shalt  }
0x7a: {  	_ =	shalt  }
0x7b: {  	_ =	shalt  }
0x7c: {  	_ =	shalt  }
0x7d: {  	_ =	shalt  }
0x7e: {  	_ =	shalt  }
0x7f: {  	_ =	shalt  }
0x80: {  	_ =	shalt  }
0x81: {  	_ =	shalt  }
0x82: {  	_ =	shalt  }
0x83: {  	_ =	shalt  }
0x84: {  	_ =	shalt  }
0x85: {  	_ =	shalt  }
0x86: {  	_ =	shalt  }
0x87: {  	_ =	shalt  }
.Lfunc_end0:
.L_simem_size_0:
called_computation_lowered:
.L_overlay_start_0:
0x88: {  	s2 =	sld [smem:$0x3FD9]  }
0x89: {  	s3 =	sld [smem:$0x3FFE];
	_ =	sdelay $0x1  }
0x8a: {  	s1 =	srdreg.scid  }
0x8b: {  	s0 =	sand.u32 $0x1, s1  }
0x8c: {  	s17 =	sshll.u32 s0, $0xA;
	s2 =	sadd.s32 s3, s2  }
0x8d: {  	s2 =	sadd.s32 s2, s17  }
0x8e: {  	[smem:$0x3FC6] =	sst s2  }
0x8f: {  	_ = 	snop  }
0x90: {  	s2 =	sld [smem:$0x3FC9]  }
0x91: {  	s18 =	sld [smem:$0x3FC8];
	(tm) =	ssettm $0x1  }
0x92: {  	s4 =	sld [smem:$0x3FFB];
	_ =	sdelay $0x3  }
0x93: {  	_ =	strace s4  }
0x94: {  	s4 =	sld [smem:$0x3FFC];
	_ =	sdelay $0x3  }
0x95: {  	_ =	strace s4  }
0x96: {  	s4 =	sld [smem:$0x3FFD];
	_ =	sdelay $0x3  }
0x97: {  	_ =	strace s4  }
0x98: {  	_ =	strace $0x8FFFFFFF  }
0x99: {  	s19 =	sld [smem:$0x3FDB];
	_ =	sdelay $0x1  }
0x9a: {  	s5 =	simm.s32 $_scs_section_size  }
0x9b: {  	s6 =	simm.s32 $_size__tile_overlayer_lowered;
	s7 =	simm.s32 $_tile_overlayer_lowered  }
0x9c: {  	s22 =	simm.s32 $0x1BFF;
	s21 =	sshll.u32 s7, $0x1;
	s4 =	sadd.s32 s5, s19  }
0x9d: {  	s8 =	simm.s32 $0x0;
	s20 =	sshll.u32 s6, $0x1;
	s6 =	sadd.s32 s21, s4  }
0x9e: {  	[timem:s8], [sflag:s22] =	dma.local [hbm:s6], s20  }
0x9f: {  	_ =	swait.ge [sflag:s22], s20  }
0xa0: {  	s5 =	ssub.s32 $0x0, s20;
	[sflag:s22] =	ssyncset.done $0x0  }
0xa1: {  	[sflag:s22] =	ssyncadd.s32 s5;
	_ =	sdelay $0x1  }
0xa2: {  	s23 =	simm.s32 $0x1B8B  }
0xa3: {  	_ =	swait.ge [sflag:s23], $0x1  }
0xa4: {  	[sflag:s23] =	ssyncset.done $0x0  }
0xa5: {  	s25 =	simm.s32 $0x1B8E;
	s24 =	sld [smem:$0x3FFE];
	[sflag:s23] =	ssyncadd.s32 $0xFFFFFFFF  }
0xa6: {  	s26 =	simm.s32 $execute0_lowered;
	[smem:$0x3FD2] =	sst s25  }
0xa7: {  	s6 =	sshll.u32 s26, $0x1;
	_ =	strace $0x80000046;
	[dreg:$0x1] =	wrdreg $0xFFFFFFFF  }
0xa8: {  	s28 =	simm.s32 $_size_execute0_lowered;
	s4 =	sadd.s32 s4, s6;
	[dreg:$0x0] =	wrdreg $0x0  }
0xa9: {  	s6 =	sshll.u32 s28, $0x1;
	[dreg:$0x2] =	wrdreg s4  }
0xaa: {  	[dreg:$0x3] =	wrdreg s6  }
0xab: {  	[dreg:$0x4] =	wrdreg $0xC0  }
0xac: {  	_ =	task [dreg:s8], $0x5FFFF  }
0xad: {  	[dreg:$0x1] =	wrdreg $0xFFFFFFFF  }
0xae: {  	[dreg:$0x0] =	wrdreg $0x60  }
0xaf: {  	[dreg:$0x2] =	wrdreg s2  }
0xb0: {  	[dreg:$0x3] =	wrdreg s18  }
0xb1: {  	[dreg:$0x4] =	wrdreg s24  }
0xb2: {  	[dreg:$0x5] =	wrdreg $0x9  }
0xb3: {  	_ =	task.clear_ibuf [dreg:s8], $0x6FFFF;
	_ =	strace $0x90000046  }
0xb4: {  	s29 =	simm.s32 $0x9;
	_ =	strace $0x8000004E  }
0xb5: {  	_ =	swait.ge [sflag:s29], $0x1  }
0xb6: {  	[sflag:s29] =	ssyncadd.s32 $0xFFFFFFFF  }
0xb7: {  	_ =	strace $0x9000004E  }
0xb8: {  	_ =	sfence  }
0xb9: {  	s30 =	sld [smem:$0x0];
	_ =	sdelay $0x2  }
0xba: {  	s31 =	sshll.u32 s1, $0xD;
	s1 =	sshrl.u32 s1, $0x2  }
0xbb: {  	s3 =	sand.u32 $0x4000, s31;
	s1 =	sadd.s32 s1, s30  }
0xbc: {  	s0 =	sor.u32 s3, s0;
	s1 =	sshll.u32 s1, $0x11  }
0xbd: {  	s0 =	sor.u32 s1, s0  }
0xbe: {  	s0 =	sadd.s32 $0x8F2B, s0  }
0xbf: {  	[sflag:s0] =	ssyncadd.remote.s32 $0x1  }
0xc0: {  	_ =	sfence.sel $0xFFFF  }
0xc1: {  	[dreg:$0x0] =	wrdreg $0xFFFFFFFF;
	(pc) =	sbr.abs _section_cstart, $3  }
0xc2: {  	[dreg:$0x1] =	wrdreg $0xFFFFFFFF  }
0xc3: {  	_ =	task.clear_ibuf [dreg:s8], $0x2FFFF;
	_ =	strace $0x9FFFFFFF  }
0xc4: {  	(tm) =	ssettm $0x7FFFFFFF  }
0xc5: {  	_ =	shalt  }
tec
execute0_lowered:
.L_overlay_start_1:
0x0: {  	(tag) =	ssettag $0x1  }
0x1: {  	s1 =	rddreg [dreg:$0x0]  }
0x2: {  	s2 =	rddreg [dreg:$0x1]  }
0x3: {  	s5 =	rddreg [dreg:$0x2];
	s3 =	simm.s32 $0x0  }
0x4: {  	s4 =	srdreg.scid;
	s0 =	stileid.u32;
	s12 =	simm.s32 $0x1  }
0x5: {  	s13 =	simm.s32 $0x0;
	[smem:$0x7FF] =	sst s3;
	s6 =	sand.u32 $0x1, s4  }
0x6: {  	s10 =	sshll.u32 s0, $0xE;
	_ =	strace $0x80000047;
	s8 =	ssub.s32 $0x2, s6  }
0x7: {  	s7 =	sshll.u32 s6, $0xD;
	s6 =	sshll.u32 s6, $0x12;
	s9 =	sshrl.u32 s8, $0x1  }
0x8: {  	s11 =	sadd.s32 s7, s5;
	s5 =	sor.u32 s10, s6;
	s9 =	ssub.s32 s8, s9  }
0x9: {  	s6 =	sadd.s32 s1, s5;
	s7 =	sadd.s32 s2, s5;
	s31 =	sadd.s32 s10, s11  }
0xa: {  	v0 =	vimm.s32 $0x0;
	v1 =	vimm.s32 $0x1;
	s11 =	simm.s32 $0x18000;
	s8 =	sadd.s32 $0x2000, s31;
	s9 =	smax.u32 s9, $0x1  }
.LBB2_1:
0xb: {  	s14 =	simm.s32 $0x100  }
0xc: {  	[tilespmem:s14+$0xFFFFFF00] =	vst v0  }
0xd: {  	[tilespmem:s14+$0xF0] =	vst v0  }
0xe: {  	[tilespmem:s14+$0xE0] =	vst v0  }
0xf: {  	[tilespmem:s14+$0xD0] =	vst v0  }
0x10: {  	[tilespmem:s14+$0xC0] =	vst v0  }
0x11: {  	[tilespmem:s14+$0xB0] =	vst v0  }
0x12: {  	[tilespmem:s14+$0xA0] =	vst v0  }
0x13: {  	[tilespmem:s14+$0x90] =	vst v0  }
0x14: {  	[tilespmem:s14+$0x80] =	vst v0  }
0x15: {  	[tilespmem:s14+$0x70] =	vst v0  }
0x16: {  	[tilespmem:s14+$0x60] =	vst v0  }
0x17: {  	[tilespmem:s14+$0x50] =	vst v0  }
0x18: {  	[tilespmem:s14+$0x40] =	vst v0  }
0x19: {  	[tilespmem:s14+$0x30] =	vst v0  }
0x1a: {  	[tilespmem:s14+$0x20] =	vst v0  }
0x1b: {  	[tilespmem:s14+$0x10] =	vst v0  }
0x1c: {  	[tilespmem:s14+$0x0] =	vst v0  }
0x1d: {  	[tilespmem:s14+$0xFFFFFFF0] =	vst v0  }
0x1e: {  	[tilespmem:s14+$0xFFFFFFE0] =	vst v0  }
0x1f: {  	[tilespmem:s14+$0xFFFFFFD0] =	vst v0  }
0x20: {  	[tilespmem:s14+$0xFFFFFFC0] =	vst v0  }
0x21: {  	[tilespmem:s14+$0xFFFFFFB0] =	vst v0  }
0x22: {  	[tilespmem:s14+$0xFFFFFFA0] =	vst v0  }
0x23: {  	[tilespmem:s14+$0xFFFFFF90] =	vst v0  }
0x24: {  	[tilespmem:s14+$0xFFFFFF80] =	vst v0  }
0x25: {  	[tilespmem:s14+$0xFFFFFF70] =	vst v0  }
0x26: {  	[tilespmem:s14+$0xFFFFFF60] =	vst v0  }
0x27: {  	[tilespmem:s14+$0xFFFFFF50] =	vst v0  }
0x28: {  	[tilespmem:s14+$0xFFFFFF40] =	vst v0  }
0x29: {  	[tilespmem:s14+$0xFFFFFF30] =	vst v0  }
0x2a: {  	s15 =	simm.s32 $0x0;
	[tilespmem:s14+$0xFFFFFF20] =	vst v0  }
.LBB2_2:
0x2b: {  	s15 =	sadd.s32 $0x4, s15;
	[tilespmem:s14+$0xFFFFFF10] =	vst v0;
	s14 =	sadd.s32 $0x200, s14  }
0x2c: {  	[tilespmem:s14+$0xFFFFFF00] =	vst v0;
	p0 =	slt.u32 s15, $0x1FC  }
0x2d: {  	[tilespmem:s14+$0xF0] =	vst v0  }
0x2e: {  	[tilespmem:s14+$0xE0] =	vst v0  }
0x2f: {  	[tilespmem:s14+$0xD0] =	vst v0  }
0x30: {  	[tilespmem:s14+$0xC0] =	vst v0  }
0x31: {  	[tilespmem:s14+$0xB0] =	vst v0  }
0x32: {  	[tilespmem:s14+$0xA0] =	vst v0  }
0x33: {  	[tilespmem:s14+$0x90] =	vst v0  }
0x34: {  	[tilespmem:s14+$0x80] =	vst v0  }
0x35: {  	[tilespmem:s14+$0x70] =	vst v0  }
0x36: {  	[tilespmem:s14+$0x60] =	vst v0  }
0x37: {  	[tilespmem:s14+$0x50] =	vst v0  }
0x38: {  	[tilespmem:s14+$0x40] =	vst v0  }
0x39: {  	[tilespmem:s14+$0x30] =	vst v0  }
0x3a: {  	[tilespmem:s14+$0x20] =	vst v0  }
0x3b: {  	[tilespmem:s14+$0x10] =	vst v0  }
0x3c: {  	[tilespmem:s14+$0x0] =	vst v0  }
0x3d: {  	[tilespmem:s14+$0xFFFFFFF0] =	vst v0  }
0x3e: {  	[tilespmem:s14+$0xFFFFFFE0] =	vst v0  }
0x3f: {  	[tilespmem:s14+$0xFFFFFFD0] =	vst v0  }
0x40: {  	[tilespmem:s14+$0xFFFFFFC0] =	vst v0  }
0x41: {  	[tilespmem:s14+$0xFFFFFFB0] =	vst v0  }
0x42: {  	[tilespmem:s14+$0xFFFFFFA0] =	vst v0  }
0x43: {  	[tilespmem:s14+$0xFFFFFF90] =	vst v0  }
0x44: {  	[tilespmem:s14+$0xFFFFFF80] =	vst v0  }
0x45: {  	[tilespmem:s14+$0xFFFFFF70] =	vst v0  }
.Ltmp0:
0x46: {  	[tilespmem:s14+$0xFFFFFF60] =	vst v0;
	(pc) =	sbr.rel @p0 .LBB2_2-.Ltmp0, $4  }
0x47: {  	[tilespmem:s14+$0xFFFFFF50] =	vst v0  }
0x48: {  	[tilespmem:s14+$0xFFFFFF40] =	vst v0  }
0x49: {  	[tilespmem:s14+$0xFFFFFF30] =	vst v0  }
0x4a: {  	[tilespmem:s14+$0xFFFFFF20] =	vst v0  }
0x4b: {  	[tilespmem:s14+$0xFFFFFF10] =	vst v0;
	s14 =	simm.s32 $0x0  }
0x4c: {  	s0 =	simm.s32 $0x10000;
	s15 =	simm.s32 $0x1;
	_ =	strace $0x80000048  }
0x4d: {  	[tilespmem:s0], [sflag:$0x1] =	stream.linear.gather [hbm4b:s6+s14], $0x4000, $0x200038;
	v63 =	vld [tilespmem:$0x0]  }
0x4e: {  	s21 =	simm.s32 $0x0;
	s16 =	simm.s32 $0x0;
	s17 =	simm.s32 $0x1  }
0x4f: {  	[tilespmem:s11], [sflag:$0x3] =	stream.linear.gather [hbm4b:s7+s14], $0x4000, $0x200038;
	v63 =	vld [tilespmem:$0x0]  }
0x50: {  	s18 =	simm.s32 $0x0;
	s19 =	simm.s32 $0x0;
	_ =	strace $0x90000048  }
.LBB2_4:
0x51: {  	s20 =	sadd.s32 $0x1, s21  }
0x52: {  	p0 =	seq.s32 s20, $0x8  }
0x53: {  	s20 =	simm.s32 @p0 $0x0;
	p0 =	seq.s32 s19, $0x7  }
0x54: {  	p1 =	seq.s32 @!p0 s21, s20  }
0x55: {  	p2 =	por p1, p0  }
0x56: {  	s23 =	sshll.u32 @!p2 s20, $0xB  }
0x57: {  	s22 =	sand.u32 @!p2 $0x1, s15;
	_ =	strace @!p2 $0x80000049;
	s23 =	sadd.s32 @!p2 s23, s5  }
0x58: {  	s28 =	simm.s32 @!p2 $0x0;
	s24 =	sshll.u32 @!p2 s22, $0xE;
	s23 =	sand.u32 @!p2 $0x1FFFF800, s23  }
0x59: {  	s22 =	sadd.s32 @!p2 $0x1, s22;
	s24 =	sor.u32 @!p2 $0x10000, s24;
	s26 =	sadd.s32 @!p2 s1, s23  }
0x5a: {  	[tilespmem:s24], [sflag:s22] =	stream.linear.gather @!p2 [hbm4b:s26+s28], $0x4000, $0x200038;
	v63 =	vld [tilespmem:$0x0]  }
0x5b: {  	s22 =	sand.u32 @!p2 $0x1, s17  }
0x5c: {  	s23 =	sadd.s32 @!p2 s2, s23;
	_ =	strace @!p2 $0x90000049;
	s24 =	sshll.u32 @!p2 s22, $0xE  }
0x5d: {  	s22 =	sadd.s32 @!p2 $0x3, s22;
	_ =	strace @!p2 $0x8000004A;
	s24 =	sor.u32 @!p2 $0x18000, s24  }
0x5e: {  	[tilespmem:s24], [sflag:s22] =	stream.linear.gather @!p2 [hbm4b:s23+s28], $0x4000, $0x200038;
	v63 =	vld [tilespmem:$0x0]  }
0x5f: {  	s31 =	sand.u32 $0x1, s18;
	_ =	strace @!p2 $0x9000004A  }
0x60: {  	s22 =	sadd.s32 $0x1, s31;
	_ =	strace $0x8000004B  }
0x61: {  	_ =	swait.ge [sflag:s22], $0x4000  }
0x62: {  	[sflag:s22] =	ssyncset.done $0x0  }
0x63: {  	s0 =	sshll.u32 s18, $0xE;
	s4 =	sand.u32 $0x1, s16;
	[sflag:s22] =	ssyncadd.s32 $0xFFFFC000  }
0x64: {  	s10 =	sshll.u32 s16, $0xE;
	s22 =	sand.u32 $0x4000, s0;
	_ =	strace $0x9000004B  }
0x65: {  	s23 =	sadd.s32 $0x3, s4;
	s22 =	sor.u32 $0x10000, s22;
	_ =	strace $0x8000004C  }
0x66: {  	s24 =	sand.u32 $0x4000, s10;
	v2 =	vmov s22;
	_ =	swait.ge [sflag:s23], $0x4000  }
0x67: {  	s28 =	simm.s32 $0x0;
	s26 =	sor.u32 $0x18000, s24;
	[sflag:s23] =	ssyncset.done $0x0  }
0x68: {  	s30 =	sand.u32 $0xC00, s14;
	s29 =	sand.u32 $0x3000, s28;
	v3 =	vmov s26;
	[sflag:s23] =	ssyncadd.s32 $0xFFFFC000  }
0x69: {  	s31 =	sand.u32 $0x380, s14;
	s22 =	sor.u32 s29, s30;
	_ =	strace $0x9000004C  }
0x6a: {  	s0 =	sor.u32 s31, s22;
	_ =	strace $0x8000004D  }
0x6b: {  	s22 =	sor.u32 $0x70, s0;
	v6 =	vld.idx.msk [tilespmem:v2+s0+$0x0 ss:$0x1], $0xffff  }
0x6c: {  	v4 =	vld.idx.msk [tilespmem:v2+s22+$0x0 ss:$0x1], $0xffff  }
0x6d: {  	s23 =	sor.u32 $0x10, s0;
	v5 =	vld.idx.msk [tilespmem:v3+s22+$0x0 ss:$0x1], $0xffff  }
0x6e: {  	s4 =	sor.u32 $0x20, s0;
	v7 =	vld.idx.msk [tilespmem:v2+s23+$0x0 ss:$0x1], $0xffff  }
0x6f: {  	v8 =	vld.idx.msk [tilespmem:v2+s4+$0x0 ss:$0x1], $0xffff  }
0x70: {  	v9 =	vld.idx.msk [tilespmem:v3+s23+$0x0 ss:$0x1], $0xffff  }
0x71: {  	s10 =	sor.u32 $0x30, s0;
	v10 =	vld.idx.msk [tilespmem:v3+s4+$0x0 ss:$0x1], $0xffff  }
0x72: {  	s26 =	sor.u32 $0x40, s0;
	v11 =	vld.idx.msk [tilespmem:v2+s10+$0x0 ss:$0x1], $0xffff  }
0x73: {  	v13 =	vld.idx.msk [tilespmem:v2+s26+$0x0 ss:$0x1], $0xffff  }
0x74: {  	s29 =	sor.u32 $0x50, s0;
	v16 =	vld.idx.msk [tilespmem:v3+s0+$0x0 ss:$0x1], $0xffff;
	v12 =	vsub.f32 $1.000000000e+00, v4  }
0x75: {  	s30 =	sor.u32 $0x60, s0;
	vm0 =	veq.f32 v5, $1.000000000e+00;
	v5 =	vld.idx.msk [tilespmem:v2+s29+$0x0 ss:$0x1], $0xffff  }
0x76: {  	s22 =	simm.s32 $0x80;
	s23 =	simm.s32 $0x400;
	v14 =	vsub.f32 $1.000000000e+00, v7;
	v4 =	vsel vm0, v4, v12;
	v12 =	vld.idx.msk [tilespmem:v2+s30+$0x0 ss:$0x1], $0xffff  }
0x77: {  	s24 =	simm.s32 $0x20;
	s31 =	sand.u32 $0x3000, s22;
	s0 =	sand.u32 $0xC00, s23;
	vm0 =	veq.f32 v9, $1.000000000e+00;
	v9 =	vld.idx.msk [tilespmem:v3+s10+$0x0 ss:$0x1], $0xffff  }
0x78: {  	s4 =	sand.u32 $0x380, s24;
	v15 =	vsub.f32 $1.000000000e+00, v8;
	v7 =	vsel vm0, v7, v14;
	vm0 =	veq.f32 v10, $1.000000000e+00;
	v10 =	vld.idx.msk [tilespmem:v3+s26+$0x0 ss:$0x1], $0xffff;
	s26 =	sor.u32 s31, s0  }
0x79: {  	v14 =	vld.idx.msk [tilespmem:v3+s29+$0x0 ss:$0x1], $0xffff;
	s26 =	sor.u32 s4, s26  }
0x7a: {  	v8 =	vsel vm0, v8, v15;
	v15 =	vld.idx.msk [tilespmem:v3+s30+$0x0 ss:$0x1], $0xffff;
	s28 =	sor.u32 $0x70, s26  }
0x7b: {  	v7 =	vshrl.u32 v7, $0xF;
	s29 =	sor.u32 $0x10, s26;
	v17 =	vld.idx.msk [tilespmem:v3+s28+$0x0 ss:$0x1], $0xffff  }
0x7c: {  	s10 =	sor.u32 $0x20, s26;
	v18 =	vld.idx.msk [tilespmem:v2+s29+$0x0 ss:$0x1], $0xffff  }
0x7d: {  	s30 =	sor.u32 $0x30, s26;
	v19 =	vld.idx.msk [tilespmem:v2+s10+$0x0 ss:$0x1], $0xffff  }
0x7e: {  	s31 =	sor.u32 $0x40, s26;
	v20 =	vld.idx.msk [tilespmem:v2+s30+$0x0 ss:$0x1], $0xffff  }
0x7f: {  	v8 =	vshrl.u32 v8, $0xF;
	v23 =	vld.idx.msk [tilespmem:v2+s31+$0x0 ss:$0x1], $0xffff  }
0x80: {  	v4 =	vshrl.u32 v4, $0xF;
	[tilespmem:v7+s3+$0x0] =	vst.idx.add.s32.msk $0xffff, v1  }
0x81: {  	v7 =	vld.idx.msk [tilespmem:v2+s28+$0x0 ss:$0x1], $0xffff  }
0x82: {  	s0 =	sor.u32 $0x50, s26;
	v27 =	vld.idx.msk [tilespmem:v3+s31+$0x0 ss:$0x1], $0xffff  }
0x83: {  	v21 =	vsub.f32 $1.000000000e+00, v6;
	v22 =	vsub.f32 $1.000000000e+00, v13;
	vm0 =	veq.f32 v9, $1.000000000e+00;
	v9 =	vld.idx.msk [tilespmem:v2+s0+$0x0 ss:$0x1], $0xffff  }
0x84: {  	v24 =	vsub.f32 $1.000000000e+00, v5;
	[tilespmem:v8+s3+$0x0] =	vst.idx.add.s32.msk $0xffff, v1;
	v8 =	vsub.f32 $1.000000000e+00, v11  }
0x85: {  	[tilespmem:v4+s3+$0x0] =	vst.idx.add.s32.msk $0xffff, v1;
	v28 =	vsub.f32 $1.000000000e+00, v19;
	v29 =	vsub.f32 $1.000000000e+00, v20  }
0x86: {  	s4 =	sor.u32 $0x60, s26;
	v4 =	vld.idx.msk [tilespmem:v2+s26+$0x0 ss:$0x1], $0xffff;
	v11 =	vsel vm0, v11, v8;
	vm0 =	veq.f32 v10, $1.000000000e+00;
	v10 =	vsub.f32 $1.000000000e+00, v7  }
0x87: {  	v30 =	vsub.f32 $1.000000000e+00, v23;
	v8 =	vld.idx.msk [tilespmem:v2+s4+$0x0 ss:$0x1], $0xffff;
	v13 =	vsel vm0, v13, v22;
	vm0 =	veq.f32 v17, $1.000000000e+00  }
0x88: {  	v17 =	vsub.f32 $1.000000000e+00, v12;
	v7 =	vsel vm0, v7, v10;
	vm0 =	veq.f32 v14, $1.000000000e+00;
	v10 =	vld.idx.msk [tilespmem:v3+s29+$0x0 ss:$0x1], $0xffff  }
0x89: {  	v61 =	vshrl.u32 v11, $0xF;
	v14 =	vld.idx.msk [tilespmem:v3+s10+$0x0 ss:$0x1], $0xffff;
	v5 =	vsel vm0, v5, v24;
	vm0 =	veq.f32 v15, $1.000000000e+00  }
0x8a: {  	v25 =	vshrl.u32 v13, $0xF;
	v60 =	vshrl.u32 v7, $0xF;
	v7 =	vsel vm0, v12, v17;
	v17 =	vld.idx.msk [tilespmem:v3+s30+$0x0 ss:$0x1], $0xffff  }
0x8b: {  	v62 =	vld.idx.msk [tilespmem:v3+s0+$0x0 ss:$0x1], $0xffff;
	v15 =	vsub.f32 $1.000000000e+00, v9;
	v26 =	vshrl.u32 v5, $0xF;
	vm0 =	veq.f32 v16, $1.000000000e+00  }
0x8c: {  	v11 =	vld.idx.msk [tilespmem:v3+s26+$0x0 ss:$0x1], $0xffff;
	v16 =	vsub.f32 $1.000000000e+00, v18;
	v12 =	vsub.f32 $1.000000000e+00, v8;
	v5 =	vshrl.u32 v7, $0xF  }
0x8d: {  	v13 =	vld.idx.msk [tilespmem:v3+s4+$0x0 ss:$0x1], $0xffff;
	v7 =	vsel vm0, v6, v21;
	v6 =	vsub.f32 $1.000000000e+00, v4;
	vm0 =	veq.f32 v10, $1.000000000e+00  }
0x8e: {  	[tilespmem:v61+s3+$0x0] =	vst.idx.add.s32.msk $0xffff, v1;
	v7 =	vshrl.u32 v7, $0xF;
	v10 =	vsel vm0, v18, v16;
	vm0 =	veq.f32 v14, $1.000000000e+00  }
0x8f: {  	p1 =	por !p1, p0;
	s0 =	sadd.s32 @!p2 $0x1, s15;
	s26 =	simm.s32 $0x0;
	[tilespmem:v25+s3+$0x0] =	vst.idx.add.s32.msk $0xffff, v1;
	v14 =	vshrl.u32 v10, $0xF;
	v10 =	vsel vm0, v19, v28;
	vm0 =	veq.f32 v17, $1.000000000e+00  }
0x90: {  	s25 =	smov.u32 s15;
	s15 =	smov.u32 @p1 s0;
	s26 =	simm.s32 @p1 $0x1;
	[tilespmem:v60+s3+$0x0] =	vst.idx.add.s32.msk $0xffff, v1;
	v16 =	vshrl.u32 v10, $0xF;
	v10 =	vsel vm0, v20, v29;
	vm0 =	veq.f32 v27, $1.000000000e+00  }
0x91: {  	s15 =	smov.u32 @p0 s25;
	s26 =	simm.s32 @p0 $0x0;
	[tilespmem:v26+s3+$0x0] =	vst.idx.add.s32.msk $0xffff, v1;
	v10 =	vshrl.u32 v10, $0xF;
	v17 =	vsel vm0, v23, v30;
	vm0 =	veq.f32 v62, $1.000000000e+00  }
.LBB2_5:
0x92: {  	s22 =	sadd.s32 $0x80, s22;
	v17 =	vshrl.u32 v17, $0xF;
	v9 =	vsel vm0, v9, v15;
	vm0 =	veq.f32 v13, $1.000000000e+00;
	s23 =	sadd.s32 $0x400, s23;
	[tilespmem:v5+s3+$0x0] =	vst.idx.add.s32.msk $0xffff, v1  }
0x93: {  	s24 =	sadd.s32 $0x20, s24;
	s0 =	sand.u32 $0x3000, s22;
	s4 =	sand.u32 $0xC00, s23;
	v18 =	vshrl.u32 v9, $0xF;
	v5 =	vsel vm0, v8, v12;
	[tilespmem:v7+s3+$0x0] =	vst.idx.add.s32.msk $0xffff, v1  }
0x94: {  	p1 =	slt.u32 s22, $0x3F80;
	vm0 =	veq.f32 v11, $1.000000000e+00;
	s0 =	sor.u32 s0, s4;
	s4 =	sand.u32 $0x380, s24;
	[tilespmem:v14+s3+$0x0] =	vst.idx.add.s32.msk $0xffff, v1;
	v5 =	vshrl.u32 v5, $0xF  }
0x95: {  	v6 =	vsel vm0, v4, v6;
	s0 =	sor.u32 s4, s0;
	[tilespmem:v16+s3+$0x0] =	vst.idx.add.s32.msk $0xffff, v1  }
0x96: {  	v7 =	vshrl.u32 v6, $0xF;
	v4 =	vld.idx.msk [tilespmem:v2+s0+$0x0 ss:$0x1], $0xffff;
	s4 =	sor.u32 $0x10, s0;
	s25 =	sor.u32 $0x20, s0;
	s28 =	sor.u32 $0x70, s0  }
0x97: {  	s29 =	sor.u32 $0x30, s0;
	s30 =	sor.u32 $0x40, s0;
	s31 =	sor.u32 $0x50, s0;
	v11 =	vld.idx.msk [tilespmem:v2+s28+$0x0 ss:$0x1], $0xffff  }
0x98: {  	s10 =	sor.u32 $0x60, s0;
	v12 =	vld.idx.msk [tilespmem:v3+s28+$0x0 ss:$0x1], $0xffff  }
0x99: {  	v14 =	vld.idx.msk [tilespmem:v2+s4+$0x0 ss:$0x1], $0xffff  }
0x9a: {  	v16 =	vld.idx.msk [tilespmem:v2+s25+$0x0 ss:$0x1], $0xffff  }
0x9b: {  	v19 =	vld.idx.msk [tilespmem:v2+s29+$0x0 ss:$0x1], $0xffff  }
0x9c: {  	v6 =	vsub.f32 $1.000000000e+00, v4;
	v20 =	vld.idx.msk [tilespmem:v2+s30+$0x0 ss:$0x1], $0xffff  }
0x9d: {  	v13 =	vsub.f32 $1.000000000e+00, v11;
	v9 =	vld.idx.msk [tilespmem:v2+s31+$0x0 ss:$0x1], $0xffff  }
0x9e: {  	vm0 =	veq.f32 v12, $1.000000000e+00;
	v8 =	vld.idx.msk [tilespmem:v2+s10+$0x0 ss:$0x1], $0xffff  }
0x9f: {  	v22 =	vsub.f32 $1.000000000e+00, v14;
	v11 =	vsel vm0, v11, v13;
	v21 =	vld.idx.msk [tilespmem:v3+s4+$0x0 ss:$0x1], $0xffff  }
0xa0: {  	v24 =	vsub.f32 $1.000000000e+00, v16;
	v11 =	vshrl.u32 v11, $0xF;
	v23 =	vld.idx.msk [tilespmem:v3+s25+$0x0 ss:$0x1], $0xffff  }
0xa1: {  	v26 =	vsub.f32 $1.000000000e+00, v19;
	v25 =	vld.idx.msk [tilespmem:v3+s29+$0x0 ss:$0x1], $0xffff  }
0xa2: {  	v28 =	vsub.f32 $1.000000000e+00, v20;
	v27 =	vld.idx.msk [tilespmem:v3+s30+$0x0 ss:$0x1], $0xffff  }
0xa3: {  	v15 =	vsub.f32 $1.000000000e+00, v9;
	v29 =	vld.idx.msk [tilespmem:v3+s31+$0x0 ss:$0x1], $0xffff  }
0xa4: {  	v12 =	vsub.f32 $1.000000000e+00, v8;
	v13 =	vld.idx.msk [tilespmem:v3+s10+$0x0 ss:$0x1], $0xffff  }
.Ltmp1:
0xa5: {  	vm0 =	veq.f32 v21, $1.000000000e+00;
	[tilespmem:v11+s3+$0x0] =	vst.idx.add.s32.msk $0xffff, v1;
	(pc) =	sbr.rel @p1 .LBB2_5-.Ltmp1, $4  }
0xa6: {  	v14 =	vsel vm0, v14, v22;
	vm0 =	veq.f32 v23, $1.000000000e+00;
	v11 =	vld.idx.msk [tilespmem:v3+s0+$0x0 ss:$0x1], $0xffff  }
0xa7: {  	v14 =	vshrl.u32 v14, $0xF;
	v16 =	vsel vm0, v16, v24;
	vm0 =	veq.f32 v25, $1.000000000e+00;
	[tilespmem:v10+s3+$0x0] =	vst.idx.add.s32.msk $0xffff, v1  }
0xa8: {  	v16 =	vshrl.u32 v16, $0xF;
	v10 =	vsel vm0, v19, v26;
	vm0 =	veq.f32 v27, $1.000000000e+00;
	[tilespmem:v17+s3+$0x0] =	vst.idx.add.s32.msk $0xffff, v1  }
0xa9: {  	v10 =	vshrl.u32 v10, $0xF;
	v17 =	vsel vm0, v20, v28;
	vm0 =	veq.f32 v29, $1.000000000e+00;
	[tilespmem:v18+s3+$0x0] =	vst.idx.add.s32.msk $0xffff, v1  }
0xaa: {  	_ =	sdelay $0x3  }
0xab: {  	v2 =	vshrl.u32 v17, $0xF;
	v3 =	vsel vm0, v9, v15;
	vm14 =	veq.f32 v13, $1.000000000e+00;
	[tilespmem:v5+s3+$0x0] =	vst.idx.add.s32.msk $0xffff, v1  }
0xac: {  	[tilespmem:v7+s3+$0x0] =	vst.idx.add.s32.msk $0xffff, v1;
	v3 =	vshrl.u32 v3, $0xF;
	v62 =	vsel vm14, v8, v12;
	vm15 =	veq.f32 v11, $1.000000000e+00  }
0xad: {  	[tilespmem:v14+s3+$0x0] =	vst.idx.add.s32.msk $0xffff, v1;
	p1 =	sne.s32 s21, s20;
	v5 =	vshrl.u32 v62, $0xF;
	v4 =	vsel vm15, v4, v6  }
0xae: {  	[tilespmem:v16+s3+$0x0] =	vst.idx.add.s32.msk $0xffff, v1;
	s0 =	simm.s32 $0x1;
	s19 =	sadd.s32 $0x1, s19;
	p0 =	por p0, p1;
	v4 =	vshrl.u32 v4, $0xF  }
0xaf: {  	[tilespmem:v10+s3+$0x0] =	vst.idx.add.s32.msk $0xffff, v1;
	s0 =	simm.s32 @!p0 $0x0;
	p0 =	sne.s32 s19, $0x8  }
.Ltmp2:
0xb0: {  	[tilespmem:v2+s3+$0x0] =	vst.idx.add.s32.msk $0xffff, v1;
	(pc) =	sbr.rel @p0 .LBB2_4-.Ltmp2, $4  }
0xb1: {  	[tilespmem:v3+s3+$0x0] =	vst.idx.add.s32.msk $0xffff, v1  }
0xb2: {  	[tilespmem:v5+s3+$0x0] =	vst.idx.add.s32.msk $0xffff, v1  }
0xb3: {  	s17 =	sadd.s32 s17, s26;
	s21 =	smov.u32 s20;
	[tilespmem:v4+s3+$0x0] =	vst.idx.add.s32.msk $0xffff, v1  }
0xb4: {  	s18 =	sadd.s32 s0, s18;
	s16 =	sadd.s32 s0, s16;
	_ =	strace $0x9000004D  }
0xb5: {  	s13 =	sadd.s32 $0x1, s13  }
0xb6: {  	p0 =	sne.s32 s13, s9  }
.Ltmp3:
0xb7: {  	_ = 	snop;
	(pc) =	sbr.rel @p0 .LBB2_1-.Ltmp3, $4  }
0xb8: {  	[hbm4b:s8+s3] =	stream.linear.scatter [tilespmem:s3], [sflag:$0x1], $0x10000, $0x38;
	v63 =	vld [tilespmem:$0x0]  }
0xb9: {  	_ =	swait.ge [sflag:s12], $0x10000  }
0xba: {  	[sflag:s12] =	ssyncset.done $0x0  }
0xbb: {  	[sflag:s12] =	ssyncadd.s32 $0xFFFF0000  }
0xbc: {  	_ =	sfence.sel $0x180000  }
0xbd: {  	[bflag:$0x0] =	sbarrier.arrive $0xFFFF  }
0xbe: {  	_ =	strace $0x90000047  }
0xbf: {  	s0 =	stileid.u32;
	[bflag:$0x2] =	sbarrier.arrive $0xFFFF  }
0xc0: {  	p0 =	sne.s32 s0, $0x0;
	s0 =	rddreg [dreg:$0x3]  }
0xc1: {  	s0 =	sadd.s32 @!p0 $0x100000, s0  }
0xc2: {  	[sflag:s0] =	ssyncadd.tile.s32 @!p0 $0x1;
	_ =	shalt  }
.Lfunc_end2:
_tile_overlayer_lowered:
.L_overlay_start_2:
0xc3: {  	(tag) =	ssettag $0x2  }
0xc4: {  	s0 =	rddreg [dreg:$0x0];
	s2 =	stileid.u32  }
0xc5: {  	s1 =	rddreg [dreg:$0x1];
	p0 =	sne.s32 s2, $0x0  }
0xc6: {  	s3 =	rddreg [dreg:$0x2];
	[bflag:$0x3] =	sbarrier.arrive $0xFFFF;
	s2 =	simm.s32 @!p0 $0x1C01  }
0xc7: {  	[timem:s3], [sflag:s2] =	dma.local @!p0 [hbm:s0], s1  }
0xc8: {  	s0 =	simm.s32 @!p0 $0x1  }
0xc9: {  	_ =	swait.ge @!p0 [sflag:s0], s1  }
0xca: {  	s1 =	ssub.s32 @!p0 $0x0, s1;
	[sflag:s0] =	ssyncset.done @!p0 $0x0  }
0xcb: {  	[sflag:s0] =	ssyncadd.s32 @!p0 s1  }
0xcc: {  	[bflag:$0x3] =	sbarrier.arrive $0xFFFF  }
0xcd: {  	_ =	shalt  }

</sc_bundles>
